<compile_context>
chip_gen: v7x
topology: tpu7x:2x2x1
jax: 0.10.2.dev20260603
libtpu: 0.0.44.dev20260713+nightly
codegen_flags: <defaults>
</compile_context>

<pallas_src>
import functools

import jax
import jax.numpy as jnp
from jax import lax
from jax.experimental import pallas as pl
from jax.experimental.pallas import tpu as pltpu
from jax.experimental.pallas import tpu_sc as plsc

B = 16384
D = 32
L = 16
NC = 2
NS = 16
NW = NC * NS
BPW = B // NW
N_ROWS = 1000000
TR = 4
WR = 8
NSLOT = 64
FW = 8
NB = BPW // NSLOT

_mesh = plsc.VectorSubcoreMesh(core_axis_name="c", subcore_axis_name="s")


@functools.partial(
    pl.kernel,
    mesh=_mesh,
    out_type=jax.ShapeDtypeStruct((B,), jnp.float32),
    compiler_params=pltpu.CompilerParams(
        needs_layout_passes=False, use_tc_tiling_on_sc=True),
    scratch_types=[
        pltpu.VMEM((BPW + L,), jnp.int32),
        pltpu.VMEM((BPW + L,), jnp.int32),
        pltpu.VMEM((TR, WR, FW * NSLOT), jnp.float32),
        pltpu.VMEM((TR, WR, FW * NSLOT), jnp.float32),
        pltpu.VMEM((BPW,), jnp.float32),
        pltpu.SemaphoreType.DMA,
    ],
)
def _sc_dot(users_hbm, items_hbm, uq_hbm, iq_hbm, out_hbm,
            uidx_v, iidx_v, u_scr, i_scr, out_v, sem):
    wid = lax.axis_index("s") * NC + lax.axis_index("c")

    pltpu.sync_copy(users_hbm.at[wid], uidx_v.at[pl.ds(0, BPW)])
    pltpu.sync_copy(items_hbm.at[wid], iidx_v.at[pl.ds(0, BPW)])

    lanes = lax.iota(jnp.int32, L)

    def batch_body(b, carry):
        def issue_body(s, carry2):
            iu = uidx_v[pl.ds(b * NSLOT + s, L)][0]
            ii = iidx_v[pl.ds(b * NSLOT + s, L)][0]
            src_u = pl.multiple_of(iu & -FW, 128)
            src_i = pl.multiple_of(ii & -FW, 128)
            dst_o = pl.multiple_of(s * FW, 128)
            pltpu.make_async_copy(
                uq_hbm.at[:, :, pl.ds(src_u, FW)],
                u_scr.at[:, :, pl.ds(dst_o, FW)], sem).start()
            pltpu.make_async_copy(
                iq_hbm.at[:, :, pl.ds(src_i, FW)],
                i_scr.at[:, :, pl.ds(dst_o, FW)], sem).start()
            return carry2

        lax.fori_loop(0, NSLOT, issue_body, 0)

        def drain_body(s, carry2):
            pltpu.make_async_copy(
                uq_hbm.at[:, :, pl.ds(0, FW)],
                u_scr.at[:, :, pl.ds(0, FW)], sem).wait()
            pltpu.make_async_copy(
                iq_hbm.at[:, :, pl.ds(0, FW)],
                i_scr.at[:, :, pl.ds(0, FW)], sem).wait()
            return carry2

        lax.fori_loop(0, NSLOT, drain_body, 0)

        for g in range(NSLOT // L):
            uvec = uidx_v[pl.ds(b * NSLOT + g * L, L)]
            ivec = iidx_v[pl.ds(b * NSLOT + g * L, L)]
            lane_u = (g * L + lanes) * FW + (uvec & (FW - 1))
            lane_i = (g * L + lanes) * FW + (ivec & (FW - 1))
            acc = jnp.zeros((L,), jnp.float32)
            for tr in range(TR):
                trv = jnp.full((L,), tr, jnp.int32)
                for wr in range(WR):
                    wrv = jnp.full((L,), wr, jnp.int32)
                    u = plsc.load_gather(u_scr, [trv, wrv, lane_u])
                    v = plsc.load_gather(i_scr, [trv, wrv, lane_i])
                    acc = acc + u * v
            out_v[pl.ds(b * NSLOT + g * L, L)] = acc
        return carry

    lax.fori_loop(0, NB, batch_body, 0)

    pltpu.sync_copy(out_v, out_hbm.at[pl.ds(wid * BPW, BPW)])


def kernel(data, user_factors, item_factors):
    users = data[:, 0].astype(jnp.int32).reshape(NW, BPW)
    items = data[:, 1].astype(jnp.int32).reshape(NW, BPW)
    uq = user_factors.T.reshape(TR, WR, N_ROWS)
    iq = item_factors.T.reshape(TR, WR, N_ROWS)
    return _sc_dot(users, items, uq, iq)

# --- scband reference (transcript-rebuilt; emitter-appended) ---
"""Pipeline reference for scband-matrix-factorization-6519760355911 (READ-ONLY COPY).

The authoritative reference and input builder live on the scoring server;
editing this copy changes nothing except your own understanding.
"""

import jax, jax.numpy as jnp
import numpy as np

N_USERS = 1000000
N_ITEMS = 1000000
N_FACTORS = 32
BATCH = 16384

def setup_inputs(seed: int = 0) -> dict:
    key = jax.random.key(seed)
    k1, k2, k3 = jax.random.split(key, 3)
    data = jax.random.randint(k1, (BATCH, 2), 0, N_USERS, dtype=jnp.int64)
    user_factors = jax.random.uniform(k2, (N_USERS, N_FACTORS), dtype=jnp.float32, minval=0.0, maxval=0.05)
    item_factors = jax.random.uniform(k3, (N_ITEMS, N_FACTORS), dtype=jnp.float32, minval=0.0, maxval=0.05)
    return {"data": data, "user_factors": user_factors, "item_factors": item_factors}

def reference(data, user_factors, item_factors):
    users = data[:, 0]
    items = data[:, 1]
    u = jnp.take(user_factors, users, axis=0)
    v = jnp.take(item_factors, items, axis=0)
    return (u * v).sum(1)

if __name__ == "__main__":
    import jax
    _d = setup_inputs()
    print(jax.jit(kernel)(*tuple(_d.values())))

</pallas_src>

<mosaic_0001>
#map = affine_map<(d0, d1) -> (0, 0)>
#map1 = affine_map<(d0, d1) -> (0, 0, 0)>
#map2 = affine_map<(d0, d1) -> (0)>
module attributes {stable_mosaic.version = 14 : i64} {
  func.func @_sc_dot(%arg0: i32, %arg1: i32, %arg2: memref<32x512xi32, #tpu.memory_space<hbm>>, %arg3: memref<32x512xi32, #tpu.memory_space<hbm>>, %arg4: memref<4x8x1000000xf32, #tpu.memory_space<hbm>>, %arg5: memref<4x8x1000000xf32, #tpu.memory_space<hbm>>, %arg6: memref<16384xf32, #tpu.memory_space<hbm>>, %arg7: memref<528xi32, #tpu.memory_space<vmem>>, %arg8: memref<528xi32, #tpu.memory_space<vmem>>, %arg9: memref<4x8x512xf32, #tpu.memory_space<vmem>>, %arg10: memref<4x8x512xf32, #tpu.memory_space<vmem>>, %arg11: memref<512xf32, #tpu.memory_space<vmem>>, %arg12: memref<!tpu.dma_semaphore, #tpu.memory_space<semaphore_mem>>) attributes {dimension_semantics = [#tpu.dimension_semantics<core_parallel>, #tpu.dimension_semantics<subcore_parallel>], iteration_bounds = array<i64: 2, 16>, scalar_prefetch = 0 : i64, scratch_operands = 6 : i64, tpu.core_type = #tpu.core_type<sc_vector_subcore>, window_params = [{transform_indices = #map}, {transform_indices = #map}, {transform_indices = #map1}, {transform_indices = #map1}, {transform_indices = #map2}]} {
    %mul3A = arith.constant 2 : i32
    %mul3A_0 = arith.muli %arg1, %mul3A : i32
    %add3A = arith.addi %mul3A_0, %arg0 : i32
    "tpu.region"() ({
      %run_scoped3A = tpu.sem_alloc : memref<!tpu.dma_semaphore, #tpu.memory_space<semaphore_mem>>
      %dma_start3A = arith.constant 0 : i32
      %dma_start3A_8 = tpu.memref_slice %arg7[%dma_start3A] : memref<528xi32, #tpu.memory_space<vmem>> -> memref<512xi32, #tpu.memory_space<vmem>>
      %dma_start3A_9 = arith.constant 0 : i32
      %dma_start3A_10 = tpu.memref_slice %arg2[%add3A, %dma_start3A_9] : memref<32x512xi32, #tpu.memory_space<hbm>> -> memref<1x512xi32, #tpu.memory_space<hbm>>
      %dma_start3A_11 = tpu.memref_squeeze %dma_start3A_10 : memref<1x512xi32, #tpu.memory_space<hbm>> -> memref<512xi32, #tpu.memory_space<hbm>>
      %dma_start3A_12 = arith.constant 0 : i32
      %dma_start3A_13 = tpu.memref_slice %arg7[%dma_start3A_12] : memref<528xi32, #tpu.memory_space<vmem>> -> memref<512xi32, #tpu.memory_space<vmem>>
      %dma_start3A_14 = arith.constant 0 : i32
      %dma_start3A_15 = tpu.memref_slice %arg2[%add3A, %dma_start3A_14] : memref<32x512xi32, #tpu.memory_space<hbm>> -> memref<1x512xi32, #tpu.memory_space<hbm>>
      %dma_start3A_16 = tpu.memref_squeeze %dma_start3A_15 : memref<1x512xi32, #tpu.memory_space<hbm>> -> memref<512xi32, #tpu.memory_space<hbm>>
      tpu.enqueue_dma source(%dma_start3A_16 : memref<512xi32, #tpu.memory_space<hbm>>) target(%dma_start3A_13 : memref<512xi32, #tpu.memory_space<vmem>>) target_semaphore(%run_scoped3A : memref<!tpu.dma_semaphore, #tpu.memory_space<semaphore_mem>>)
      %dma_wait3A = arith.constant 0 : i32
      %dma_wait3A_17 = tpu.memref_slice %arg7[%dma_wait3A] : memref<528xi32, #tpu.memory_space<vmem>> -> memref<512xi32, #tpu.memory_space<vmem>>
      %dma_wait3A_18 = arith.constant 0 : i32
      %dma_wait3A_19 = tpu.memref_slice %arg2[%add3A, %dma_wait3A_18] : memref<32x512xi32, #tpu.memory_space<hbm>> -> memref<1x512xi32, #tpu.memory_space<hbm>>
      %dma_wait3A_20 = tpu.memref_squeeze %dma_wait3A_19 : memref<1x512xi32, #tpu.memory_space<hbm>> -> memref<512xi32, #tpu.memory_space<hbm>>
      %dma_wait3A_21 = arith.constant 0 : i32
      %dma_wait3A_22 = tpu.memref_slice %arg7[%dma_wait3A_21] : memref<528xi32, #tpu.memory_space<vmem>> -> memref<512xi32, #tpu.memory_space<vmem>>
      %dma_wait3A_23 = arith.constant 0 : i32
      %dma_wait3A_24 = tpu.memref_slice %arg2[%add3A, %dma_wait3A_23] : memref<32x512xi32, #tpu.memory_space<hbm>> -> memref<1x512xi32, #tpu.memory_space<hbm>>
      %dma_wait3A_25 = tpu.memref_squeeze %dma_wait3A_24 : memref<1x512xi32, #tpu.memory_space<hbm>> -> memref<512xi32, #tpu.memory_space<hbm>>
      tpu.wait_dma2 semaphore(%run_scoped3A : memref<!tpu.dma_semaphore, #tpu.memory_space<semaphore_mem>>) src(%dma_wait3A_25 : memref<512xi32, #tpu.memory_space<hbm>>) dst(%dma_wait3A_22 : memref<512xi32, #tpu.memory_space<vmem>>)
      tpu.yield
    }) : () -> ()
    "tpu.region"() ({
      %run_scoped3A = tpu.sem_alloc : memref<!tpu.dma_semaphore, #tpu.memory_space<semaphore_mem>>
      %dma_start3A = arith.constant 0 : i32
      %dma_start3A_8 = tpu.memref_slice %arg8[%dma_start3A] : memref<528xi32, #tpu.memory_space<vmem>> -> memref<512xi32, #tpu.memory_space<vmem>>
      %dma_start3A_9 = arith.constant 0 : i32
      %dma_start3A_10 = tpu.memref_slice %arg3[%add3A, %dma_start3A_9] : memref<32x512xi32, #tpu.memory_space<hbm>> -> memref<1x512xi32, #tpu.memory_space<hbm>>
      %dma_start3A_11 = tpu.memref_squeeze %dma_start3A_10 : memref<1x512xi32, #tpu.memory_space<hbm>> -> memref<512xi32, #tpu.memory_space<hbm>>
      %dma_start3A_12 = arith.constant 0 : i32
      %dma_start3A_13 = tpu.memref_slice %arg8[%dma_start3A_12] : memref<528xi32, #tpu.memory_space<vmem>> -> memref<512xi32, #tpu.memory_space<vmem>>
      %dma_start3A_14 = arith.constant 0 : i32
      %dma_start3A_15 = tpu.memref_slice %arg3[%add3A, %dma_start3A_14] : memref<32x512xi32, #tpu.memory_space<hbm>> -> memref<1x512xi32, #tpu.memory_space<hbm>>
      %dma_start3A_16 = tpu.memref_squeeze %dma_start3A_15 : memref<1x512xi32, #tpu.memory_space<hbm>> -> memref<512xi32, #tpu.memory_space<hbm>>
      tpu.enqueue_dma source(%dma_start3A_16 : memref<512xi32, #tpu.memory_space<hbm>>) target(%dma_start3A_13 : memref<512xi32, #tpu.memory_space<vmem>>) target_semaphore(%run_scoped3A : memref<!tpu.dma_semaphore, #tpu.memory_space<semaphore_mem>>)
      %dma_wait3A = arith.constant 0 : i32
      %dma_wait3A_17 = tpu.memref_slice %arg8[%dma_wait3A] : memref<528xi32, #tpu.memory_space<vmem>> -> memref<512xi32, #tpu.memory_space<vmem>>
      %dma_wait3A_18 = arith.constant 0 : i32
      %dma_wait3A_19 = tpu.memref_slice %arg3[%add3A, %dma_wait3A_18] : memref<32x512xi32, #tpu.memory_space<hbm>> -> memref<1x512xi32, #tpu.memory_space<hbm>>
      %dma_wait3A_20 = tpu.memref_squeeze %dma_wait3A_19 : memref<1x512xi32, #tpu.memory_space<hbm>> -> memref<512xi32, #tpu.memory_space<hbm>>
      %dma_wait3A_21 = arith.constant 0 : i32
      %dma_wait3A_22 = tpu.memref_slice %arg8[%dma_wait3A_21] : memref<528xi32, #tpu.memory_space<vmem>> -> memref<512xi32, #tpu.memory_space<vmem>>
      %dma_wait3A_23 = arith.constant 0 : i32
      %dma_wait3A_24 = tpu.memref_slice %arg3[%add3A, %dma_wait3A_23] : memref<32x512xi32, #tpu.memory_space<hbm>> -> memref<1x512xi32, #tpu.memory_space<hbm>>
      %dma_wait3A_25 = tpu.memref_squeeze %dma_wait3A_24 : memref<1x512xi32, #tpu.memory_space<hbm>> -> memref<512xi32, #tpu.memory_space<hbm>>
      tpu.wait_dma2 semaphore(%run_scoped3A : memref<!tpu.dma_semaphore, #tpu.memory_space<semaphore_mem>>) src(%dma_wait3A_25 : memref<512xi32, #tpu.memory_space<hbm>>) dst(%dma_wait3A_22 : memref<512xi32, #tpu.memory_space<vmem>>)
      tpu.yield
    }) : () -> ()
    %iota3A = tpu.iota {dimensions = array<i32: 0>} : vector<16xi32>
    %scan3A = arith.constant 0 : i32
    %scan3A_1 = arith.constant 0 : i32
    %scan3A_2 = arith.constant 8 : i32
    %scan3A_3 = arith.addi %scan3A_1, %scan3A_2 : i32
    %scan3A_4 = arith.constant 1 : i32
    scf.for %scan3A_8 = %scan3A_1 to %scan3A_3 step %scan3A_4  : i32 {
      %scan3A_9 = arith.constant 0 : i32
      %scan3A_10 = arith.constant 0 : i32
      %scan3A_11 = arith.constant 64 : i32
      %scan3A_12 = arith.addi %scan3A_10, %scan3A_11 : i32
      %scan3A_13 = arith.constant 1 : i32
      scf.for %scan3A_976 = %scan3A_10 to %scan3A_12 step %scan3A_13  : i32 {
        %mul3A_977 = arith.constant 64 : i32
        %mul3A_978 = arith.muli %scan3A_8, %mul3A_977 : i32
        %add3A_979 = arith.addi %mul3A_978, %scan3A_976 : i32
        %get3A_980 = arith.index_cast %add3A_979 : i32 to index
        %get3A_981 = tpu.vector_load %arg7[%get3A_980] {strides = array<i32>} : memref<528xi32, #tpu.memory_space<vmem>>, vector<16xi32>,
        %slice3A = vector.extract_strided_slice %get3A_981 {offsets = [0], sizes = [1], strides = [1]} : vector<16xi32> to vector<1xi32>
        %squeeze3A = vector.extract %slice3A[0] : i32 from vector<1xi32>
        %mul3A_982 = arith.constant 64 : i32
        %mul3A_983 = arith.muli %scan3A_8, %mul3A_982 : i32
        %add3A_984 = arith.addi %mul3A_983, %scan3A_976 : i32
        %get3A_985 = arith.index_cast %add3A_984 : i32 to index
        %get3A_986 = tpu.vector_load %arg8[%get3A_985] {strides = array<i32>} : memref<528xi32, #tpu.memory_space<vmem>>, vector<16xi32>,
        %slice3A_987 = vector.extract_strided_slice %get3A_986 {offsets = [0], sizes = [1], strides = [1]} : vector<16xi32> to vector<1xi32>
        %squeeze3A_988 = vector.extract %slice3A_987[0] : i32 from vector<1xi32>
        %and3A_989 = arith.constant -8 : i32
        %and3A_990 = arith.andi %squeeze3A, %and3A_989 : i32
        %multiple_of3A = tpu.assume_multiple %and3A_990, 128 : i32
        %and3A_991 = arith.constant -8 : i32
        %and3A_992 = arith.andi %squeeze3A_988, %and3A_991 : i32
        %multiple_of3A_993 = tpu.assume_multiple %and3A_992, 128 : i32
        %mul3A_994 = arith.constant 8 : i32
        %mul3A_995 = arith.muli %scan3A_976, %mul3A_994 : i32
        %multiple_of3A_996 = tpu.assume_multiple %mul3A_995, 128 : i32
        %dma_start3A = arith.constant 0 : i32
        %dma_start3A_997 = arith.constant 0 : i32
        %dma_start3A_998 = tpu.memref_slice %arg9[%dma_start3A, %dma_start3A_997, %multiple_of3A_996] : memref<4x8x512xf32, #tpu.memory_space<vmem>> -> memref<4x8x8xf32, #tpu.memory_space<vmem>>
        %dma_start3A_999 = arith.constant 0 : i32
        %dma_start3A_1000 = arith.constant 0 : i32
        %dma_start3A_1001 = tpu.memref_slice %arg4[%dma_start3A_999, %dma_start3A_1000, %multiple_of3A] : memref<4x8x1000000xf32, #tpu.memory_space<hbm>> -> memref<4x8x8xf32, #tpu.memory_space<hbm>>
        %dma_start3A_1002 = arith.constant 0 : i32
        %dma_start3A_1003 = arith.constant 0 : i32
        %dma_start3A_1004 = tpu.memref_slice %arg9[%dma_start3A_1002, %dma_start3A_1003, %multiple_of3A_996] : memref<4x8x512xf32, #tpu.memory_space<vmem>> -> memref<4x8x8xf32, #tpu.memory_space<vmem>>
        %dma_start3A_1005 = arith.constant 0 : i32
        %dma_start3A_1006 = arith.constant 0 : i32
        %dma_start3A_1007 = tpu.memref_slice %arg4[%dma_start3A_1005, %dma_start3A_1006, %multiple_of3A] : memref<4x8x1000000xf32, #tpu.memory_space<hbm>> -> memref<4x8x8xf32, #tpu.memory_space<hbm>>
        tpu.enqueue_dma source(%dma_start3A_1007 : memref<4x8x8xf32, #tpu.memory_space<hbm>>) target(%dma_start3A_1004 : memref<4x8x8xf32, #tpu.memory_space<vmem>>) target_semaphore(%arg12 : memref<!tpu.dma_semaphore, #tpu.memory_space<semaphore_mem>>)
        %dma_start3A_1008 = arith.constant 0 : i32
        %dma_start3A_1009 = arith.constant 0 : i32
        %dma_start3A_1010 = tpu.memref_slice %arg10[%dma_start3A_1008, %dma_start3A_1009, %multiple_of3A_996] : memref<4x8x512xf32, #tpu.memory_space<vmem>> -> memref<4x8x8xf32, #tpu.memory_space<vmem>>
        %dma_start3A_1011 = arith.constant 0 : i32
        %dma_start3A_1012 = arith.constant 0 : i32
        %dma_start3A_1013 = tpu.memref_slice %arg5[%dma_start3A_1011, %dma_start3A_1012, %multiple_of3A_993] : memref<4x8x1000000xf32, #tpu.memory_space<hbm>> -> memref<4x8x8xf32, #tpu.memory_space<hbm>>
        %dma_start3A_1014 = arith.constant 0 : i32
        %dma_start3A_1015 = arith.constant 0 : i32
        %dma_start3A_1016 = tpu.memref_slice %arg10[%dma_start3A_1014, %dma_start3A_1015, %multiple_of3A_996] : memref<4x8x512xf32, #tpu.memory_space<vmem>> -> memref<4x8x8xf32, #tpu.memory_space<vmem>>
        %dma_start3A_1017 = arith.constant 0 : i32
        %dma_start3A_1018 = arith.constant 0 : i32
        %dma_start3A_1019 = tpu.memref_slice %arg5[%dma_start3A_1017, %dma_start3A_1018, %multiple_of3A_993] : memref<4x8x1000000xf32, #tpu.memory_space<hbm>> -> memref<4x8x8xf32, #tpu.memory_space<hbm>>
        tpu.enqueue_dma source(%dma_start3A_1019 : memref<4x8x8xf32, #tpu.memory_space<hbm>>) target(%dma_start3A_1016 : memref<4x8x8xf32, #tpu.memory_space<vmem>>) target_semaphore(%arg12 : memref<!tpu.dma_semaphore, #tpu.memory_space<semaphore_mem>>)
      }
      %scan3A_14 = arith.constant 64 : i32
      %scan3A_15 = arith.constant 0 : i32
      %scan3A_16 = arith.constant 0 : i32
      %scan3A_17 = arith.constant 64 : i32
      %scan3A_18 = arith.addi %scan3A_16, %scan3A_17 : i32
      %scan3A_19 = arith.constant 1 : i32
      scf.for %scan3A_976 = %scan3A_16 to %scan3A_18 step %scan3A_19  : i32 {
        %dma_wait3A = arith.constant 0 : i32
        %dma_wait3A_977 = arith.constant 0 : i32
        %dma_wait3A_978 = arith.constant 0 : i32
        %dma_wait3A_979 = tpu.memref_slice %arg9[%dma_wait3A, %dma_wait3A_977, %dma_wait3A_978] : memref<4x8x512xf32, #tpu.memory_space<vmem>> -> memref<4x8x8xf32, #tpu.memory_space<vmem>>
        %dma_wait3A_980 = arith.constant 0 : i32
        %dma_wait3A_981 = arith.constant 0 : i32
        %dma_wait3A_982 = arith.constant 0 : i32
        %dma_wait3A_983 = tpu.memref_slice %arg4[%dma_wait3A_980, %dma_wait3A_981, %dma_wait3A_982] : memref<4x8x1000000xf32, #tpu.memory_space<hbm>> -> memref<4x8x8xf32, #tpu.memory_space<hbm>>
        %dma_wait3A_984 = arith.constant 0 : i32
        %dma_wait3A_985 = arith.constant 0 : i32
        %dma_wait3A_986 = arith.constant 0 : i32
        %dma_wait3A_987 = tpu.memref_slice %arg9[%dma_wait3A_984, %dma_wait3A_985, %dma_wait3A_986] : memref<4x8x512xf32, #tpu.memory_space<vmem>> -> memref<4x8x8xf32, #tpu.memory_space<vmem>>
        %dma_wait3A_988 = arith.constant 0 : i32
        %dma_wait3A_989 = arith.constant 0 : i32
        %dma_wait3A_990 = arith.constant 0 : i32
        %dma_wait3A_991 = tpu.memref_slice %arg4[%dma_wait3A_988, %dma_wait3A_989, %dma_wait3A_990] : memref<4x8x1000000xf32, #tpu.memory_space<hbm>> -> memref<4x8x8xf32, #tpu.memory_space<hbm>>
        tpu.wait_dma2 semaphore(%arg12 : memref<!tpu.dma_semaphore, #tpu.memory_space<semaphore_mem>>) src(%dma_wait3A_991 : memref<4x8x8xf32, #tpu.memory_space<hbm>>) dst(%dma_wait3A_987 : memref<4x8x8xf32, #tpu.memory_space<vmem>>)
        %dma_wait3A_992 = arith.constant 0 : i32
        %dma_wait3A_993 = arith.constant 0 : i32
        %dma_wait3A_994 = arith.constant 0 : i32
        %dma_wait3A_995 = tpu.memref_slice %arg10[%dma_wait3A_992, %dma_wait3A_993, %dma_wait3A_994] : memref<4x8x512xf32, #tpu.memory_space<vmem>> -> memref<4x8x8xf32, #tpu.memory_space<vmem>>
        %dma_wait3A_996 = arith.constant 0 : i32
        %dma_wait3A_997 = arith.constant 0 : i32
        %dma_wait3A_998 = arith.constant 0 : i32
        %dma_wait3A_999 = tpu.memref_slice %arg5[%dma_wait3A_996, %dma_wait3A_997, %dma_wait3A_998] : memref<4x8x1000000xf32, #tpu.memory_space<hbm>> -> memref<4x8x8xf32, #tpu.memory_space<hbm>>
        %dma_wait3A_1000 = arith.constant 0 : i32
        %dma_wait3A_1001 = arith.constant 0 : i32
        %dma_wait3A_1002 = arith.constant 0 : i32
        %dma_wait3A_1003 = tpu.memref_slice %arg10[%dma_wait3A_1000, %dma_wait3A_1001, %dma_wait3A_1002] : memref<4x8x512xf32, #tpu.memory_space<vmem>> -> memref<4x8x8xf32, #tpu.memory_space<vmem>>
        %dma_wait3A_1004 = arith.constant 0 : i32
        %dma_wait3A_1005 = arith.constant 0 : i32
        %dma_wait3A_1006 = arith.constant 0 : i32
        %dma_wait3A_1007 = tpu.memref_slice %arg5[%dma_wait3A_1004, %dma_wait3A_1005, %dma_wait3A_1006] : memref<4x8x1000000xf32, #tpu.memory_space<hbm>> -> memref<4x8x8xf32, #tpu.memory_space<hbm>>
        tpu.wait_dma2 semaphore(%arg12 : memref<!tpu.dma_semaphore, #tpu.memory_space<semaphore_mem>>) src(%dma_wait3A_1007 : memref<4x8x8xf32, #tpu.memory_space<hbm>>) dst(%dma_wait3A_1003 : memref<4x8x8xf32, #tpu.memory_space<vmem>>)
      }
      %scan3A_20 = arith.constant 64 : i32
      %mul3A_21 = arith.constant 64 : i32
      %mul3A_22 = arith.muli %scan3A_8, %mul3A_21 : i32
      %add3A_23 = arith.constant 0 : i32
      %add3A_24 = arith.addi %mul3A_22, %add3A_23 : i32
      %get3A = arith.index_cast %add3A_24 : i32 to index
      %get3A_25 = tpu.vector_load %arg7[%get3A] {strides = array<i32>} : memref<528xi32, #tpu.memory_space<vmem>>, vector<16xi32>,
      %mul3A_26 = arith.constant 64 : i32
      %mul3A_27 = arith.muli %scan3A_8, %mul3A_26 : i32
      %add3A_28 = arith.constant 0 : i32
      %add3A_29 = arith.addi %mul3A_27, %add3A_28 : i32
      %get3A_30 = arith.index_cast %add3A_29 : i32 to index
      %get3A_31 = tpu.vector_load %arg8[%get3A_30] {strides = array<i32>} : memref<528xi32, #tpu.memory_space<vmem>>, vector<16xi32>,
      %add3A_32 = arith.constant 0 : i32
      %add3A_33 = vector.broadcast %add3A_32 : i32 to vector<16xi32>
      %add3A_34 = arith.addi %add3A_33, %iota3A : vector<16xi32>
      %mul3A_35 = arith.constant 8 : i32
      %mul3A_36 = vector.broadcast %mul3A_35 : i32 to vector<16xi32>
      %mul3A_37 = arith.muli %add3A_34, %mul3A_36 : vector<16xi32>
      %and3A = arith.constant 7 : i32
      %and3A_38 = vector.broadcast %and3A : i32 to vector<16xi32>
      %and3A_39 = arith.andi %get3A_25, %and3A_38 : vector<16xi32>
      %add3A_40 = arith.addi %mul3A_37, %and3A_39 : vector<16xi32>
      %add3A_41 = arith.constant 0 : i32
      %add3A_42 = vector.broadcast %add3A_41 : i32 to vector<16xi32>
      %add3A_43 = arith.addi %add3A_42, %iota3A : vector<16xi32>
      %mul3A_44 = arith.constant 8 : i32
      %mul3A_45 = vector.broadcast %mul3A_44 : i32 to vector<16xi32>
      %mul3A_46 = arith.muli %add3A_43, %mul3A_45 : vector<16xi32>
      %and3A_47 = arith.constant 7 : i32
      %and3A_48 = vector.broadcast %and3A_47 : i32 to vector<16xi32>
      %and3A_49 = arith.andi %get3A_31, %and3A_48 : vector<16xi32>
      %add3A_50 = arith.addi %mul3A_46, %and3A_49 : vector<16xi32>
      %broadcast_in_dim3A = arith.constant 0.000000e+00 : f32
      %broadcast_in_dim3A_51 = vector.broadcast %broadcast_in_dim3A : f32 to vector<16xf32>
      %broadcast_in_dim3A_52 = arith.constant 0 : i32
      %broadcast_in_dim3A_53 = vector.broadcast %broadcast_in_dim3A_52 : i32 to vector<16xi32>
      %broadcast_in_dim3A_54 = arith.constant 0 : i32
      %broadcast_in_dim3A_55 = vector.broadcast %broadcast_in_dim3A_54 : i32 to vector<16xi32>
      %gather3A = tpu.vector_load_idx %arg9[%broadcast_in_dim3A_53, %broadcast_in_dim3A_55, %add3A_40] : memref<4x8x512xf32, #tpu.memory_space<vmem>>[vector<16xi32>, vector<16xi32>, vector<16xi32>], vector<16xf32>,
      %gather3A_56 = tpu.vector_load_idx %arg10[%broadcast_in_dim3A_53, %broadcast_in_dim3A_55, %add3A_50] : memref<4x8x512xf32, #tpu.memory_space<vmem>>[vector<16xi32>, vector<16xi32>, vector<16xi32>], vector<16xf32>,
      %mul3A_57 = arith.mulf %gather3A, %gather3A_56 : vector<16xf32>
      %add3A_58 = arith.addf %broadcast_in_dim3A_51, %mul3A_57 : vector<16xf32>
      %broadcast_in_dim3A_59 = arith.constant 1 : i32
      %broadcast_in_dim3A_60 = vector.broadcast %broadcast_in_dim3A_59 : i32 to vector<16xi32>
      %gather3A_61 = tpu.vector_load_idx %arg9[%broadcast_in_dim3A_53, %broadcast_in_dim3A_60, %add3A_40] : memref<4x8x512xf32, #tpu.memory_space<vmem>>[vector<16xi32>, vector<16xi32>, vector<16xi32>], vector<16xf32>,
      %gather3A_62 = tpu.vector_load_idx %arg10[%broadcast_in_dim3A_53, %broadcast_in_dim3A_60, %add3A_50] : memref<4x8x512xf32, #tpu.memory_space<vmem>>[vector<16xi32>, vector<16xi32>, vector<16xi32>], vector<16xf32>,
      %mul3A_63 = arith.mulf %gather3A_61, %gather3A_62 : vector<16xf32>
      %add3A_64 = arith.addf %add3A_58, %mul3A_63 : vector<16xf32>
      %broadcast_in_dim3A_65 = arith.constant 2 : i32
      %broadcast_in_dim3A_66 = vector.broadcast %broadcast_in_dim3A_65 : i32 to vector<16xi32>
      %gather3A_67 = tpu.vector_load_idx %arg9[%broadcast_in_dim3A_53, %broadcast_in_dim3A_66, %add3A_40] : memref<4x8x512xf32, #tpu.memory_space<vmem>>[vector<16xi32>, vector<16xi32>, vector<16xi32>], vector<16xf32>,
      %gather3A_68 = tpu.vector_load_idx %arg10[%broadcast_in_dim3A_53, %broadcast_in_dim3A_66, %add3A_50] : memref<4x8x512xf32, #tpu.memory_space<vmem>>[vector<16xi32>, vector<16xi32>, vector<16xi32>], vector<16xf32>,
      %mul3A_69 = arith.mulf %gather3A_67, %gather3A_68 : vector<16xf32>
      %add3A_70 = arith.addf %add3A_64, %mul3A_69 : vector<16xf32>
      %broadcast_in_dim3A_71 = arith.constant 3 : i32
      %broadcast_in_dim3A_72 = vector.broadcast %broadcast_in_dim3A_71 : i32 to vector<16xi32>
      %gather3A_73 = tpu.vector_load_idx %arg9[%broadcast_in_dim3A_53, %broadcast_in_dim3A_72, %add3A_40] : memref<4x8x512xf32, #tpu.memory_space<vmem>>[vector<16xi32>, vector<16xi32>, vector<16xi32>], vector<16xf32>,
      %gather3A_74 = tpu.vector_load_idx %arg10[%broadcast_in_dim3A_53, %broadcast_in_dim3A_72, %add3A_50] : memref<4x8x512xf32, #tpu.memory_space<vmem>>[vector<16xi32>, vector<16xi32>, vector<16xi32>], vector<16xf32>,
      %mul3A_75 = arith.mulf %gather3A_73, %gather3A_74 : vector<16xf32>
      %add3A_76 = arith.addf %add3A_70, %mul3A_75 : vector<16xf32>
      %broadcast_in_dim3A_77 = arith.constant 4 : i32
      %broadcast_in_dim3A_78 = vector.broadcast %broadcast_in_dim3A_77 : i32 to vector<16xi32>
      %gather3A_79 = tpu.vector_load_idx %arg9[%broadcast_in_dim3A_53, %broadcast_in_dim3A_78, %add3A_40] : memref<4x8x512xf32, #tpu.memory_space<vmem>>[vector<16xi32>, vector<16xi32>, vector<16xi32>], vector<16xf32>,
      %gather3A_80 = tpu.vector_load_idx %arg10[%broadcast_in_dim3A_53, %broadcast_in_dim3A_78, %add3A_50] : memref<4x8x512xf32, #tpu.memory_space<vmem>>[vector<16xi32>, vector<16xi32>, vector<16xi32>], vector<16xf32>,
      %mul3A_81 = arith.mulf %gather3A_79, %gather3A_80 : vector<16xf32>
      %add3A_82 = arith.addf %add3A_76, %mul3A_81 : vector<16xf32>
      %broadcast_in_dim3A_83 = arith.constant 5 : i32
      %broadcast_in_dim3A_84 = vector.broadcast %broadcast_in_dim3A_83 : i32 to vector<16xi32>
      %gather3A_85 = tpu.vector_load_idx %arg9[%broadcast_in_dim3A_53, %broadcast_in_dim3A_84, %add3A_40] : memref<4x8x512xf32, #tpu.memory_space<vmem>>[vector<16xi32>, vector<16xi32>, vector<16xi32>], vector<16xf32>,
      %gather3A_86 = tpu.vector_load_idx %arg10[%broadcast_in_dim3A_53, %broadcast_in_dim3A_84, %add3A_50] : memref<4x8x512xf32, #tpu.memory_space<vmem>>[vector<16xi32>, vector<16xi32>, vector<16xi32>], vector<16xf32>,
      %mul3A_87 = arith.mulf %gather3A_85, %gather3A_86 : vector<16xf32>
      %add3A_88 = arith.addf %add3A_82, %mul3A_87 : vector<16xf32>
      %broadcast_in_dim3A_89 = arith.constant 6 : i32
      %broadcast_in_dim3A_90 = vector.broadcast %broadcast_in_dim3A_89 : i32 to vector<16xi32>
      %gather3A_91 = tpu.vector_load_idx %arg9[%broadcast_in_dim3A_53, %broadcast_in_dim3A_90, %add3A_40] : memref<4x8x512xf32, #tpu.memory_space<vmem>>[vector<16xi32>, vector<16xi32>, vector<16xi32>], vector<16xf32>,
      %gather3A_92 = tpu.vector_load_idx %arg10[%broadcast_in_dim3A_53, %broadcast_in_dim3A_90, %add3A_50] : memref<4x8x512xf32, #tpu.memory_space<vmem>>[vector<16xi32>, vector<16xi32>, vector<16xi32>], vector<16xf32>,
      %mul3A_93 = arith.mulf %gather3A_91, %gather3A_92 : vector<16xf32>
      %add3A_94 = arith.addf %add3A_88, %mul3A_93 : vector<16xf32>
      %broadcast_in_dim3A_95 = arith.constant 7 : i32
      %broadcast_in_dim3A_96 = vector.broadcast %broadcast_in_dim3A_95 : i32 to vector<16xi32>
      %gather3A_97 = tpu.vector_load_idx %arg9[%broadcast_in_dim3A_53, %broadcast_in_dim3A_96, %add3A_40] : memref<4x8x512xf32, #tpu.memory_space<vmem>>[vector<16xi32>, vector<16xi32>, vector<16xi32>], vector<16xf32>,
      %gather3A_98 = tpu.vector_load_idx %arg10[%broadcast_in_dim3A_53, %broadcast_in_dim3A_96, %add3A_50] : memref<4x8x512xf32, #tpu.memory_space<vmem>>[vector<16xi32>, vector<16xi32>, vector<16xi32>], vector<16xf32>,
      %mul3A_99 = arith.mulf %gather3A_97, %gather3A_98 : vector<16xf32>
      %add3A_100 = arith.addf %add3A_94, %mul3A_99 : vector<16xf32>
      %broadcast_in_dim3A_101 = arith.constant 1 : i32
      %broadcast_in_dim3A_102 = vector.broadcast %broadcast_in_dim3A_101 : i32 to vector<16xi32>
      %broadcast_in_dim3A_103 = arith.constant 0 : i32
      %broadcast_in_dim3A_104 = vector.broadcast %broadcast_in_dim3A_103 : i32 to vector<16xi32>
      %gather3A_105 = tpu.vector_load_idx %arg9[%broadcast_in_dim3A_102, %broadcast_in_dim3A_104, %add3A_40] : memref<4x8x512xf32, #tpu.memory_space<vmem>>[vector<16xi32>, vector<16xi32>, vector<16xi32>], vector<16xf32>,
      %gather3A_106 = tpu.vector_load_idx %arg10[%broadcast_in_dim3A_102, %broadcast_in_dim3A_104, %add3A_50] : memref<4x8x512xf32, #tpu.memory_space<vmem>>[vector<16xi32>, vector<16xi32>, vector<16xi32>], vector<16xf32>,
      %mul3A_107 = arith.mulf %gather3A_105, %gather3A_106 : vector<16xf32>
      %add3A_108 = arith.addf %add3A_100, %mul3A_107 : vector<16xf32>
      %broadcast_in_dim3A_109 = arith.constant 1 : i32
      %broadcast_in_dim3A_110 = vector.broadcast %broadcast_in_dim3A_109 : i32 to vector<16xi32>
      %gather3A_111 = tpu.vector_load_idx %arg9[%broadcast_in_dim3A_102, %broadcast_in_dim3A_110, %add3A_40] : memref<4x8x512xf32, #tpu.memory_space<vmem>>[vector<16xi32>, vector<16xi32>, vector<16xi32>], vector<16xf32>,
      %gather3A_112 = tpu.vector_load_idx %arg10[%broadcast_in_dim3A_102, %broadcast_in_dim3A_110, %add3A_50] : memref<4x8x512xf32, #tpu.memory_space<vmem>>[vector<16xi32>, vector<16xi32>, vector<16xi32>], vector<16xf32>,
      %mul3A_113 = arith.mulf %gather3A_111, %gather3A_112 : vector<16xf32>
      %add3A_114 = arith.addf %add3A_108, %mul3A_113 : vector<16xf32>
      %broadcast_in_dim3A_115 = arith.constant 2 : i32
      %broadcast_in_dim3A_116 = vector.broadcast %broadcast_in_dim3A_115 : i32 to vector<16xi32>
      %gather3A_117 = tpu.vector_load_idx %arg9[%broadcast_in_dim3A_102, %broadcast_in_dim3A_116, %add3A_40] : memref<4x8x512xf32, #tpu.memory_space<vmem>>[vector<16xi32>, vector<16xi32>, vector<16xi32>], vector<16xf32>,
      %gather3A_118 = tpu.vector_load_idx %arg10[%broadcast_in_dim3A_102, %broadcast_in_dim3A_116, %add3A_50] : memref<4x8x512xf32, #tpu.memory_space<vmem>>[vector<16xi32>, vector<16xi32>, vector<16xi32>], vector<16xf32>,
      %mul3A_119 = arith.mulf %gather3A_117, %gather3A_118 : vector<16xf32>
      %add3A_120 = arith.addf %add3A_114, %mul3A_119 : vector<16xf32>
      %broadcast_in_dim3A_121 = arith.constant 3 : i32
      %broadcast_in_dim3A_122 = vector.broadcast %broadcast_in_dim3A_121 : i32 to vector<16xi32>
      %gather3A_123 = tpu.vector_load_idx %arg9[%broadcast_in_dim3A_102, %broadcast_in_dim3A_122, %add3A_40] : memref<4x8x512xf32, #tpu.memory_space<vmem>>[vector<16xi32>, vector<16xi32>, vector<16xi32>], vector<16xf32>,
      %gather3A_124 = tpu.vector_load_idx %arg10[%broadcast_in_dim3A_102, %broadcast_in_dim3A_122, %add3A_50] : memref<4x8x512xf32, #tpu.memory_space<vmem>>[vector<16xi32>, vector<16xi32>, vector<16xi32>], vector<16xf32>,
      %mul3A_125 = arith.mulf %gather3A_123, %gather3A_124 : vector<16xf32>
      %add3A_126 = arith.addf %add3A_120, %mul3A_125 : vector<16xf32>
      %broadcast_in_dim3A_127 = arith.constant 4 : i32
      %broadcast_in_dim3A_128 = vector.broadcast %broadcast_in_dim3A_127 : i32 to vector<16xi32>
      %gather3A_129 = tpu.vector_load_idx %arg9[%broadcast_in_dim3A_102, %broadcast_in_dim3A_128, %add3A_40] : memref<4x8x512xf32, #tpu.memory_space<vmem>>[vector<16xi32>, vector<16xi32>, vector<16xi32>], vector<16xf32>,
      %gather3A_130 = tpu.vector_load_idx %arg10[%broadcast_in_dim3A_102, %broadcast_in_dim3A_128, %add3A_50] : memref<4x8x512xf32, #tpu.memory_space<vmem>>[vector<16xi32>, vector<16xi32>, vector<16xi32>], vector<16xf32>,
      %mul3A_131 = arith.mulf %gather3A_129, %gather3A_130 : vector<16xf32>
      %add3A_132 = arith.addf %add3A_126, %mul3A_131 : vector<16xf32>
      %broadcast_in_dim3A_133 = arith.constant 5 : i32
      %broadcast_in_dim3A_134 = vector.broadcast %broadcast_in_dim3A_133 : i32 to vector<16xi32>
      %gather3A_135 = tpu.vector_load_idx %arg9[%broadcast_in_dim3A_102, %broadcast_in_dim3A_134, %add3A_40] : memref<4x8x512xf32, #tpu.memory_space<vmem>>[vector<16xi32>, vector<16xi32>, vector<16xi32>], vector<16xf32>,
      %gather3A_136 = tpu.vector_load_idx %arg10[%broadcast_in_dim3A_102, %broadcast_in_dim3A_134, %add3A_50] : memref<4x8x512xf32, #tpu.memory_space<vmem>>[vector<16xi32>, vector<16xi32>, vector<16xi32>], vector<16xf32>,
      %mul3A_137 = arith.mulf %gather3A_135, %gather3A_136 : vector<16xf32>
      %add3A_138 = arith.addf %add3A_132, %mul3A_137 : vector<16xf32>
      %broadcast_in_dim3A_139 = arith.constant 6 : i32
      %broadcast_in_dim3A_140 = vector.broadcast %broadcast_in_dim3A_139 : i32 to vector<16xi32>
      %gather3A_141 = tpu.vector_load_idx %arg9[%broadcast_in_dim3A_102, %broadcast_in_dim3A_140, %add3A_40] : memref<4x8x512xf32, #tpu.memory_space<vmem>>[vector<16xi32>, vector<16xi32>, vector<16xi32>], vector<16xf32>,
      %gather3A_142 = tpu.vector_load_idx %arg10[%broadcast_in_dim3A_102, %broadcast_in_dim3A_140, %add3A_50] : memref<4x8x512xf32, #tpu.memory_space<vmem>>[vector<16xi32>, vector<16xi32>, vector<16xi32>], vector<16xf32>,
      %mul3A_143 = arith.mulf %gather3A_141, %gather3A_142 : vector<16xf32>
      %add3A_144 = arith.addf %add3A_138, %mul3A_143 : vector<16xf32>
      %broadcast_in_dim3A_145 = arith.constant 7 : i32
      %broadcast_in_dim3A_146 = vector.broadcast %broadcast_in_dim3A_145 : i32 to vector<16xi32>
      %gather3A_147 = tpu.vector_load_idx %arg9[%broadcast_in_dim3A_102, %broadcast_in_dim3A_146, %add3A_40] : memref<4x8x512xf32, #tpu.memory_space<vmem>>[vector<16xi32>, vector<16xi32>, vector<16xi32>], vector<16xf32>,
      %gather3A_148 = tpu.vector_load_idx %arg10[%broadcast_in_dim3A_102, %broadcast_in_dim3A_146, %add3A_50] : memref<4x8x512xf32, #tpu.memory_space<vmem>>[vector<16xi32>, vector<16xi32>, vector<16xi32>], vector<16xf32>,
      %mul3A_149 = arith.mulf %gather3A_147, %gather3A_148 : vector<16xf32>
      %add3A_150 = arith.addf %add3A_144, %mul3A_149 : vector<16xf32>
      %broadcast_in_dim3A_151 = arith.constant 2 : i32
      %broadcast_in_dim3A_152 = vector.broadcast %broadcast_in_dim3A_151 : i32 to vector<16xi32>
      %broadcast_in_dim3A_153 = arith.constant 0 : i32
      %broadcast_in_dim3A_154 = vector.broadcast %broadcast_in_dim3A_153 : i32 to vector<16xi32>
      %gather3A_155 = tpu.vector_load_idx %arg9[%broadcast_in_dim3A_152, %broadcast_in_dim3A_154, %add3A_40] : memref<4x8x512xf32, #tpu.memory_space<vmem>>[vector<16xi32>, vector<16xi32>, vector<16xi32>], vector<16xf32>,
      %gather3A_156 = tpu.vector_load_idx %arg10[%broadcast_in_dim3A_152, %broadcast_in_dim3A_154, %add3A_50] : memref<4x8x512xf32, #tpu.memory_space<vmem>>[vector<16xi32>, vector<16xi32>, vector<16xi32>], vector<16xf32>,
      %mul3A_157 = arith.mulf %gather3A_155, %gather3A_156 : vector<16xf32>
      %add3A_158 = arith.addf %add3A_150, %mul3A_157 : vector<16xf32>
      %broadcast_in_dim3A_159 = arith.constant 1 : i32
      %broadcast_in_dim3A_160 = vector.broadcast %broadcast_in_dim3A_159 : i32 to vector<16xi32>
      %gather3A_161 = tpu.vector_load_idx %arg9[%broadcast_in_dim3A_152, %broadcast_in_dim3A_160, %add3A_40] : memref<4x8x512xf32, #tpu.memory_space<vmem>>[vector<16xi32>, vector<16xi32>, vector<16xi32>], vector<16xf32>,
      %gather3A_162 = tpu.vector_load_idx %arg10[%broadcast_in_dim3A_152, %broadcast_in_dim3A_160, %add3A_50] : memref<4x8x512xf32, #tpu.memory_space<vmem>>[vector<16xi32>, vector<16xi32>, vector<16xi32>], vector<16xf32>,
      %mul3A_163 = arith.mulf %gather3A_161, %gather3A_162 : vector<16xf32>
      %add3A_164 = arith.addf %add3A_158, %mul3A_163 : vector<16xf32>
      %broadcast_in_dim3A_165 = arith.constant 2 : i32
      %broadcast_in_dim3A_166 = vector.broadcast %broadcast_in_dim3A_165 : i32 to vector<16xi32>
      %gather3A_167 = tpu.vector_load_idx %arg9[%broadcast_in_dim3A_152, %broadcast_in_dim3A_166, %add3A_40] : memref<4x8x512xf32, #tpu.memory_space<vmem>>[vector<16xi32>, vector<16xi32>, vector<16xi32>], vector<16xf32>,
      %gather3A_168 = tpu.vector_load_idx %arg10[%broadcast_in_dim3A_152, %broadcast_in_dim3A_166, %add3A_50] : memref<4x8x512xf32, #tpu.memory_space<vmem>>[vector<16xi32>, vector<16xi32>, vector<16xi32>], vector<16xf32>,
      %mul3A_169 = arith.mulf %gather3A_167, %gather3A_168 : vector<16xf32>
      %add3A_170 = arith.addf %add3A_164, %mul3A_169 : vector<16xf32>
      %broadcast_in_dim3A_171 = arith.constant 3 : i32
      %broadcast_in_dim3A_172 = vector.broadcast %broadcast_in_dim3A_171 : i32 to vector<16xi32>
      %gather3A_173 = tpu.vector_load_idx %arg9[%broadcast_in_dim3A_152, %broadcast_in_dim3A_172, %add3A_40] : memref<4x8x512xf32, #tpu.memory_space<vmem>>[vector<16xi32>, vector<16xi32>, vector<16xi32>], vector<16xf32>,
      %gather3A_174 = tpu.vector_load_idx %arg10[%broadcast_in_dim3A_152, %broadcast_in_dim3A_172, %add3A_50] : memref<4x8x512xf32, #tpu.memory_space<vmem>>[vector<16xi32>, vector<16xi32>, vector<16xi32>], vector<16xf32>,
      %mul3A_175 = arith.mulf %gather3A_173, %gather3A_174 : vector<16xf32>
      %add3A_176 = arith.addf %add3A_170, %mul3A_175 : vector<16xf32>
      %broadcast_in_dim3A_177 = arith.constant 4 : i32
      %broadcast_in_dim3A_178 = vector.broadcast %broadcast_in_dim3A_177 : i32 to vector<16xi32>
      %gather3A_179 = tpu.vector_load_idx %arg9[%broadcast_in_dim3A_152, %broadcast_in_dim3A_178, %add3A_40] : memref<4x8x512xf32, #tpu.memory_space<vmem>>[vector<16xi32>, vector<16xi32>, vector<16xi32>], vector<16xf32>,
      %gather3A_180 = tpu.vector_load_idx %arg10[%broadcast_in_dim3A_152, %broadcast_in_dim3A_178, %add3A_50] : memref<4x8x512xf32, #tpu.memory_space<vmem>>[vector<16xi32>, vector<16xi32>, vector<16xi32>], vector<16xf32>,
      %mul3A_181 = arith.mulf %gather3A_179, %gather3A_180 : vector<16xf32>
      %add3A_182 = arith.addf %add3A_176, %mul3A_181 : vector<16xf32>
      %broadcast_in_dim3A_183 = arith.constant 5 : i32
      %broadcast_in_dim3A_184 = vector.broadcast %broadcast_in_dim3A_183 : i32 to vector<16xi32>
      %gather3A_185 = tpu.vector_load_idx %arg9[%broadcast_in_dim3A_152, %broadcast_in_dim3A_184, %add3A_40] : memref<4x8x512xf32, #tpu.memory_space<vmem>>[vector<16xi32>, vector<16xi32>, vector<16xi32>], vector<16xf32>,
      %gather3A_186 = tpu.vector_load_idx %arg10[%broadcast_in_dim3A_152, %broadcast_in_dim3A_184, %add3A_50] : memref<4x8x512xf32, #tpu.memory_space<vmem>>[vector<16xi32>, vector<16xi32>, vector<16xi32>], vector<16xf32>,
      %mul3A_187 = arith.mulf %gather3A_185, %gather3A_186 : vector<16xf32>
      %add3A_188 = arith.addf %add3A_182, %mul3A_187 : vector<16xf32>
      %broadcast_in_dim3A_189 = arith.constant 6 : i32
      %broadcast_in_dim3A_190 = vector.broadcast %broadcast_in_dim3A_189 : i32 to vector<16xi32>
      %gather3A_191 = tpu.vector_load_idx %arg9[%broadcast_in_dim3A_152, %broadcast_in_dim3A_190, %add3A_40] : memref<4x8x512xf32, #tpu.memory_space<vmem>>[vector<16xi32>, vector<16xi32>, vector<16xi32>], vector<16xf32>,
      %gather3A_192 = tpu.vector_load_idx %arg10[%broadcast_in_dim3A_152, %broadcast_in_dim3A_190, %add3A_50] : memref<4x8x512xf32, #tpu.memory_space<vmem>>[vector<16xi32>, vector<16xi32>, vector<16xi32>], vector<16xf32>,
      %mul3A_193 = arith.mulf %gather3A_191, %gather3A_192 : vector<16xf32>
      %add3A_194 = arith.addf %add3A_188, %mul3A_193 : vector<16xf32>
      %broadcast_in_dim3A_195 = arith.constant 7 : i32
      %broadcast_in_dim3A_196 = vector.broadcast %broadcast_in_dim3A_195 : i32 to vector<16xi32>
      %gather3A_197 = tpu.vector_load_idx %arg9[%broadcast_in_dim3A_152, %broadcast_in_dim3A_196, %add3A_40] : memref<4x8x512xf32, #tpu.memory_space<vmem>>[vector<16xi32>, vector<16xi32>, vector<16xi32>], vector<16xf32>,
      %gather3A_198 = tpu.vector_load_idx %arg10[%broadcast_in_dim3A_152, %broadcast_in_dim3A_196, %add3A_50] : memref<4x8x512xf32, #tpu.memory_space<vmem>>[vector<16xi32>, vector<16xi32>, vector<16xi32>], vector<16xf32>,
      %mul3A_199 = arith.mulf %gather3A_197, %gather3A_198 : vector<16xf32>
      %add3A_200 = arith.addf %add3A_194, %mul3A_199 : vector<16xf32>
      %broadcast_in_dim3A_201 = arith.constant 3 : i32
      %broadcast_in_dim3A_202 = vector.broadcast %broadcast_in_dim3A_201 : i32 to vector<16xi32>
      %broadcast_in_dim3A_203 = arith.constant 0 : i32
      %broadcast_in_dim3A_204 = vector.broadcast %broadcast_in_dim3A_203 : i32 to vector<16xi32>
      %gather3A_205 = tpu.vector_load_idx %arg9[%broadcast_in_dim3A_202, %broadcast_in_dim3A_204, %add3A_40] : memref<4x8x512xf32, #tpu.memory_space<vmem>>[vector<16xi32>, vector<16xi32>, vector<16xi32>], vector<16xf32>,
      %gather3A_206 = tpu.vector_load_idx %arg10[%broadcast_in_dim3A_202, %broadcast_in_dim3A_204, %add3A_50] : memref<4x8x512xf32, #tpu.memory_space<vmem>>[vector<16xi32>, vector<16xi32>, vector<16xi32>], vector<16xf32>,
      %mul3A_207 = arith.mulf %gather3A_205, %gather3A_206 : vector<16xf32>
      %add3A_208 = arith.addf %add3A_200, %mul3A_207 : vector<16xf32>
      %broadcast_in_dim3A_209 = arith.constant 1 : i32
      %broadcast_in_dim3A_210 = vector.broadcast %broadcast_in_dim3A_209 : i32 to vector<16xi32>
      %gather3A_211 = tpu.vector_load_idx %arg9[%broadcast_in_dim3A_202, %broadcast_in_dim3A_210, %add3A_40] : memref<4x8x512xf32, #tpu.memory_space<vmem>>[vector<16xi32>, vector<16xi32>, vector<16xi32>], vector<16xf32>,
      %gather3A_212 = tpu.vector_load_idx %arg10[%broadcast_in_dim3A_202, %broadcast_in_dim3A_210, %add3A_50] : memref<4x8x512xf32, #tpu.memory_space<vmem>>[vector<16xi32>, vector<16xi32>, vector<16xi32>], vector<16xf32>,
      %mul3A_213 = arith.mulf %gather3A_211, %gather3A_212 : vector<16xf32>
      %add3A_214 = arith.addf %add3A_208, %mul3A_213 : vector<16xf32>
      %broadcast_in_dim3A_215 = arith.constant 2 : i32
      %broadcast_in_dim3A_216 = vector.broadcast %broadcast_in_dim3A_215 : i32 to vector<16xi32>
      %gather3A_217 = tpu.vector_load_idx %arg9[%broadcast_in_dim3A_202, %broadcast_in_dim3A_216, %add3A_40] : memref<4x8x512xf32, #tpu.memory_space<vmem>>[vector<16xi32>, vector<16xi32>, vector<16xi32>], vector<16xf32>,
      %gather3A_218 = tpu.vector_load_idx %arg10[%broadcast_in_dim3A_202, %broadcast_in_dim3A_216, %add3A_50] : memref<4x8x512xf32, #tpu.memory_space<vmem>>[vector<16xi32>, vector<16xi32>, vector<16xi32>], vector<16xf32>,
      %mul3A_219 = arith.mulf %gather3A_217, %gather3A_218 : vector<16xf32>
      %add3A_220 = arith.addf %add3A_214, %mul3A_219 : vector<16xf32>
      %broadcast_in_dim3A_221 = arith.constant 3 : i32
      %broadcast_in_dim3A_222 = vector.broadcast %broadcast_in_dim3A_221 : i32 to vector<16xi32>
      %gather3A_223 = tpu.vector_load_idx %arg9[%broadcast_in_dim3A_202, %broadcast_in_dim3A_222, %add3A_40] : memref<4x8x512xf32, #tpu.memory_space<vmem>>[vector<16xi32>, vector<16xi32>, vector<16xi32>], vector<16xf32>,
      %gather3A_224 = tpu.vector_load_idx %arg10[%broadcast_in_dim3A_202, %broadcast_in_dim3A_222, %add3A_50] : memref<4x8x512xf32, #tpu.memory_space<vmem>>[vector<16xi32>, vector<16xi32>, vector<16xi32>], vector<16xf32>,
      %mul3A_225 = arith.mulf %gather3A_223, %gather3A_224 : vector<16xf32>
      %add3A_226 = arith.addf %add3A_220, %mul3A_225 : vector<16xf32>
      %broadcast_in_dim3A_227 = arith.constant 4 : i32
      %broadcast_in_dim3A_228 = vector.broadcast %broadcast_in_dim3A_227 : i32 to vector<16xi32>
      %gather3A_229 = tpu.vector_load_idx %arg9[%broadcast_in_dim3A_202, %broadcast_in_dim3A_228, %add3A_40] : memref<4x8x512xf32, #tpu.memory_space<vmem>>[vector<16xi32>, vector<16xi32>, vector<16xi32>], vector<16xf32>,
      %gather3A_230 = tpu.vector_load_idx %arg10[%broadcast_in_dim3A_202, %broadcast_in_dim3A_228, %add3A_50] : memref<4x8x512xf32, #tpu.memory_space<vmem>>[vector<16xi32>, vector<16xi32>, vector<16xi32>], vector<16xf32>,
      %mul3A_231 = arith.mulf %gather3A_229, %gather3A_230 : vector<16xf32>
      %add3A_232 = arith.addf %add3A_226, %mul3A_231 : vector<16xf32>
      %broadcast_in_dim3A_233 = arith.constant 5 : i32
      %broadcast_in_dim3A_234 = vector.broadcast %broadcast_in_dim3A_233 : i32 to vector<16xi32>
      %gather3A_235 = tpu.vector_load_idx %arg9[%broadcast_in_dim3A_202, %broadcast_in_dim3A_234, %add3A_40] : memref<4x8x512xf32, #tpu.memory_space<vmem>>[vector<16xi32>, vector<16xi32>, vector<16xi32>], vector<16xf32>,
      %gather3A_236 = tpu.vector_load_idx %arg10[%broadcast_in_dim3A_202, %broadcast_in_dim3A_234, %add3A_50] : memref<4x8x512xf32, #tpu.memory_space<vmem>>[vector<16xi32>, vector<16xi32>, vector<16xi32>], vector<16xf32>,
      %mul3A_237 = arith.mulf %gather3A_235, %gather3A_236 : vector<16xf32>
      %add3A_238 = arith.addf %add3A_232, %mul3A_237 : vector<16xf32>
      %broadcast_in_dim3A_239 = arith.constant 6 : i32
      %broadcast_in_dim3A_240 = vector.broadcast %broadcast_in_dim3A_239 : i32 to vector<16xi32>
      %gather3A_241 = tpu.vector_load_idx %arg9[%broadcast_in_dim3A_202, %broadcast_in_dim3A_240, %add3A_40] : memref<4x8x512xf32, #tpu.memory_space<vmem>>[vector<16xi32>, vector<16xi32>, vector<16xi32>], vector<16xf32>,
      %gather3A_242 = tpu.vector_load_idx %arg10[%broadcast_in_dim3A_202, %broadcast_in_dim3A_240, %add3A_50] : memref<4x8x512xf32, #tpu.memory_space<vmem>>[vector<16xi32>, vector<16xi32>, vector<16xi32>], vector<16xf32>,
      %mul3A_243 = arith.mulf %gather3A_241, %gather3A_242 : vector<16xf32>
      %add3A_244 = arith.addf %add3A_238, %mul3A_243 : vector<16xf32>
      %broadcast_in_dim3A_245 = arith.constant 7 : i32
      %broadcast_in_dim3A_246 = vector.broadcast %broadcast_in_dim3A_245 : i32 to vector<16xi32>
      %gather3A_247 = tpu.vector_load_idx %arg9[%broadcast_in_dim3A_202, %broadcast_in_dim3A_246, %add3A_40] : memref<4x8x512xf32, #tpu.memory_space<vmem>>[vector<16xi32>, vector<16xi32>, vector<16xi32>], vector<16xf32>,
      %gather3A_248 = tpu.vector_load_idx %arg10[%broadcast_in_dim3A_202, %broadcast_in_dim3A_246, %add3A_50] : memref<4x8x512xf32, #tpu.memory_space<vmem>>[vector<16xi32>, vector<16xi32>, vector<16xi32>], vector<16xf32>,
      %mul3A_249 = arith.mulf %gather3A_247, %gather3A_248 : vector<16xf32>
      %add3A_250 = arith.addf %add3A_244, %mul3A_249 : vector<16xf32>
      %mul3A_251 = arith.constant 64 : i32
      %mul3A_252 = arith.muli %scan3A_8, %mul3A_251 : i32
      %add3A_253 = arith.constant 0 : i32
      %add3A_254 = arith.addi %mul3A_252, %add3A_253 : i32
      %swap3A = arith.index_cast %add3A_254 : i32 to index
      %swap3A_255 = tpu.vector_load %arg11[%swap3A] {strides = array<i32>} : memref<512xf32, #tpu.memory_space<vmem>>, vector<16xf32>,
      tpu.vector_store %arg11[%swap3A], %add3A_250 {strides = array<i32>} : memref<512xf32, #tpu.memory_space<vmem>>, vector<16xf32>,
      %mul3A_256 = arith.constant 64 : i32
      %mul3A_257 = arith.muli %scan3A_8, %mul3A_256 : i32
      %add3A_258 = arith.constant 16 : i32
      %add3A_259 = arith.addi %mul3A_257, %add3A_258 : i32
      %get3A_260 = arith.index_cast %add3A_259 : i32 to index
      %get3A_261 = tpu.vector_load %arg7[%get3A_260] {strides = array<i32>} : memref<528xi32, #tpu.memory_space<vmem>>, vector<16xi32>,
      %mul3A_262 = arith.constant 64 : i32
      %mul3A_263 = arith.muli %scan3A_8, %mul3A_262 : i32
      %add3A_264 = arith.constant 16 : i32
      %add3A_265 = arith.addi %mul3A_263, %add3A_264 : i32
      %get3A_266 = arith.index_cast %add3A_265 : i32 to index
      %get3A_267 = tpu.vector_load %arg8[%get3A_266] {strides = array<i32>} : memref<528xi32, #tpu.memory_space<vmem>>, vector<16xi32>,
      %add3A_268 = arith.constant 16 : i32
      %add3A_269 = vector.broadcast %add3A_268 : i32 to vector<16xi32>
      %add3A_270 = arith.addi %add3A_269, %iota3A : vector<16xi32>
      %mul3A_271 = arith.constant 8 : i32
      %mul3A_272 = vector.broadcast %mul3A_271 : i32 to vector<16xi32>
      %mul3A_273 = arith.muli %add3A_270, %mul3A_272 : vector<16xi32>
      %and3A_274 = arith.constant 7 : i32
      %and3A_275 = vector.broadcast %and3A_274 : i32 to vector<16xi32>
      %and3A_276 = arith.andi %get3A_261, %and3A_275 : vector<16xi32>
      %add3A_277 = arith.addi %mul3A_273, %and3A_276 : vector<16xi32>
      %add3A_278 = arith.constant 16 : i32
      %add3A_279 = vector.broadcast %add3A_278 : i32 to vector<16xi32>
      %add3A_280 = arith.addi %add3A_279, %iota3A : vector<16xi32>
      %mul3A_281 = arith.constant 8 : i32
      %mul3A_282 = vector.broadcast %mul3A_281 : i32 to vector<16xi32>
      %mul3A_283 = arith.muli %add3A_280, %mul3A_282 : vector<16xi32>
      %and3A_284 = arith.constant 7 : i32
      %and3A_285 = vector.broadcast %and3A_284 : i32 to vector<16xi32>
      %and3A_286 = arith.andi %get3A_267, %and3A_285 : vector<16xi32>
      %add3A_287 = arith.addi %mul3A_283, %and3A_286 : vector<16xi32>
      %broadcast_in_dim3A_288 = arith.constant 0.000000e+00 : f32
      %broadcast_in_dim3A_289 = vector.broadcast %broadcast_in_dim3A_288 : f32 to vector<16xf32>
      %broadcast_in_dim3A_290 = arith.constant 0 : i32
      %broadcast_in_dim3A_291 = vector.broadcast %broadcast_in_dim3A_290 : i32 to vector<16xi32>
      %broadcast_in_dim3A_292 = arith.constant 0 : i32
      %broadcast_in_dim3A_293 = vector.broadcast %broadcast_in_dim3A_292 : i32 to vector<16xi32>
      %gather3A_294 = tpu.vector_load_idx %arg9[%broadcast_in_dim3A_291, %broadcast_in_dim3A_293, %add3A_277] : memref<4x8x512xf32, #tpu.memory_space<vmem>>[vector<16xi32>, vector<16xi32>, vector<16xi32>], vector<16xf32>,
      %gather3A_295 = tpu.vector_load_idx %arg10[%broadcast_in_dim3A_291, %broadcast_in_dim3A_293, %add3A_287] : memref<4x8x512xf32, #tpu.memory_space<vmem>>[vector<16xi32>, vector<16xi32>, vector<16xi32>], vector<16xf32>,
      %mul3A_296 = arith.mulf %gather3A_294, %gather3A_295 : vector<16xf32>
      %add3A_297 = arith.addf %broadcast_in_dim3A_289, %mul3A_296 : vector<16xf32>
      %broadcast_in_dim3A_298 = arith.constant 1 : i32
      %broadcast_in_dim3A_299 = vector.broadcast %broadcast_in_dim3A_298 : i32 to vector<16xi32>
      %gather3A_300 = tpu.vector_load_idx %arg9[%broadcast_in_dim3A_291, %broadcast_in_dim3A_299, %add3A_277] : memref<4x8x512xf32, #tpu.memory_space<vmem>>[vector<16xi32>, vector<16xi32>, vector<16xi32>], vector<16xf32>,
      %gather3A_301 = tpu.vector_load_idx %arg10[%broadcast_in_dim3A_291, %broadcast_in_dim3A_299, %add3A_287] : memref<4x8x512xf32, #tpu.memory_space<vmem>>[vector<16xi32>, vector<16xi32>, vector<16xi32>], vector<16xf32>,
      %mul3A_302 = arith.mulf %gather3A_300, %gather3A_301 : vector<16xf32>
      %add3A_303 = arith.addf %add3A_297, %mul3A_302 : vector<16xf32>
      %broadcast_in_dim3A_304 = arith.constant 2 : i32
      %broadcast_in_dim3A_305 = vector.broadcast %broadcast_in_dim3A_304 : i32 to vector<16xi32>
      %gather3A_306 = tpu.vector_load_idx %arg9[%broadcast_in_dim3A_291, %broadcast_in_dim3A_305, %add3A_277] : memref<4x8x512xf32, #tpu.memory_space<vmem>>[vector<16xi32>, vector<16xi32>, vector<16xi32>], vector<16xf32>,
      %gather3A_307 = tpu.vector_load_idx %arg10[%broadcast_in_dim3A_291, %broadcast_in_dim3A_305, %add3A_287] : memref<4x8x512xf32, #tpu.memory_space<vmem>>[vector<16xi32>, vector<16xi32>, vector<16xi32>], vector<16xf32>,
      %mul3A_308 = arith.mulf %gather3A_306, %gather3A_307 : vector<16xf32>
      %add3A_309 = arith.addf %add3A_303, %mul3A_308 : vector<16xf32>
      %broadcast_in_dim3A_310 = arith.constant 3 : i32
      %broadcast_in_dim3A_311 = vector.broadcast %broadcast_in_dim3A_310 : i32 to vector<16xi32>
      %gather3A_312 = tpu.vector_load_idx %arg9[%broadcast_in_dim3A_291, %broadcast_in_dim3A_311, %add3A_277] : memref<4x8x512xf32, #tpu.memory_space<vmem>>[vector<16xi32>, vector<16xi32>, vector<16xi32>], vector<16xf32>,
      %gather3A_313 = tpu.vector_load_idx %arg10[%broadcast_in_dim3A_291, %broadcast_in_dim3A_311, %add3A_287] : memref<4x8x512xf32, #tpu.memory_space<vmem>>[vector<16xi32>, vector<16xi32>, vector<16xi32>], vector<16xf32>,
      %mul3A_314 = arith.mulf %gather3A_312, %gather3A_313 : vector<16xf32>
      %add3A_315 = arith.addf %add3A_309, %mul3A_314 : vector<16xf32>
      %broadcast_in_dim3A_316 = arith.constant 4 : i32
      %broadcast_in_dim3A_317 = vector.broadcast %broadcast_in_dim3A_316 : i32 to vector<16xi32>
      %gather3A_318 = tpu.vector_load_idx %arg9[%broadcast_in_dim3A_291, %broadcast_in_dim3A_317, %add3A_277] : memref<4x8x512xf32, #tpu.memory_space<vmem>>[vector<16xi32>, vector<16xi32>, vector<16xi32>], vector<16xf32>,
      %gather3A_319 = tpu.vector_load_idx %arg10[%broadcast_in_dim3A_291, %broadcast_in_dim3A_317, %add3A_287] : memref<4x8x512xf32, #tpu.memory_space<vmem>>[vector<16xi32>, vector<16xi32>, vector<16xi32>], vector<16xf32>,
      %mul3A_320 = arith.mulf %gather3A_318, %gather3A_319 : vector<16xf32>
      %add3A_321 = arith.addf %add3A_315, %mul3A_320 : vector<16xf32>
      %broadcast_in_dim3A_322 = arith.constant 5 : i32
      %broadcast_in_dim3A_323 = vector.broadcast %broadcast_in_dim3A_322 : i32 to vector<16xi32>
      %gather3A_324 = tpu.vector_load_idx %arg9[%broadcast_in_dim3A_291, %broadcast_in_dim3A_323, %add3A_277] : memref<4x8x512xf32, #tpu.memory_space<vmem>>[vector<16xi32>, vector<16xi32>, vector<16xi32>], vector<16xf32>,
      %gather3A_325 = tpu.vector_load_idx %arg10[%broadcast_in_dim3A_291, %broadcast_in_dim3A_323, %add3A_287] : memref<4x8x512xf32, #tpu.memory_space<vmem>>[vector<16xi32>, vector<16xi32>, vector<16xi32>], vector<16xf32>,
      %mul3A_326 = arith.mulf %gather3A_324, %gather3A_325 : vector<16xf32>
      %add3A_327 = arith.addf %add3A_321, %mul3A_326 : vector<16xf32>
      %broadcast_in_dim3A_328 = arith.constant 6 : i32
      %broadcast_in_dim3A_329 = vector.broadcast %broadcast_in_dim3A_328 : i32 to vector<16xi32>
      %gather3A_330 = tpu.vector_load_idx %arg9[%broadcast_in_dim3A_291, %broadcast_in_dim3A_329, %add3A_277] : memref<4x8x512xf32, #tpu.memory_space<vmem>>[vector<16xi32>, vector<16xi32>, vector<16xi32>], vector<16xf32>,
      %gather3A_331 = tpu.vector_load_idx %arg10[%broadcast_in_dim3A_291, %broadcast_in_dim3A_329, %add3A_287] : memref<4x8x512xf32, #tpu.memory_space<vmem>>[vector<16xi32>, vector<16xi32>, vector<16xi32>], vector<16xf32>,
      %mul3A_332 = arith.mulf %gather3A_330, %gather3A_331 : vector<16xf32>
      %add3A_333 = arith.addf %add3A_327, %mul3A_332 : vector<16xf32>
      %broadcast_in_dim3A_334 = arith.constant 7 : i32
      %broadcast_in_dim3A_335 = vector.broadcast %broadcast_in_dim3A_334 : i32 to vector<16xi32>
      %gather3A_336 = tpu.vector_load_idx %arg9[%broadcast_in_dim3A_291, %broadcast_in_dim3A_335, %add3A_277] : memref<4x8x512xf32, #tpu.memory_space<vmem>>[vector<16xi32>, vector<16xi32>, vector<16xi32>], vector<16xf32>,
      %gather3A_337 = tpu.vector_load_idx %arg10[%broadcast_in_dim3A_291, %broadcast_in_dim3A_335, %add3A_287] : memref<4x8x512xf32, #tpu.memory_space<vmem>>[vector<16xi32>, vector<16xi32>, vector<16xi32>], vector<16xf32>,
      %mul3A_338 = arith.mulf %gather3A_336, %gather3A_337 : vector<16xf32>
      %add3A_339 = arith.addf %add3A_333, %mul3A_338 : vector<16xf32>
      %broadcast_in_dim3A_340 = arith.constant 1 : i32
      %broadcast_in_dim3A_341 = vector.broadcast %broadcast_in_dim3A_340 : i32 to vector<16xi32>
      %broadcast_in_dim3A_342 = arith.constant 0 : i32
      %broadcast_in_dim3A_343 = vector.broadcast %broadcast_in_dim3A_342 : i32 to vector<16xi32>
      %gather3A_344 = tpu.vector_load_idx %arg9[%broadcast_in_dim3A_341, %broadcast_in_dim3A_343, %add3A_277] : memref<4x8x512xf32, #tpu.memory_space<vmem>>[vector<16xi32>, vector<16xi32>, vector<16xi32>], vector<16xf32>,
      %gather3A_345 = tpu.vector_load_idx %arg10[%broadcast_in_dim3A_341, %broadcast_in_dim3A_343, %add3A_287] : memref<4x8x512xf32, #tpu.memory_space<vmem>>[vector<16xi32>, vector<16xi32>, vector<16xi32>], vector<16xf32>,
      %mul3A_346 = arith.mulf %gather3A_344, %gather3A_345 : vector<16xf32>
      %add3A_347 = arith.addf %add3A_339, %mul3A_346 : vector<16xf32>
      %broadcast_in_dim3A_348 = arith.constant 1 : i32
      %broadcast_in_dim3A_349 = vector.broadcast %broadcast_in_dim3A_348 : i32 to vector<16xi32>
      %gather3A_350 = tpu.vector_load_idx %arg9[%broadcast_in_dim3A_341, %broadcast_in_dim3A_349, %add3A_277] : memref<4x8x512xf32, #tpu.memory_space<vmem>>[vector<16xi32>, vector<16xi32>, vector<16xi32>], vector<16xf32>,
      %gather3A_351 = tpu.vector_load_idx %arg10[%broadcast_in_dim3A_341, %broadcast_in_dim3A_349, %add3A_287] : memref<4x8x512xf32, #tpu.memory_space<vmem>>[vector<16xi32>, vector<16xi32>, vector<16xi32>], vector<16xf32>,
      %mul3A_352 = arith.mulf %gather3A_350, %gather3A_351 : vector<16xf32>
      %add3A_353 = arith.addf %add3A_347, %mul3A_352 : vector<16xf32>
      %broadcast_in_dim3A_354 = arith.constant 2 : i32
      %broadcast_in_dim3A_355 = vector.broadcast %broadcast_in_dim3A_354 : i32 to vector<16xi32>
      %gather3A_356 = tpu.vector_load_idx %arg9[%broadcast_in_dim3A_341, %broadcast_in_dim3A_355, %add3A_277] : memref<4x8x512xf32, #tpu.memory_space<vmem>>[vector<16xi32>, vector<16xi32>, vector<16xi32>], vector<16xf32>,
      %gather3A_357 = tpu.vector_load_idx %arg10[%broadcast_in_dim3A_341, %broadcast_in_dim3A_355, %add3A_287] : memref<4x8x512xf32, #tpu.memory_space<vmem>>[vector<16xi32>, vector<16xi32>, vector<16xi32>], vector<16xf32>,
      %mul3A_358 = arith.mulf %gather3A_356, %gather3A_357 : vector<16xf32>
      %add3A_359 = arith.addf %add3A_353, %mul3A_358 : vector<16xf32>
      %broadcast_in_dim3A_360 = arith.constant 3 : i32
      %broadcast_in_dim3A_361 = vector.broadcast %broadcast_in_dim3A_360 : i32 to vector<16xi32>
      %gather3A_362 = tpu.vector_load_idx %arg9[%broadcast_in_dim3A_341, %broadcast_in_dim3A_361, %add3A_277] : memref<4x8x512xf32, #tpu.memory_space<vmem>>[vector<16xi32>, vector<16xi32>, vector<16xi32>], vector<16xf32>,
      %gather3A_363 = tpu.vector_load_idx %arg10[%broadcast_in_dim3A_341, %broadcast_in_dim3A_361, %add3A_287] : memref<4x8x512xf32, #tpu.memory_space<vmem>>[vector<16xi32>, vector<16xi32>, vector<16xi32>], vector<16xf32>,
      %mul3A_364 = arith.mulf %gather3A_362, %gather3A_363 : vector<16xf32>
      %add3A_365 = arith.addf %add3A_359, %mul3A_364 : vector<16xf32>
      %broadcast_in_dim3A_366 = arith.constant 4 : i32
      %broadcast_in_dim3A_367 = vector.broadcast %broadcast_in_dim3A_366 : i32 to vector<16xi32>
      %gather3A_368 = tpu.vector_load_idx %arg9[%broadcast_in_dim3A_341, %broadcast_in_dim3A_367, %add3A_277] : memref<4x8x512xf32, #tpu.memory_space<vmem>>[vector<16xi32>, vector<16xi32>, vector<16xi32>], vector<16xf32>,
      %gather3A_369 = tpu.vector_load_idx %arg10[%broadcast_in_dim3A_341, %broadcast_in_dim3A_367, %add3A_287] : memref<4x8x512xf32, #tpu.memory_space<vmem>>[vector<16xi32>, vector<16xi32>, vector<16xi32>], vector<16xf32>,
      %mul3A_370 = arith.mulf %gather3A_368, %gather3A_369 : vector<16xf32>
      %add3A_371 = arith.addf %add3A_365, %mul3A_370 : vector<16xf32>
      %broadcast_in_dim3A_372 = arith.constant 5 : i32
      %broadcast_in_dim3A_373 = vector.broadcast %broadcast_in_dim3A_372 : i32 to vector<16xi32>
      %gather3A_374 = tpu.vector_load_idx %arg9[%broadcast_in_dim3A_341, %broadcast_in_dim3A_373, %add3A_277] : memref<4x8x512xf32, #tpu.memory_space<vmem>>[vector<16xi32>, vector<16xi32>, vector<16xi32>], vector<16xf32>,
      %gather3A_375 = tpu.vector_load_idx %arg10[%broadcast_in_dim3A_341, %broadcast_in_dim3A_373, %add3A_287] : memref<4x8x512xf32, #tpu.memory_space<vmem>>[vector<16xi32>, vector<16xi32>, vector<16xi32>], vector<16xf32>,
      %mul3A_376 = arith.mulf %gather3A_374, %gather3A_375 : vector<16xf32>
      %add3A_377 = arith.addf %add3A_371, %mul3A_376 : vector<16xf32>
      %broadcast_in_dim3A_378 = arith.constant 6 : i32
      %broadcast_in_dim3A_379 = vector.broadcast %broadcast_in_dim3A_378 : i32 to vector<16xi32>
      %gather3A_380 = tpu.vector_load_idx %arg9[%broadcast_in_dim3A_341, %broadcast_in_dim3A_379, %add3A_277] : memref<4x8x512xf32, #tpu.memory_space<vmem>>[vector<16xi32>, vector<16xi32>, vector<16xi32>], vector<16xf32>,
      %gather3A_381 = tpu.vector_load_idx %arg10[%broadcast_in_dim3A_341, %broadcast_in_dim3A_379, %add3A_287] : memref<4x8x512xf32, #tpu.memory_space<vmem>>[vector<16xi32>, vector<16xi32>, vector<16xi32>], vector<16xf32>,
      %mul3A_382 = arith.mulf %gather3A_380, %gather3A_381 : vector<16xf32>
      %add3A_383 = arith.addf %add3A_377, %mul3A_382 : vector<16xf32>
      %broadcast_in_dim3A_384 = arith.constant 7 : i32
      %broadcast_in_dim3A_385 = vector.broadcast %broadcast_in_dim3A_384 : i32 to vector<16xi32>
      %gather3A_386 = tpu.vector_load_idx %arg9[%broadcast_in_dim3A_341, %broadcast_in_dim3A_385, %add3A_277] : memref<4x8x512xf32, #tpu.memory_space<vmem>>[vector<16xi32>, vector<16xi32>, vector<16xi32>], vector<16xf32>,
      %gather3A_387 = tpu.vector_load_idx %arg10[%broadcast_in_dim3A_341, %broadcast_in_dim3A_385, %add3A_287] : memref<4x8x512xf32, #tpu.memory_space<vmem>>[vector<16xi32>, vector<16xi32>, vector<16xi32>], vector<16xf32>,
      %mul3A_388 = arith.mulf %gather3A_386, %gather3A_387 : vector<16xf32>
      %add3A_389 = arith.addf %add3A_383, %mul3A_388 : vector<16xf32>
      %broadcast_in_dim3A_390 = arith.constant 2 : i32
      %broadcast_in_dim3A_391 = vector.broadcast %broadcast_in_dim3A_390 : i32 to vector<16xi32>
      %broadcast_in_dim3A_392 = arith.constant 0 : i32
      %broadcast_in_dim3A_393 = vector.broadcast %broadcast_in_dim3A_392 : i32 to vector<16xi32>
      %gather3A_394 = tpu.vector_load_idx %arg9[%broadcast_in_dim3A_391, %broadcast_in_dim3A_393, %add3A_277] : memref<4x8x512xf32, #tpu.memory_space<vmem>>[vector<16xi32>, vector<16xi32>, vector<16xi32>], vector<16xf32>,
      %gather3A_395 = tpu.vector_load_idx %arg10[%broadcast_in_dim3A_391, %broadcast_in_dim3A_393, %add3A_287] : memref<4x8x512xf32, #tpu.memory_space<vmem>>[vector<16xi32>, vector<16xi32>, vector<16xi32>], vector<16xf32>,
      %mul3A_396 = arith.mulf %gather3A_394, %gather3A_395 : vector<16xf32>
      %add3A_397 = arith.addf %add3A_389, %mul3A_396 : vector<16xf32>
      %broadcast_in_dim3A_398 = arith.constant 1 : i32
      %broadcast_in_dim3A_399 = vector.broadcast %broadcast_in_dim3A_398 : i32 to vector<16xi32>
      %gather3A_400 = tpu.vector_load_idx %arg9[%broadcast_in_dim3A_391, %broadcast_in_dim3A_399, %add3A_277] : memref<4x8x512xf32, #tpu.memory_space<vmem>>[vector<16xi32>, vector<16xi32>, vector<16xi32>], vector<16xf32>,
      %gather3A_401 = tpu.vector_load_idx %arg10[%broadcast_in_dim3A_391, %broadcast_in_dim3A_399, %add3A_287] : memref<4x8x512xf32, #tpu.memory_space<vmem>>[vector<16xi32>, vector<16xi32>, vector<16xi32>], vector<16xf32>,
      %mul3A_402 = arith.mulf %gather3A_400, %gather3A_401 : vector<16xf32>
      %add3A_403 = arith.addf %add3A_397, %mul3A_402 : vector<16xf32>
      %broadcast_in_dim3A_404 = arith.constant 2 : i32
      %broadcast_in_dim3A_405 = vector.broadcast %broadcast_in_dim3A_404 : i32 to vector<16xi32>
      %gather3A_406 = tpu.vector_load_idx %arg9[%broadcast_in_dim3A_391, %broadcast_in_dim3A_405, %add3A_277] : memref<4x8x512xf32, #tpu.memory_space<vmem>>[vector<16xi32>, vector<16xi32>, vector<16xi32>], vector<16xf32>,
      %gather3A_407 = tpu.vector_load_idx %arg10[%broadcast_in_dim3A_391, %broadcast_in_dim3A_405, %add3A_287] : memref<4x8x512xf32, #tpu.memory_space<vmem>>[vector<16xi32>, vector<16xi32>, vector<16xi32>], vector<16xf32>,
      %mul3A_408 = arith.mulf %gather3A_406, %gather3A_407 : vector<16xf32>
      %add3A_409 = arith.addf %add3A_403, %mul3A_408 : vector<16xf32>
      %broadcast_in_dim3A_410 = arith.constant 3 : i32
      %broadcast_in_dim3A_411 = vector.broadcast %broadcast_in_dim3A_410 : i32 to vector<16xi32>
      %gather3A_412 = tpu.vector_load_idx %arg9[%broadcast_in_dim3A_391, %broadcast_in_dim3A_411, %add3A_277] : memref<4x8x512xf32, #tpu.memory_space<vmem>>[vector<16xi32>, vector<16xi32>, vector<16xi32>], vector<16xf32>,
      %gather3A_413 = tpu.vector_load_idx %arg10[%broadcast_in_dim3A_391, %broadcast_in_dim3A_411, %add3A_287] : memref<4x8x512xf32, #tpu.memory_space<vmem>>[vector<16xi32>, vector<16xi32>, vector<16xi32>], vector<16xf32>,
      %mul3A_414 = arith.mulf %gather3A_412, %gather3A_413 : vector<16xf32>
      %add3A_415 = arith.addf %add3A_409, %mul3A_414 : vector<16xf32>
      %broadcast_in_dim3A_416 = arith.constant 4 : i32
      %broadcast_in_dim3A_417 = vector.broadcast %broadcast_in_dim3A_416 : i32 to vector<16xi32>
      %gather3A_418 = tpu.vector_load_idx %arg9[%broadcast_in_dim3A_391, %broadcast_in_dim3A_417, %add3A_277] : memref<4x8x512xf32, #tpu.memory_space<vmem>>[vector<16xi32>, vector<16xi32>, vector<16xi32>], vector<16xf32>,
      %gather3A_419 = tpu.vector_load_idx %arg10[%broadcast_in_dim3A_391, %broadcast_in_dim3A_417, %add3A_287] : memref<4x8x512xf32, #tpu.memory_space<vmem>>[vector<16xi32>, vector<16xi32>, vector<16xi32>], vector<16xf32>,
      %mul3A_420 = arith.mulf %gather3A_418, %gather3A_419 : vector<16xf32>
      %add3A_421 = arith.addf %add3A_415, %mul3A_420 : vector<16xf32>
      %broadcast_in_dim3A_422 = arith.constant 5 : i32
      %broadcast_in_dim3A_423 = vector.broadcast %broadcast_in_dim3A_422 : i32 to vector<16xi32>
      %gather3A_424 = tpu.vector_load_idx %arg9[%broadcast_in_dim3A_391, %broadcast_in_dim3A_423, %add3A_277] : memref<4x8x512xf32, #tpu.memory_space<vmem>>[vector<16xi32>, vector<16xi32>, vector<16xi32>], vector<16xf32>,
      %gather3A_425 = tpu.vector_load_idx %arg10[%broadcast_in_dim3A_391, %broadcast_in_dim3A_423, %add3A_287] : memref<4x8x512xf32, #tpu.memory_space<vmem>>[vector<16xi32>, vector<16xi32>, vector<16xi32>], vector<16xf32>,
      %mul3A_426 = arith.mulf %gather3A_424, %gather3A_425 : vector<16xf32>
      %add3A_427 = arith.addf %add3A_421, %mul3A_426 : vector<16xf32>
      %broadcast_in_dim3A_428 = arith.constant 6 : i32
      %broadcast_in_dim3A_429 = vector.broadcast %broadcast_in_dim3A_428 : i32 to vector<16xi32>
      %gather3A_430 = tpu.vector_load_idx %arg9[%broadcast_in_dim3A_391, %broadcast_in_dim3A_429, %add3A_277] : memref<4x8x512xf32, #tpu.memory_space<vmem>>[vector<16xi32>, vector<16xi32>, vector<16xi32>], vector<16xf32>,
      %gather3A_431 = tpu.vector_load_idx %arg10[%broadcast_in_dim3A_391, %broadcast_in_dim3A_429, %add3A_287] : memref<4x8x512xf32, #tpu.memory_space<vmem>>[vector<16xi32>, vector<16xi32>, vector<16xi32>], vector<16xf32>,
      %mul3A_432 = arith.mulf %gather3A_430, %gather3A_431 : vector<16xf32>
      %add3A_433 = arith.addf %add3A_427, %mul3A_432 : vector<16xf32>
      %broadcast_in_dim3A_434 = arith.constant 7 : i32
      %broadcast_in_dim3A_435 = vector.broadcast %broadcast_in_dim3A_434 : i32 to vector<16xi32>
      %gather3A_436 = tpu.vector_load_idx %arg9[%broadcast_in_dim3A_391, %broadcast_in_dim3A_435, %add3A_277] : memref<4x8x512xf32, #tpu.memory_space<vmem>>[vector<16xi32>, vector<16xi32>, vector<16xi32>], vector<16xf32>,
      %gather3A_437 = tpu.vector_load_idx %arg10[%broadcast_in_dim3A_391, %broadcast_in_dim3A_435, %add3A_287] : memref<4x8x512xf32, #tpu.memory_space<vmem>>[vector<16xi32>, vector<16xi32>, vector<16xi32>], vector<16xf32>,
      %mul3A_438 = arith.mulf %gather3A_436, %gather3A_437 : vector<16xf32>
      %add3A_439 = arith.addf %add3A_433, %mul3A_438 : vector<16xf32>
      %broadcast_in_dim3A_440 = arith.constant 3 : i32
      %broadcast_in_dim3A_441 = vector.broadcast %broadcast_in_dim3A_440 : i32 to vector<16xi32>
      %broadcast_in_dim3A_442 = arith.constant 0 : i32
      %broadcast_in_dim3A_443 = vector.broadcast %broadcast_in_dim3A_442 : i32 to vector<16xi32>
      %gather3A_444 = tpu.vector_load_idx %arg9[%broadcast_in_dim3A_441, %broadcast_in_dim3A_443, %add3A_277] : memref<4x8x512xf32, #tpu.memory_space<vmem>>[vector<16xi32>, vector<16xi32>, vector<16xi32>], vector<16xf32>,
      %gather3A_445 = tpu.vector_load_idx %arg10[%broadcast_in_dim3A_441, %broadcast_in_dim3A_443, %add3A_287] : memref<4x8x512xf32, #tpu.memory_space<vmem>>[vector<16xi32>, vector<16xi32>, vector<16xi32>], vector<16xf32>,
      %mul3A_446 = arith.mulf %gather3A_444, %gather3A_445 : vector<16xf32>
      %add3A_447 = arith.addf %add3A_439, %mul3A_446 : vector<16xf32>
      %broadcast_in_dim3A_448 = arith.constant 1 : i32
      %broadcast_in_dim3A_449 = vector.broadcast %broadcast_in_dim3A_448 : i32 to vector<16xi32>
      %gather3A_450 = tpu.vector_load_idx %arg9[%broadcast_in_dim3A_441, %broadcast_in_dim3A_449, %add3A_277] : memref<4x8x512xf32, #tpu.memory_space<vmem>>[vector<16xi32>, vector<16xi32>, vector<16xi32>], vector<16xf32>,
      %gather3A_451 = tpu.vector_load_idx %arg10[%broadcast_in_dim3A_441, %broadcast_in_dim3A_449, %add3A_287] : memref<4x8x512xf32, #tpu.memory_space<vmem>>[vector<16xi32>, vector<16xi32>, vector<16xi32>], vector<16xf32>,
      %mul3A_452 = arith.mulf %gather3A_450, %gather3A_451 : vector<16xf32>
      %add3A_453 = arith.addf %add3A_447, %mul3A_452 : vector<16xf32>
      %broadcast_in_dim3A_454 = arith.constant 2 : i32
      %broadcast_in_dim3A_455 = vector.broadcast %broadcast_in_dim3A_454 : i32 to vector<16xi32>
      %gather3A_456 = tpu.vector_load_idx %arg9[%broadcast_in_dim3A_441, %broadcast_in_dim3A_455, %add3A_277] : memref<4x8x512xf32, #tpu.memory_space<vmem>>[vector<16xi32>, vector<16xi32>, vector<16xi32>], vector<16xf32>,
      %gather3A_457 = tpu.vector_load_idx %arg10[%broadcast_in_dim3A_441, %broadcast_in_dim3A_455, %add3A_287] : memref<4x8x512xf32, #tpu.memory_space<vmem>>[vector<16xi32>, vector<16xi32>, vector<16xi32>], vector<16xf32>,
      %mul3A_458 = arith.mulf %gather3A_456, %gather3A_457 : vector<16xf32>
      %add3A_459 = arith.addf %add3A_453, %mul3A_458 : vector<16xf32>
      %broadcast_in_dim3A_460 = arith.constant 3 : i32
      %broadcast_in_dim3A_461 = vector.broadcast %broadcast_in_dim3A_460 : i32 to vector<16xi32>
      %gather3A_462 = tpu.vector_load_idx %arg9[%broadcast_in_dim3A_441, %broadcast_in_dim3A_461, %add3A_277] : memref<4x8x512xf32, #tpu.memory_space<vmem>>[vector<16xi32>, vector<16xi32>, vector<16xi32>], vector<16xf32>,
      %gather3A_463 = tpu.vector_load_idx %arg10[%broadcast_in_dim3A_441, %broadcast_in_dim3A_461, %add3A_287] : memref<4x8x512xf32, #tpu.memory_space<vmem>>[vector<16xi32>, vector<16xi32>, vector<16xi32>], vector<16xf32>,
      %mul3A_464 = arith.mulf %gather3A_462, %gather3A_463 : vector<16xf32>
      %add3A_465 = arith.addf %add3A_459, %mul3A_464 : vector<16xf32>
      %broadcast_in_dim3A_466 = arith.constant 4 : i32
      %broadcast_in_dim3A_467 = vector.broadcast %broadcast_in_dim3A_466 : i32 to vector<16xi32>
      %gather3A_468 = tpu.vector_load_idx %arg9[%broadcast_in_dim3A_441, %broadcast_in_dim3A_467, %add3A_277] : memref<4x8x512xf32, #tpu.memory_space<vmem>>[vector<16xi32>, vector<16xi32>, vector<16xi32>], vector<16xf32>,
      %gather3A_469 = tpu.vector_load_idx %arg10[%broadcast_in_dim3A_441, %broadcast_in_dim3A_467, %add3A_287] : memref<4x8x512xf32, #tpu.memory_space<vmem>>[vector<16xi32>, vector<16xi32>, vector<16xi32>], vector<16xf32>,
      %mul3A_470 = arith.mulf %gather3A_468, %gather3A_469 : vector<16xf32>
      %add3A_471 = arith.addf %add3A_465, %mul3A_470 : vector<16xf32>
      %broadcast_in_dim3A_472 = arith.constant 5 : i32
      %broadcast_in_dim3A_473 = vector.broadcast %broadcast_in_dim3A_472 : i32 to vector<16xi32>
      %gather3A_474 = tpu.vector_load_idx %arg9[%broadcast_in_dim3A_441, %broadcast_in_dim3A_473, %add3A_277] : memref<4x8x512xf32, #tpu.memory_space<vmem>>[vector<16xi32>, vector<16xi32>, vector<16xi32>], vector<16xf32>,
      %gather3A_475 = tpu.vector_load_idx %arg10[%broadcast_in_dim3A_441, %broadcast_in_dim3A_473, %add3A_287] : memref<4x8x512xf32, #tpu.memory_space<vmem>>[vector<16xi32>, vector<16xi32>, vector<16xi32>], vector<16xf32>,
      %mul3A_476 = arith.mulf %gather3A_474, %gather3A_475 : vector<16xf32>
      %add3A_477 = arith.addf %add3A_471, %mul3A_476 : vector<16xf32>
      %broadcast_in_dim3A_478 = arith.constant 6 : i32
      %broadcast_in_dim3A_479 = vector.broadcast %broadcast_in_dim3A_478 : i32 to vector<16xi32>
      %gather3A_480 = tpu.vector_load_idx %arg9[%broadcast_in_dim3A_441, %broadcast_in_dim3A_479, %add3A_277] : memref<4x8x512xf32, #tpu.memory_space<vmem>>[vector<16xi32>, vector<16xi32>, vector<16xi32>], vector<16xf32>,
      %gather3A_481 = tpu.vector_load_idx %arg10[%broadcast_in_dim3A_441, %broadcast_in_dim3A_479, %add3A_287] : memref<4x8x512xf32, #tpu.memory_space<vmem>>[vector<16xi32>, vector<16xi32>, vector<16xi32>], vector<16xf32>,
      %mul3A_482 = arith.mulf %gather3A_480, %gather3A_481 : vector<16xf32>
      %add3A_483 = arith.addf %add3A_477, %mul3A_482 : vector<16xf32>
      %broadcast_in_dim3A_484 = arith.constant 7 : i32
      %broadcast_in_dim3A_485 = vector.broadcast %broadcast_in_dim3A_484 : i32 to vector<16xi32>
      %gather3A_486 = tpu.vector_load_idx %arg9[%broadcast_in_dim3A_441, %broadcast_in_dim3A_485, %add3A_277] : memref<4x8x512xf32, #tpu.memory_space<vmem>>[vector<16xi32>, vector<16xi32>, vector<16xi32>], vector<16xf32>,
      %gather3A_487 = tpu.vector_load_idx %arg10[%broadcast_in_dim3A_441, %broadcast_in_dim3A_485, %add3A_287] : memref<4x8x512xf32, #tpu.memory_space<vmem>>[vector<16xi32>, vector<16xi32>, vector<16xi32>], vector<16xf32>,
      %mul3A_488 = arith.mulf %gather3A_486, %gather3A_487 : vector<16xf32>
      %add3A_489 = arith.addf %add3A_483, %mul3A_488 : vector<16xf32>
      %mul3A_490 = arith.constant 64 : i32
      %mul3A_491 = arith.muli %scan3A_8, %mul3A_490 : i32
      %add3A_492 = arith.constant 16 : i32
      %add3A_493 = arith.addi %mul3A_491, %add3A_492 : i32
      %swap3A_494 = arith.index_cast %add3A_493 : i32 to index
      %swap3A_495 = tpu.vector_load %arg11[%swap3A_494] {strides = array<i32>} : memref<512xf32, #tpu.memory_space<vmem>>, vector<16xf32>,
      tpu.vector_store %arg11[%swap3A_494], %add3A_489 {strides = array<i32>} : memref<512xf32, #tpu.memory_space<vmem>>, vector<16xf32>,
      %mul3A_496 = arith.constant 64 : i32
      %mul3A_497 = arith.muli %scan3A_8, %mul3A_496 : i32
      %add3A_498 = arith.constant 32 : i32
      %add3A_499 = arith.addi %mul3A_497, %add3A_498 : i32
      %get3A_500 = arith.index_cast %add3A_499 : i32 to index
      %get3A_501 = tpu.vector_load %arg7[%get3A_500] {strides = array<i32>} : memref<528xi32, #tpu.memory_space<vmem>>, vector<16xi32>,
      %mul3A_502 = arith.constant 64 : i32
      %mul3A_503 = arith.muli %scan3A_8, %mul3A_502 : i32
      %add3A_504 = arith.constant 32 : i32
      %add3A_505 = arith.addi %mul3A_503, %add3A_504 : i32
      %get3A_506 = arith.index_cast %add3A_505 : i32 to index
      %get3A_507 = tpu.vector_load %arg8[%get3A_506] {strides = array<i32>} : memref<528xi32, #tpu.memory_space<vmem>>, vector<16xi32>,
      %add3A_508 = arith.constant 32 : i32
      %add3A_509 = vector.broadcast %add3A_508 : i32 to vector<16xi32>
      %add3A_510 = arith.addi %add3A_509, %iota3A : vector<16xi32>
      %mul3A_511 = arith.constant 8 : i32
      %mul3A_512 = vector.broadcast %mul3A_511 : i32 to vector<16xi32>
      %mul3A_513 = arith.muli %add3A_510, %mul3A_512 : vector<16xi32>
      %and3A_514 = arith.constant 7 : i32
      %and3A_515 = vector.broadcast %and3A_514 : i32 to vector<16xi32>
      %and3A_516 = arith.andi %get3A_501, %and3A_515 : vector<16xi32>
      %add3A_517 = arith.addi %mul3A_513, %and3A_516 : vector<16xi32>
      %add3A_518 = arith.constant 32 : i32
      %add3A_519 = vector.broadcast %add3A_518 : i32 to vector<16xi32>
      %add3A_520 = arith.addi %add3A_519, %iota3A : vector<16xi32>
      %mul3A_521 = arith.constant 8 : i32
      %mul3A_522 = vector.broadcast %mul3A_521 : i32 to vector<16xi32>
      %mul3A_523 = arith.muli %add3A_520, %mul3A_522 : vector<16xi32>
      %and3A_524 = arith.constant 7 : i32
      %and3A_525 = vector.broadcast %and3A_524 : i32 to vector<16xi32>
      %and3A_526 = arith.andi %get3A_507, %and3A_525 : vector<16xi32>
      %add3A_527 = arith.addi %mul3A_523, %and3A_526 : vector<16xi32>
      %broadcast_in_dim3A_528 = arith.constant 0.000000e+00 : f32
      %broadcast_in_dim3A_529 = vector.broadcast %broadcast_in_dim3A_528 : f32 to vector<16xf32>
      %broadcast_in_dim3A_530 = arith.constant 0 : i32
      %broadcast_in_dim3A_531 = vector.broadcast %broadcast_in_dim3A_530 : i32 to vector<16xi32>
      %broadcast_in_dim3A_532 = arith.constant 0 : i32
      %broadcast_in_dim3A_533 = vector.broadcast %broadcast_in_dim3A_532 : i32 to vector<16xi32>
      %gather3A_534 = tpu.vector_load_idx %arg9[%broadcast_in_dim3A_531, %broadcast_in_dim3A_533, %add3A_517] : memref<4x8x512xf32, #tpu.memory_space<vmem>>[vector<16xi32>, vector<16xi32>, vector<16xi32>], vector<16xf32>,
      %gather3A_535 = tpu.vector_load_idx %arg10[%broadcast_in_dim3A_531, %broadcast_in_dim3A_533, %add3A_527] : memref<4x8x512xf32, #tpu.memory_space<vmem>>[vector<16xi32>, vector<16xi32>, vector<16xi32>], vector<16xf32>,
      %mul3A_536 = arith.mulf %gather3A_534, %gather3A_535 : vector<16xf32>
      %add3A_537 = arith.addf %broadcast_in_dim3A_529, %mul3A_536 : vector<16xf32>
      %broadcast_in_dim3A_538 = arith.constant 1 : i32
      %broadcast_in_dim3A_539 = vector.broadcast %broadcast_in_dim3A_538 : i32 to vector<16xi32>
      %gather3A_540 = tpu.vector_load_idx %arg9[%broadcast_in_dim3A_531, %broadcast_in_dim3A_539, %add3A_517] : memref<4x8x512xf32, #tpu.memory_space<vmem>>[vector<16xi32>, vector<16xi32>, vector<16xi32>], vector<16xf32>,
      %gather3A_541 = tpu.vector_load_idx %arg10[%broadcast_in_dim3A_531, %broadcast_in_dim3A_539, %add3A_527] : memref<4x8x512xf32, #tpu.memory_space<vmem>>[vector<16xi32>, vector<16xi32>, vector<16xi32>], vector<16xf32>,
      %mul3A_542 = arith.mulf %gather3A_540, %gather3A_541 : vector<16xf32>
      %add3A_543 = arith.addf %add3A_537, %mul3A_542 : vector<16xf32>
      %broadcast_in_dim3A_544 = arith.constant 2 : i32
      %broadcast_in_dim3A_545 = vector.broadcast %broadcast_in_dim3A_544 : i32 to vector<16xi32>
      %gather3A_546 = tpu.vector_load_idx %arg9[%broadcast_in_dim3A_531, %broadcast_in_dim3A_545, %add3A_517] : memref<4x8x512xf32, #tpu.memory_space<vmem>>[vector<16xi32>, vector<16xi32>, vector<16xi32>], vector<16xf32>,
      %gather3A_547 = tpu.vector_load_idx %arg10[%broadcast_in_dim3A_531, %broadcast_in_dim3A_545, %add3A_527] : memref<4x8x512xf32, #tpu.memory_space<vmem>>[vector<16xi32>, vector<16xi32>, vector<16xi32>], vector<16xf32>,
      %mul3A_548 = arith.mulf %gather3A_546, %gather3A_547 : vector<16xf32>
      %add3A_549 = arith.addf %add3A_543, %mul3A_548 : vector<16xf32>
      %broadcast_in_dim3A_550 = arith.constant 3 : i32
      %broadcast_in_dim3A_551 = vector.broadcast %broadcast_in_dim3A_550 : i32 to vector<16xi32>
      %gather3A_552 = tpu.vector_load_idx %arg9[%broadcast_in_dim3A_531, %broadcast_in_dim3A_551, %add3A_517] : memref<4x8x512xf32, #tpu.memory_space<vmem>>[vector<16xi32>, vector<16xi32>, vector<16xi32>], vector<16xf32>,
      %gather3A_553 = tpu.vector_load_idx %arg10[%broadcast_in_dim3A_531, %broadcast_in_dim3A_551, %add3A_527] : memref<4x8x512xf32, #tpu.memory_space<vmem>>[vector<16xi32>, vector<16xi32>, vector<16xi32>], vector<16xf32>,
      %mul3A_554 = arith.mulf %gather3A_552, %gather3A_553 : vector<16xf32>
      %add3A_555 = arith.addf %add3A_549, %mul3A_554 : vector<16xf32>
      %broadcast_in_dim3A_556 = arith.constant 4 : i32
      %broadcast_in_dim3A_557 = vector.broadcast %broadcast_in_dim3A_556 : i32 to vector<16xi32>
      %gather3A_558 = tpu.vector_load_idx %arg9[%broadcast_in_dim3A_531, %broadcast_in_dim3A_557, %add3A_517] : memref<4x8x512xf32, #tpu.memory_space<vmem>>[vector<16xi32>, vector<16xi32>, vector<16xi32>], vector<16xf32>,
      %gather3A_559 = tpu.vector_load_idx %arg10[%broadcast_in_dim3A_531, %broadcast_in_dim3A_557, %add3A_527] : memref<4x8x512xf32, #tpu.memory_space<vmem>>[vector<16xi32>, vector<16xi32>, vector<16xi32>], vector<16xf32>,
      %mul3A_560 = arith.mulf %gather3A_558, %gather3A_559 : vector<16xf32>
      %add3A_561 = arith.addf %add3A_555, %mul3A_560 : vector<16xf32>
      %broadcast_in_dim3A_562 = arith.constant 5 : i32
      %broadcast_in_dim3A_563 = vector.broadcast %broadcast_in_dim3A_562 : i32 to vector<16xi32>
      %gather3A_564 = tpu.vector_load_idx %arg9[%broadcast_in_dim3A_531, %broadcast_in_dim3A_563, %add3A_517] : memref<4x8x512xf32, #tpu.memory_space<vmem>>[vector<16xi32>, vector<16xi32>, vector<16xi32>], vector<16xf32>,
      %gather3A_565 = tpu.vector_load_idx %arg10[%broadcast_in_dim3A_531, %broadcast_in_dim3A_563, %add3A_527] : memref<4x8x512xf32, #tpu.memory_space<vmem>>[vector<16xi32>, vector<16xi32>, vector<16xi32>], vector<16xf32>,
      %mul3A_566 = arith.mulf %gather3A_564, %gather3A_565 : vector<16xf32>
      %add3A_567 = arith.addf %add3A_561, %mul3A_566 : vector<16xf32>
      %broadcast_in_dim3A_568 = arith.constant 6 : i32
      %broadcast_in_dim3A_569 = vector.broadcast %broadcast_in_dim3A_568 : i32 to vector<16xi32>
      %gather3A_570 = tpu.vector_load_idx %arg9[%broadcast_in_dim3A_531, %broadcast_in_dim3A_569, %add3A_517] : memref<4x8x512xf32, #tpu.memory_space<vmem>>[vector<16xi32>, vector<16xi32>, vector<16xi32>], vector<16xf32>,
      %gather3A_571 = tpu.vector_load_idx %arg10[%broadcast_in_dim3A_531, %broadcast_in_dim3A_569, %add3A_527] : memref<4x8x512xf32, #tpu.memory_space<vmem>>[vector<16xi32>, vector<16xi32>, vector<16xi32>], vector<16xf32>,
      %mul3A_572 = arith.mulf %gather3A_570, %gather3A_571 : vector<16xf32>
      %add3A_573 = arith.addf %add3A_567, %mul3A_572 : vector<16xf32>
      %broadcast_in_dim3A_574 = arith.constant 7 : i32
      %broadcast_in_dim3A_575 = vector.broadcast %broadcast_in_dim3A_574 : i32 to vector<16xi32>
      %gather3A_576 = tpu.vector_load_idx %arg9[%broadcast_in_dim3A_531, %broadcast_in_dim3A_575, %add3A_517] : memref<4x8x512xf32, #tpu.memory_space<vmem>>[vector<16xi32>, vector<16xi32>, vector<16xi32>], vector<16xf32>,
      %gather3A_577 = tpu.vector_load_idx %arg10[%broadcast_in_dim3A_531, %broadcast_in_dim3A_575, %add3A_527] : memref<4x8x512xf32, #tpu.memory_space<vmem>>[vector<16xi32>, vector<16xi32>, vector<16xi32>], vector<16xf32>,
      %mul3A_578 = arith.mulf %gather3A_576, %gather3A_577 : vector<16xf32>
      %add3A_579 = arith.addf %add3A_573, %mul3A_578 : vector<16xf32>
      %broadcast_in_dim3A_580 = arith.constant 1 : i32
      %broadcast_in_dim3A_581 = vector.broadcast %broadcast_in_dim3A_580 : i32 to vector<16xi32>
      %broadcast_in_dim3A_582 = arith.constant 0 : i32
      %broadcast_in_dim3A_583 = vector.broadcast %broadcast_in_dim3A_582 : i32 to vector<16xi32>
      %gather3A_584 = tpu.vector_load_idx %arg9[%broadcast_in_dim3A_581, %broadcast_in_dim3A_583, %add3A_517] : memref<4x8x512xf32, #tpu.memory_space<vmem>>[vector<16xi32>, vector<16xi32>, vector<16xi32>], vector<16xf32>,
      %gather3A_585 = tpu.vector_load_idx %arg10[%broadcast_in_dim3A_581, %broadcast_in_dim3A_583, %add3A_527] : memref<4x8x512xf32, #tpu.memory_space<vmem>>[vector<16xi32>, vector<16xi32>, vector<16xi32>], vector<16xf32>,
      %mul3A_586 = arith.mulf %gather3A_584, %gather3A_585 : vector<16xf32>
      %add3A_587 = arith.addf %add3A_579, %mul3A_586 : vector<16xf32>
      %broadcast_in_dim3A_588 = arith.constant 1 : i32
      %broadcast_in_dim3A_589 = vector.broadcast %broadcast_in_dim3A_588 : i32 to vector<16xi32>
      %gather3A_590 = tpu.vector_load_idx %arg9[%broadcast_in_dim3A_581, %broadcast_in_dim3A_589, %add3A_517] : memref<4x8x512xf32, #tpu.memory_space<vmem>>[vector<16xi32>, vector<16xi32>, vector<16xi32>], vector<16xf32>,
      %gather3A_591 = tpu.vector_load_idx %arg10[%broadcast_in_dim3A_581, %broadcast_in_dim3A_589, %add3A_527] : memref<4x8x512xf32, #tpu.memory_space<vmem>>[vector<16xi32>, vector<16xi32>, vector<16xi32>], vector<16xf32>,
      %mul3A_592 = arith.mulf %gather3A_590, %gather3A_591 : vector<16xf32>
      %add3A_593 = arith.addf %add3A_587, %mul3A_592 : vector<16xf32>
      %broadcast_in_dim3A_594 = arith.constant 2 : i32
      %broadcast_in_dim3A_595 = vector.broadcast %broadcast_in_dim3A_594 : i32 to vector<16xi32>
      %gather3A_596 = tpu.vector_load_idx %arg9[%broadcast_in_dim3A_581, %broadcast_in_dim3A_595, %add3A_517] : memref<4x8x512xf32, #tpu.memory_space<vmem>>[vector<16xi32>, vector<16xi32>, vector<16xi32>], vector<16xf32>,
      %gather3A_597 = tpu.vector_load_idx %arg10[%broadcast_in_dim3A_581, %broadcast_in_dim3A_595, %add3A_527] : memref<4x8x512xf32, #tpu.memory_space<vmem>>[vector<16xi32>, vector<16xi32>, vector<16xi32>], vector<16xf32>,
      %mul3A_598 = arith.mulf %gather3A_596, %gather3A_597 : vector<16xf32>
      %add3A_599 = arith.addf %add3A_593, %mul3A_598 : vector<16xf32>
      %broadcast_in_dim3A_600 = arith.constant 3 : i32
      %broadcast_in_dim3A_601 = vector.broadcast %broadcast_in_dim3A_600 : i32 to vector<16xi32>
      %gather3A_602 = tpu.vector_load_idx %arg9[%broadcast_in_dim3A_581, %broadcast_in_dim3A_601, %add3A_517] : memref<4x8x512xf32, #tpu.memory_space<vmem>>[vector<16xi32>, vector<16xi32>, vector<16xi32>], vector<16xf32>,
      %gather3A_603 = tpu.vector_load_idx %arg10[%broadcast_in_dim3A_581, %broadcast_in_dim3A_601, %add3A_527] : memref<4x8x512xf32, #tpu.memory_space<vmem>>[vector<16xi32>, vector<16xi32>, vector<16xi32>], vector<16xf32>,
      %mul3A_604 = arith.mulf %gather3A_602, %gather3A_603 : vector<16xf32>
      %add3A_605 = arith.addf %add3A_599, %mul3A_604 : vector<16xf32>
      %broadcast_in_dim3A_606 = arith.constant 4 : i32
      %broadcast_in_dim3A_607 = vector.broadcast %broadcast_in_dim3A_606 : i32 to vector<16xi32>
      %gather3A_608 = tpu.vector_load_idx %arg9[%broadcast_in_dim3A_581, %broadcast_in_dim3A_607, %add3A_517] : memref<4x8x512xf32, #tpu.memory_space<vmem>>[vector<16xi32>, vector<16xi32>, vector<16xi32>], vector<16xf32>,
      %gather3A_609 = tpu.vector_load_idx %arg10[%broadcast_in_dim3A_581, %broadcast_in_dim3A_607, %add3A_527] : memref<4x8x512xf32, #tpu.memory_space<vmem>>[vector<16xi32>, vector<16xi32>, vector<16xi32>], vector<16xf32>,
      %mul3A_610 = arith.mulf %gather3A_608, %gather3A_609 : vector<16xf32>
      %add3A_611 = arith.addf %add3A_605, %mul3A_610 : vector<16xf32>
      %broadcast_in_dim3A_612 = arith.constant 5 : i32
      %broadcast_in_dim3A_613 = vector.broadcast %broadcast_in_dim3A_612 : i32 to vector<16xi32>
      %gather3A_614 = tpu.vector_load_idx %arg9[%broadcast_in_dim3A_581, %broadcast_in_dim3A_613, %add3A_517] : memref<4x8x512xf32, #tpu.memory_space<vmem>>[vector<16xi32>, vector<16xi32>, vector<16xi32>], vector<16xf32>,
      %gather3A_615 = tpu.vector_load_idx %arg10[%broadcast_in_dim3A_581, %broadcast_in_dim3A_613, %add3A_527] : memref<4x8x512xf32, #tpu.memory_space<vmem>>[vector<16xi32>, vector<16xi32>, vector<16xi32>], vector<16xf32>,
      %mul3A_616 = arith.mulf %gather3A_614, %gather3A_615 : vector<16xf32>
      %add3A_617 = arith.addf %add3A_611, %mul3A_616 : vector<16xf32>
      %broadcast_in_dim3A_618 = arith.constant 6 : i32
      %broadcast_in_dim3A_619 = vector.broadcast %broadcast_in_dim3A_618 : i32 to vector<16xi32>
      %gather3A_620 = tpu.vector_load_idx %arg9[%broadcast_in_dim3A_581, %broadcast_in_dim3A_619, %add3A_517] : memref<4x8x512xf32, #tpu.memory_space<vmem>>[vector<16xi32>, vector<16xi32>, vector<16xi32>], vector<16xf32>,
      %gather3A_621 = tpu.vector_load_idx %arg10[%broadcast_in_dim3A_581, %broadcast_in_dim3A_619, %add3A_527] : memref<4x8x512xf32, #tpu.memory_space<vmem>>[vector<16xi32>, vector<16xi32>, vector<16xi32>], vector<16xf32>,
      %mul3A_622 = arith.mulf %gather3A_620, %gather3A_621 : vector<16xf32>
      %add3A_623 = arith.addf %add3A_617, %mul3A_622 : vector<16xf32>
      %broadcast_in_dim3A_624 = arith.constant 7 : i32
      %broadcast_in_dim3A_625 = vector.broadcast %broadcast_in_dim3A_624 : i32 to vector<16xi32>
      %gather3A_626 = tpu.vector_load_idx %arg9[%broadcast_in_dim3A_581, %broadcast_in_dim3A_625, %add3A_517] : memref<4x8x512xf32, #tpu.memory_space<vmem>>[vector<16xi32>, vector<16xi32>, vector<16xi32>], vector<16xf32>,
      %gather3A_627 = tpu.vector_load_idx %arg10[%broadcast_in_dim3A_581, %broadcast_in_dim3A_625, %add3A_527] : memref<4x8x512xf32, #tpu.memory_space<vmem>>[vector<16xi32>, vector<16xi32>, vector<16xi32>], vector<16xf32>,
      %mul3A_628 = arith.mulf %gather3A_626, %gather3A_627 : vector<16xf32>
      %add3A_629 = arith.addf %add3A_623, %mul3A_628 : vector<16xf32>
      %broadcast_in_dim3A_630 = arith.constant 2 : i32
      %broadcast_in_dim3A_631 = vector.broadcast %broadcast_in_dim3A_630 : i32 to vector<16xi32>
      %broadcast_in_dim3A_632 = arith.constant 0 : i32
      %broadcast_in_dim3A_633 = vector.broadcast %broadcast_in_dim3A_632 : i32 to vector<16xi32>
      %gather3A_634 = tpu.vector_load_idx %arg9[%broadcast_in_dim3A_631, %broadcast_in_dim3A_633, %add3A_517] : memref<4x8x512xf32, #tpu.memory_space<vmem>>[vector<16xi32>, vector<16xi32>, vector<16xi32>], vector<16xf32>,
      %gather3A_635 = tpu.vector_load_idx %arg10[%broadcast_in_dim3A_631, %broadcast_in_dim3A_633, %add3A_527] : memref<4x8x512xf32, #tpu.memory_space<vmem>>[vector<16xi32>, vector<16xi32>, vector<16xi32>], vector<16xf32>,
      %mul3A_636 = arith.mulf %gather3A_634, %gather3A_635 : vector<16xf32>
      %add3A_637 = arith.addf %add3A_629, %mul3A_636 : vector<16xf32>
      %broadcast_in_dim3A_638 = arith.constant 1 : i32
      %broadcast_in_dim3A_639 = vector.broadcast %broadcast_in_dim3A_638 : i32 to vector<16xi32>
      %gather3A_640 = tpu.vector_load_idx %arg9[%broadcast_in_dim3A_631, %broadcast_in_dim3A_639, %add3A_517] : memref<4x8x512xf32, #tpu.memory_space<vmem>>[vector<16xi32>, vector<16xi32>, vector<16xi32>], vector<16xf32>,
      %gather3A_641 = tpu.vector_load_idx %arg10[%broadcast_in_dim3A_631, %broadcast_in_dim3A_639, %add3A_527] : memref<4x8x512xf32, #tpu.memory_space<vmem>>[vector<16xi32>, vector<16xi32>, vector<16xi32>], vector<16xf32>,
      %mul3A_642 = arith.mulf %gather3A_640, %gather3A_641 : vector<16xf32>
      %add3A_643 = arith.addf %add3A_637, %mul3A_642 : vector<16xf32>
      %broadcast_in_dim3A_644 = arith.constant 2 : i32
      %broadcast_in_dim3A_645 = vector.broadcast %broadcast_in_dim3A_644 : i32 to vector<16xi32>
      %gather3A_646 = tpu.vector_load_idx %arg9[%broadcast_in_dim3A_631, %broadcast_in_dim3A_645, %add3A_517] : memref<4x8x512xf32, #tpu.memory_space<vmem>>[vector<16xi32>, vector<16xi32>, vector<16xi32>], vector<16xf32>,
      %gather3A_647 = tpu.vector_load_idx %arg10[%broadcast_in_dim3A_631, %broadcast_in_dim3A_645, %add3A_527] : memref<4x8x512xf32, #tpu.memory_space<vmem>>[vector<16xi32>, vector<16xi32>, vector<16xi32>], vector<16xf32>,
      %mul3A_648 = arith.mulf %gather3A_646, %gather3A_647 : vector<16xf32>
      %add3A_649 = arith.addf %add3A_643, %mul3A_648 : vector<16xf32>
      %broadcast_in_dim3A_650 = arith.constant 3 : i32
      %broadcast_in_dim3A_651 = vector.broadcast %broadcast_in_dim3A_650 : i32 to vector<16xi32>
      %gather3A_652 = tpu.vector_load_idx %arg9[%broadcast_in_dim3A_631, %broadcast_in_dim3A_651, %add3A_517] : memref<4x8x512xf32, #tpu.memory_space<vmem>>[vector<16xi32>, vector<16xi32>, vector<16xi32>], vector<16xf32>,
      %gather3A_653 = tpu.vector_load_idx %arg10[%broadcast_in_dim3A_631, %broadcast_in_dim3A_651, %add3A_527] : memref<4x8x512xf32, #tpu.memory_space<vmem>>[vector<16xi32>, vector<16xi32>, vector<16xi32>], vector<16xf32>,
      %mul3A_654 = arith.mulf %gather3A_652, %gather3A_653 : vector<16xf32>
      %add3A_655 = arith.addf %add3A_649, %mul3A_654 : vector<16xf32>
      %broadcast_in_dim3A_656 = arith.constant 4 : i32
      %broadcast_in_dim3A_657 = vector.broadcast %broadcast_in_dim3A_656 : i32 to vector<16xi32>
      %gather3A_658 = tpu.vector_load_idx %arg9[%broadcast_in_dim3A_631, %broadcast_in_dim3A_657, %add3A_517] : memref<4x8x512xf32, #tpu.memory_space<vmem>>[vector<16xi32>, vector<16xi32>, vector<16xi32>], vector<16xf32>,
      %gather3A_659 = tpu.vector_load_idx %arg10[%broadcast_in_dim3A_631, %broadcast_in_dim3A_657, %add3A_527] : memref<4x8x512xf32, #tpu.memory_space<vmem>>[vector<16xi32>, vector<16xi32>, vector<16xi32>], vector<16xf32>,
      %mul3A_660 = arith.mulf %gather3A_658, %gather3A_659 : vector<16xf32>
      %add3A_661 = arith.addf %add3A_655, %mul3A_660 : vector<16xf32>
      %broadcast_in_dim3A_662 = arith.constant 5 : i32
      %broadcast_in_dim3A_663 = vector.broadcast %broadcast_in_dim3A_662 : i32 to vector<16xi32>
      %gather3A_664 = tpu.vector_load_idx %arg9[%broadcast_in_dim3A_631, %broadcast_in_dim3A_663, %add3A_517] : memref<4x8x512xf32, #tpu.memory_space<vmem>>[vector<16xi32>, vector<16xi32>, vector<16xi32>], vector<16xf32>,
      %gather3A_665 = tpu.vector_load_idx %arg10[%broadcast_in_dim3A_631, %broadcast_in_dim3A_663, %add3A_527] : memref<4x8x512xf32, #tpu.memory_space<vmem>>[vector<16xi32>, vector<16xi32>, vector<16xi32>], vector<16xf32>,
      %mul3A_666 = arith.mulf %gather3A_664, %gather3A_665 : vector<16xf32>
      %add3A_667 = arith.addf %add3A_661, %mul3A_666 : vector<16xf32>
      %broadcast_in_dim3A_668 = arith.constant 6 : i32
      %broadcast_in_dim3A_669 = vector.broadcast %broadcast_in_dim3A_668 : i32 to vector<16xi32>
      %gather3A_670 = tpu.vector_load_idx %arg9[%broadcast_in_dim3A_631, %broadcast_in_dim3A_669, %add3A_517] : memref<4x8x512xf32, #tpu.memory_space<vmem>>[vector<16xi32>, vector<16xi32>, vector<16xi32>], vector<16xf32>,
      %gather3A_671 = tpu.vector_load_idx %arg10[%broadcast_in_dim3A_631, %broadcast_in_dim3A_669, %add3A_527] : memref<4x8x512xf32, #tpu.memory_space<vmem>>[vector<16xi32>, vector<16xi32>, vector<16xi32>], vector<16xf32>,
      %mul3A_672 = arith.mulf %gather3A_670, %gather3A_671 : vector<16xf32>
      %add3A_673 = arith.addf %add3A_667, %mul3A_672 : vector<16xf32>
      %broadcast_in_dim3A_674 = arith.constant 7 : i32
      %broadcast_in_dim3A_675 = vector.broadcast %broadcast_in_dim3A_674 : i32 to vector<16xi32>
      %gather3A_676 = tpu.vector_load_idx %arg9[%broadcast_in_dim3A_631, %broadcast_in_dim3A_675, %add3A_517] : memref<4x8x512xf32, #tpu.memory_space<vmem>>[vector<16xi32>, vector<16xi32>, vector<16xi32>], vector<16xf32>,
      %gather3A_677 = tpu.vector_load_idx %arg10[%broadcast_in_dim3A_631, %broadcast_in_dim3A_675, %add3A_527] : memref<4x8x512xf32, #tpu.memory_space<vmem>>[vector<16xi32>, vector<16xi32>, vector<16xi32>], vector<16xf32>,
      %mul3A_678 = arith.mulf %gather3A_676, %gather3A_677 : vector<16xf32>
      %add3A_679 = arith.addf %add3A_673, %mul3A_678 : vector<16xf32>
      %broadcast_in_dim3A_680 = arith.constant 3 : i32
      %broadcast_in_dim3A_681 = vector.broadcast %broadcast_in_dim3A_680 : i32 to vector<16xi32>
      %broadcast_in_dim3A_682 = arith.constant 0 : i32
      %broadcast_in_dim3A_683 = vector.broadcast %broadcast_in_dim3A_682 : i32 to vector<16xi32>
      %gather3A_684 = tpu.vector_load_idx %arg9[%broadcast_in_dim3A_681, %broadcast_in_dim3A_683, %add3A_517] : memref<4x8x512xf32, #tpu.memory_space<vmem>>[vector<16xi32>, vector<16xi32>, vector<16xi32>], vector<16xf32>,
      %gather3A_685 = tpu.vector_load_idx %arg10[%broadcast_in_dim3A_681, %broadcast_in_dim3A_683, %add3A_527] : memref<4x8x512xf32, #tpu.memory_space<vmem>>[vector<16xi32>, vector<16xi32>, vector<16xi32>], vector<16xf32>,
      %mul3A_686 = arith.mulf %gather3A_684, %gather3A_685 : vector<16xf32>
      %add3A_687 = arith.addf %add3A_679, %mul3A_686 : vector<16xf32>
      %broadcast_in_dim3A_688 = arith.constant 1 : i32
      %broadcast_in_dim3A_689 = vector.broadcast %broadcast_in_dim3A_688 : i32 to vector<16xi32>
      %gather3A_690 = tpu.vector_load_idx %arg9[%broadcast_in_dim3A_681, %broadcast_in_dim3A_689, %add3A_517] : memref<4x8x512xf32, #tpu.memory_space<vmem>>[vector<16xi32>, vector<16xi32>, vector<16xi32>], vector<16xf32>,
      %gather3A_691 = tpu.vector_load_idx %arg10[%broadcast_in_dim3A_681, %broadcast_in_dim3A_689, %add3A_527] : memref<4x8x512xf32, #tpu.memory_space<vmem>>[vector<16xi32>, vector<16xi32>, vector<16xi32>], vector<16xf32>,
      %mul3A_692 = arith.mulf %gather3A_690, %gather3A_691 : vector<16xf32>
      %add3A_693 = arith.addf %add3A_687, %mul3A_692 : vector<16xf32>
      %broadcast_in_dim3A_694 = arith.constant 2 : i32
      %broadcast_in_dim3A_695 = vector.broadcast %broadcast_in_dim3A_694 : i32 to vector<16xi32>
      %gather3A_696 = tpu.vector_load_idx %arg9[%broadcast_in_dim3A_681, %broadcast_in_dim3A_695, %add3A_517] : memref<4x8x512xf32, #tpu.memory_space<vmem>>[vector<16xi32>, vector<16xi32>, vector<16xi32>], vector<16xf32>,
      %gather3A_697 = tpu.vector_load_idx %arg10[%broadcast_in_dim3A_681, %broadcast_in_dim3A_695, %add3A_527] : memref<4x8x512xf32, #tpu.memory_space<vmem>>[vector<16xi32>, vector<16xi32>, vector<16xi32>], vector<16xf32>,
      %mul3A_698 = arith.mulf %gather3A_696, %gather3A_697 : vector<16xf32>
      %add3A_699 = arith.addf %add3A_693, %mul3A_698 : vector<16xf32>
      %broadcast_in_dim3A_700 = arith.constant 3 : i32
      %broadcast_in_dim3A_701 = vector.broadcast %broadcast_in_dim3A_700 : i32 to vector<16xi32>
      %gather3A_702 = tpu.vector_load_idx %arg9[%broadcast_in_dim3A_681, %broadcast_in_dim3A_701, %add3A_517] : memref<4x8x512xf32, #tpu.memory_space<vmem>>[vector<16xi32>, vector<16xi32>, vector<16xi32>], vector<16xf32>,
      %gather3A_703 = tpu.vector_load_idx %arg10[%broadcast_in_dim3A_681, %broadcast_in_dim3A_701, %add3A_527] : memref<4x8x512xf32, #tpu.memory_space<vmem>>[vector<16xi32>, vector<16xi32>, vector<16xi32>], vector<16xf32>,
      %mul3A_704 = arith.mulf %gather3A_702, %gather3A_703 : vector<16xf32>
      %add3A_705 = arith.addf %add3A_699, %mul3A_704 : vector<16xf32>
      %broadcast_in_dim3A_706 = arith.constant 4 : i32
      %broadcast_in_dim3A_707 = vector.broadcast %broadcast_in_dim3A_706 : i32 to vector<16xi32>
      %gather3A_708 = tpu.vector_load_idx %arg9[%broadcast_in_dim3A_681, %broadcast_in_dim3A_707, %add3A_517] : memref<4x8x512xf32, #tpu.memory_space<vmem>>[vector<16xi32>, vector<16xi32>, vector<16xi32>], vector<16xf32>,
      %gather3A_709 = tpu.vector_load_idx %arg10[%broadcast_in_dim3A_681, %broadcast_in_dim3A_707, %add3A_527] : memref<4x8x512xf32, #tpu.memory_space<vmem>>[vector<16xi32>, vector<16xi32>, vector<16xi32>], vector<16xf32>,
      %mul3A_710 = arith.mulf %gather3A_708, %gather3A_709 : vector<16xf32>
      %add3A_711 = arith.addf %add3A_705, %mul3A_710 : vector<16xf32>
      %broadcast_in_dim3A_712 = arith.constant 5 : i32
      %broadcast_in_dim3A_713 = vector.broadcast %broadcast_in_dim3A_712 : i32 to vector<16xi32>
      %gather3A_714 = tpu.vector_load_idx %arg9[%broadcast_in_dim3A_681, %broadcast_in_dim3A_713, %add3A_517] : memref<4x8x512xf32, #tpu.memory_space<vmem>>[vector<16xi32>, vector<16xi32>, vector<16xi32>], vector<16xf32>,
      %gather3A_715 = tpu.vector_load_idx %arg10[%broadcast_in_dim3A_681, %broadcast_in_dim3A_713, %add3A_527] : memref<4x8x512xf32, #tpu.memory_space<vmem>>[vector<16xi32>, vector<16xi32>, vector<16xi32>], vector<16xf32>,
      %mul3A_716 = arith.mulf %gather3A_714, %gather3A_715 : vector<16xf32>
      %add3A_717 = arith.addf %add3A_711, %mul3A_716 : vector<16xf32>
      %broadcast_in_dim3A_718 = arith.constant 6 : i32
      %broadcast_in_dim3A_719 = vector.broadcast %broadcast_in_dim3A_718 : i32 to vector<16xi32>
      %gather3A_720 = tpu.vector_load_idx %arg9[%broadcast_in_dim3A_681, %broadcast_in_dim3A_719, %add3A_517] : memref<4x8x512xf32, #tpu.memory_space<vmem>>[vector<16xi32>, vector<16xi32>, vector<16xi32>], vector<16xf32>,
      %gather3A_721 = tpu.vector_load_idx %arg10[%broadcast_in_dim3A_681, %broadcast_in_dim3A_719, %add3A_527] : memref<4x8x512xf32, #tpu.memory_space<vmem>>[vector<16xi32>, vector<16xi32>, vector<16xi32>], vector<16xf32>,
      %mul3A_722 = arith.mulf %gather3A_720, %gather3A_721 : vector<16xf32>
      %add3A_723 = arith.addf %add3A_717, %mul3A_722 : vector<16xf32>
      %broadcast_in_dim3A_724 = arith.constant 7 : i32
      %broadcast_in_dim3A_725 = vector.broadcast %broadcast_in_dim3A_724 : i32 to vector<16xi32>
      %gather3A_726 = tpu.vector_load_idx %arg9[%broadcast_in_dim3A_681, %broadcast_in_dim3A_725, %add3A_517] : memref<4x8x512xf32, #tpu.memory_space<vmem>>[vector<16xi32>, vector<16xi32>, vector<16xi32>], vector<16xf32>,
      %gather3A_727 = tpu.vector_load_idx %arg10[%broadcast_in_dim3A_681, %broadcast_in_dim3A_725, %add3A_527] : memref<4x8x512xf32, #tpu.memory_space<vmem>>[vector<16xi32>, vector<16xi32>, vector<16xi32>], vector<16xf32>,
      %mul3A_728 = arith.mulf %gather3A_726, %gather3A_727 : vector<16xf32>
      %add3A_729 = arith.addf %add3A_723, %mul3A_728 : vector<16xf32>
      %mul3A_730 = arith.constant 64 : i32
      %mul3A_731 = arith.muli %scan3A_8, %mul3A_730 : i32
      %add3A_732 = arith.constant 32 : i32
      %add3A_733 = arith.addi %mul3A_731, %add3A_732 : i32
      %swap3A_734 = arith.index_cast %add3A_733 : i32 to index
      %swap3A_735 = tpu.vector_load %arg11[%swap3A_734] {strides = array<i32>} : memref<512xf32, #tpu.memory_space<vmem>>, vector<16xf32>,
      tpu.vector_store %arg11[%swap3A_734], %add3A_729 {strides = array<i32>} : memref<512xf32, #tpu.memory_space<vmem>>, vector<16xf32>,
      %mul3A_736 = arith.constant 64 : i32
      %mul3A_737 = arith.muli %scan3A_8, %mul3A_736 : i32
      %add3A_738 = arith.constant 48 : i32
      %add3A_739 = arith.addi %mul3A_737, %add3A_738 : i32
      %get3A_740 = arith.index_cast %add3A_739 : i32 to index
      %get3A_741 = tpu.vector_load %arg7[%get3A_740] {strides = array<i32>} : memref<528xi32, #tpu.memory_space<vmem>>, vector<16xi32>,
      %mul3A_742 = arith.constant 64 : i32
      %mul3A_743 = arith.muli %scan3A_8, %mul3A_742 : i32
      %add3A_744 = arith.constant 48 : i32
      %add3A_745 = arith.addi %mul3A_743, %add3A_744 : i32
      %get3A_746 = arith.index_cast %add3A_745 : i32 to index
      %get3A_747 = tpu.vector_load %arg8[%get3A_746] {strides = array<i32>} : memref<528xi32, #tpu.memory_space<vmem>>, vector<16xi32>,
      %add3A_748 = arith.constant 48 : i32
      %add3A_749 = vector.broadcast %add3A_748 : i32 to vector<16xi32>
      %add3A_750 = arith.addi %add3A_749, %iota3A : vector<16xi32>
      %mul3A_751 = arith.constant 8 : i32
      %mul3A_752 = vector.broadcast %mul3A_751 : i32 to vector<16xi32>
      %mul3A_753 = arith.muli %add3A_750, %mul3A_752 : vector<16xi32>
      %and3A_754 = arith.constant 7 : i32
      %and3A_755 = vector.broadcast %and3A_754 : i32 to vector<16xi32>
      %and3A_756 = arith.andi %get3A_741, %and3A_755 : vector<16xi32>
      %add3A_757 = arith.addi %mul3A_753, %and3A_756 : vector<16xi32>
      %add3A_758 = arith.constant 48 : i32
      %add3A_759 = vector.broadcast %add3A_758 : i32 to vector<16xi32>
      %add3A_760 = arith.addi %add3A_759, %iota3A : vector<16xi32>
      %mul3A_761 = arith.constant 8 : i32
      %mul3A_762 = vector.broadcast %mul3A_761 : i32 to vector<16xi32>
      %mul3A_763 = arith.muli %add3A_760, %mul3A_762 : vector<16xi32>
      %and3A_764 = arith.constant 7 : i32
      %and3A_765 = vector.broadcast %and3A_764 : i32 to vector<16xi32>
      %and3A_766 = arith.andi %get3A_747, %and3A_765 : vector<16xi32>
      %add3A_767 = arith.addi %mul3A_763, %and3A_766 : vector<16xi32>
      %broadcast_in_dim3A_768 = arith.constant 0.000000e+00 : f32
      %broadcast_in_dim3A_769 = vector.broadcast %broadcast_in_dim3A_768 : f32 to vector<16xf32>
      %broadcast_in_dim3A_770 = arith.constant 0 : i32
      %broadcast_in_dim3A_771 = vector.broadcast %broadcast_in_dim3A_770 : i32 to vector<16xi32>
      %broadcast_in_dim3A_772 = arith.constant 0 : i32
      %broadcast_in_dim3A_773 = vector.broadcast %broadcast_in_dim3A_772 : i32 to vector<16xi32>
      %gather3A_774 = tpu.vector_load_idx %arg9[%broadcast_in_dim3A_771, %broadcast_in_dim3A_773, %add3A_757] : memref<4x8x512xf32, #tpu.memory_space<vmem>>[vector<16xi32>, vector<16xi32>, vector<16xi32>], vector<16xf32>,
      %gather3A_775 = tpu.vector_load_idx %arg10[%broadcast_in_dim3A_771, %broadcast_in_dim3A_773, %add3A_767] : memref<4x8x512xf32, #tpu.memory_space<vmem>>[vector<16xi32>, vector<16xi32>, vector<16xi32>], vector<16xf32>,
      %mul3A_776 = arith.mulf %gather3A_774, %gather3A_775 : vector<16xf32>
      %add3A_777 = arith.addf %broadcast_in_dim3A_769, %mul3A_776 : vector<16xf32>
      %broadcast_in_dim3A_778 = arith.constant 1 : i32
      %broadcast_in_dim3A_779 = vector.broadcast %broadcast_in_dim3A_778 : i32 to vector<16xi32>
      %gather3A_780 = tpu.vector_load_idx %arg9[%broadcast_in_dim3A_771, %broadcast_in_dim3A_779, %add3A_757] : memref<4x8x512xf32, #tpu.memory_space<vmem>>[vector<16xi32>, vector<16xi32>, vector<16xi32>], vector<16xf32>,
      %gather3A_781 = tpu.vector_load_idx %arg10[%broadcast_in_dim3A_771, %broadcast_in_dim3A_779, %add3A_767] : memref<4x8x512xf32, #tpu.memory_space<vmem>>[vector<16xi32>, vector<16xi32>, vector<16xi32>], vector<16xf32>,
      %mul3A_782 = arith.mulf %gather3A_780, %gather3A_781 : vector<16xf32>
      %add3A_783 = arith.addf %add3A_777, %mul3A_782 : vector<16xf32>
      %broadcast_in_dim3A_784 = arith.constant 2 : i32
      %broadcast_in_dim3A_785 = vector.broadcast %broadcast_in_dim3A_784 : i32 to vector<16xi32>
      %gather3A_786 = tpu.vector_load_idx %arg9[%broadcast_in_dim3A_771, %broadcast_in_dim3A_785, %add3A_757] : memref<4x8x512xf32, #tpu.memory_space<vmem>>[vector<16xi32>, vector<16xi32>, vector<16xi32>], vector<16xf32>,
      %gather3A_787 = tpu.vector_load_idx %arg10[%broadcast_in_dim3A_771, %broadcast_in_dim3A_785, %add3A_767] : memref<4x8x512xf32, #tpu.memory_space<vmem>>[vector<16xi32>, vector<16xi32>, vector<16xi32>], vector<16xf32>,
      %mul3A_788 = arith.mulf %gather3A_786, %gather3A_787 : vector<16xf32>
      %add3A_789 = arith.addf %add3A_783, %mul3A_788 : vector<16xf32>
      %broadcast_in_dim3A_790 = arith.constant 3 : i32
      %broadcast_in_dim3A_791 = vector.broadcast %broadcast_in_dim3A_790 : i32 to vector<16xi32>
      %gather3A_792 = tpu.vector_load_idx %arg9[%broadcast_in_dim3A_771, %broadcast_in_dim3A_791, %add3A_757] : memref<4x8x512xf32, #tpu.memory_space<vmem>>[vector<16xi32>, vector<16xi32>, vector<16xi32>], vector<16xf32>,
      %gather3A_793 = tpu.vector_load_idx %arg10[%broadcast_in_dim3A_771, %broadcast_in_dim3A_791, %add3A_767] : memref<4x8x512xf32, #tpu.memory_space<vmem>>[vector<16xi32>, vector<16xi32>, vector<16xi32>], vector<16xf32>,
      %mul3A_794 = arith.mulf %gather3A_792, %gather3A_793 : vector<16xf32>
      %add3A_795 = arith.addf %add3A_789, %mul3A_794 : vector<16xf32>
      %broadcast_in_dim3A_796 = arith.constant 4 : i32
      %broadcast_in_dim3A_797 = vector.broadcast %broadcast_in_dim3A_796 : i32 to vector<16xi32>
      %gather3A_798 = tpu.vector_load_idx %arg9[%broadcast_in_dim3A_771, %broadcast_in_dim3A_797, %add3A_757] : memref<4x8x512xf32, #tpu.memory_space<vmem>>[vector<16xi32>, vector<16xi32>, vector<16xi32>], vector<16xf32>,
      %gather3A_799 = tpu.vector_load_idx %arg10[%broadcast_in_dim3A_771, %broadcast_in_dim3A_797, %add3A_767] : memref<4x8x512xf32, #tpu.memory_space<vmem>>[vector<16xi32>, vector<16xi32>, vector<16xi32>], vector<16xf32>,
      %mul3A_800 = arith.mulf %gather3A_798, %gather3A_799 : vector<16xf32>
      %add3A_801 = arith.addf %add3A_795, %mul3A_800 : vector<16xf32>
      %broadcast_in_dim3A_802 = arith.constant 5 : i32
      %broadcast_in_dim3A_803 = vector.broadcast %broadcast_in_dim3A_802 : i32 to vector<16xi32>
      %gather3A_804 = tpu.vector_load_idx %arg9[%broadcast_in_dim3A_771, %broadcast_in_dim3A_803, %add3A_757] : memref<4x8x512xf32, #tpu.memory_space<vmem>>[vector<16xi32>, vector<16xi32>, vector<16xi32>], vector<16xf32>,
      %gather3A_805 = tpu.vector_load_idx %arg10[%broadcast_in_dim3A_771, %broadcast_in_dim3A_803, %add3A_767] : memref<4x8x512xf32, #tpu.memory_space<vmem>>[vector<16xi32>, vector<16xi32>, vector<16xi32>], vector<16xf32>,
      %mul3A_806 = arith.mulf %gather3A_804, %gather3A_805 : vector<16xf32>
      %add3A_807 = arith.addf %add3A_801, %mul3A_806 : vector<16xf32>
      %broadcast_in_dim3A_808 = arith.constant 6 : i32
      %broadcast_in_dim3A_809 = vector.broadcast %broadcast_in_dim3A_808 : i32 to vector<16xi32>
      %gather3A_810 = tpu.vector_load_idx %arg9[%broadcast_in_dim3A_771, %broadcast_in_dim3A_809, %add3A_757] : memref<4x8x512xf32, #tpu.memory_space<vmem>>[vector<16xi32>, vector<16xi32>, vector<16xi32>], vector<16xf32>,
      %gather3A_811 = tpu.vector_load_idx %arg10[%broadcast_in_dim3A_771, %broadcast_in_dim3A_809, %add3A_767] : memref<4x8x512xf32, #tpu.memory_space<vmem>>[vector<16xi32>, vector<16xi32>, vector<16xi32>], vector<16xf32>,
      %mul3A_812 = arith.mulf %gather3A_810, %gather3A_811 : vector<16xf32>
      %add3A_813 = arith.addf %add3A_807, %mul3A_812 : vector<16xf32>
      %broadcast_in_dim3A_814 = arith.constant 7 : i32
      %broadcast_in_dim3A_815 = vector.broadcast %broadcast_in_dim3A_814 : i32 to vector<16xi32>
      %gather3A_816 = tpu.vector_load_idx %arg9[%broadcast_in_dim3A_771, %broadcast_in_dim3A_815, %add3A_757] : memref<4x8x512xf32, #tpu.memory_space<vmem>>[vector<16xi32>, vector<16xi32>, vector<16xi32>], vector<16xf32>,
      %gather3A_817 = tpu.vector_load_idx %arg10[%broadcast_in_dim3A_771, %broadcast_in_dim3A_815, %add3A_767] : memref<4x8x512xf32, #tpu.memory_space<vmem>>[vector<16xi32>, vector<16xi32>, vector<16xi32>], vector<16xf32>,
      %mul3A_818 = arith.mulf %gather3A_816, %gather3A_817 : vector<16xf32>
      %add3A_819 = arith.addf %add3A_813, %mul3A_818 : vector<16xf32>
      %broadcast_in_dim3A_820 = arith.constant 1 : i32
      %broadcast_in_dim3A_821 = vector.broadcast %broadcast_in_dim3A_820 : i32 to vector<16xi32>
      %broadcast_in_dim3A_822 = arith.constant 0 : i32
      %broadcast_in_dim3A_823 = vector.broadcast %broadcast_in_dim3A_822 : i32 to vector<16xi32>
      %gather3A_824 = tpu.vector_load_idx %arg9[%broadcast_in_dim3A_821, %broadcast_in_dim3A_823, %add3A_757] : memref<4x8x512xf32, #tpu.memory_space<vmem>>[vector<16xi32>, vector<16xi32>, vector<16xi32>], vector<16xf32>,
      %gather3A_825 = tpu.vector_load_idx %arg10[%broadcast_in_dim3A_821, %broadcast_in_dim3A_823, %add3A_767] : memref<4x8x512xf32, #tpu.memory_space<vmem>>[vector<16xi32>, vector<16xi32>, vector<16xi32>], vector<16xf32>,
      %mul3A_826 = arith.mulf %gather3A_824, %gather3A_825 : vector<16xf32>
      %add3A_827 = arith.addf %add3A_819, %mul3A_826 : vector<16xf32>
      %broadcast_in_dim3A_828 = arith.constant 1 : i32
      %broadcast_in_dim3A_829 = vector.broadcast %broadcast_in_dim3A_828 : i32 to vector<16xi32>
      %gather3A_830 = tpu.vector_load_idx %arg9[%broadcast_in_dim3A_821, %broadcast_in_dim3A_829, %add3A_757] : memref<4x8x512xf32, #tpu.memory_space<vmem>>[vector<16xi32>, vector<16xi32>, vector<16xi32>], vector<16xf32>,
      %gather3A_831 = tpu.vector_load_idx %arg10[%broadcast_in_dim3A_821, %broadcast_in_dim3A_829, %add3A_767] : memref<4x8x512xf32, #tpu.memory_space<vmem>>[vector<16xi32>, vector<16xi32>, vector<16xi32>], vector<16xf32>,
      %mul3A_832 = arith.mulf %gather3A_830, %gather3A_831 : vector<16xf32>
      %add3A_833 = arith.addf %add3A_827, %mul3A_832 : vector<16xf32>
      %broadcast_in_dim3A_834 = arith.constant 2 : i32
      %broadcast_in_dim3A_835 = vector.broadcast %broadcast_in_dim3A_834 : i32 to vector<16xi32>
      %gather3A_836 = tpu.vector_load_idx %arg9[%broadcast_in_dim3A_821, %broadcast_in_dim3A_835, %add3A_757] : memref<4x8x512xf32, #tpu.memory_space<vmem>>[vector<16xi32>, vector<16xi32>, vector<16xi32>], vector<16xf32>,
      %gather3A_837 = tpu.vector_load_idx %arg10[%broadcast_in_dim3A_821, %broadcast_in_dim3A_835, %add3A_767] : memref<4x8x512xf32, #tpu.memory_space<vmem>>[vector<16xi32>, vector<16xi32>, vector<16xi32>], vector<16xf32>,
      %mul3A_838 = arith.mulf %gather3A_836, %gather3A_837 : vector<16xf32>
      %add3A_839 = arith.addf %add3A_833, %mul3A_838 : vector<16xf32>
      %broadcast_in_dim3A_840 = arith.constant 3 : i32
      %broadcast_in_dim3A_841 = vector.broadcast %broadcast_in_dim3A_840 : i32 to vector<16xi32>
      %gather3A_842 = tpu.vector_load_idx %arg9[%broadcast_in_dim3A_821, %broadcast_in_dim3A_841, %add3A_757] : memref<4x8x512xf32, #tpu.memory_space<vmem>>[vector<16xi32>, vector<16xi32>, vector<16xi32>], vector<16xf32>,
      %gather3A_843 = tpu.vector_load_idx %arg10[%broadcast_in_dim3A_821, %broadcast_in_dim3A_841, %add3A_767] : memref<4x8x512xf32, #tpu.memory_space<vmem>>[vector<16xi32>, vector<16xi32>, vector<16xi32>], vector<16xf32>,
      %mul3A_844 = arith.mulf %gather3A_842, %gather3A_843 : vector<16xf32>
      %add3A_845 = arith.addf %add3A_839, %mul3A_844 : vector<16xf32>
      %broadcast_in_dim3A_846 = arith.constant 4 : i32
      %broadcast_in_dim3A_847 = vector.broadcast %broadcast_in_dim3A_846 : i32 to vector<16xi32>
      %gather3A_848 = tpu.vector_load_idx %arg9[%broadcast_in_dim3A_821, %broadcast_in_dim3A_847, %add3A_757] : memref<4x8x512xf32, #tpu.memory_space<vmem>>[vector<16xi32>, vector<16xi32>, vector<16xi32>], vector<16xf32>,
      %gather3A_849 = tpu.vector_load_idx %arg10[%broadcast_in_dim3A_821, %broadcast_in_dim3A_847, %add3A_767] : memref<4x8x512xf32, #tpu.memory_space<vmem>>[vector<16xi32>, vector<16xi32>, vector<16xi32>], vector<16xf32>,
      %mul3A_850 = arith.mulf %gather3A_848, %gather3A_849 : vector<16xf32>
      %add3A_851 = arith.addf %add3A_845, %mul3A_850 : vector<16xf32>
      %broadcast_in_dim3A_852 = arith.constant 5 : i32
      %broadcast_in_dim3A_853 = vector.broadcast %broadcast_in_dim3A_852 : i32 to vector<16xi32>
      %gather3A_854 = tpu.vector_load_idx %arg9[%broadcast_in_dim3A_821, %broadcast_in_dim3A_853, %add3A_757] : memref<4x8x512xf32, #tpu.memory_space<vmem>>[vector<16xi32>, vector<16xi32>, vector<16xi32>], vector<16xf32>,
      %gather3A_855 = tpu.vector_load_idx %arg10[%broadcast_in_dim3A_821, %broadcast_in_dim3A_853, %add3A_767] : memref<4x8x512xf32, #tpu.memory_space<vmem>>[vector<16xi32>, vector<16xi32>, vector<16xi32>], vector<16xf32>,
      %mul3A_856 = arith.mulf %gather3A_854, %gather3A_855 : vector<16xf32>
      %add3A_857 = arith.addf %add3A_851, %mul3A_856 : vector<16xf32>
      %broadcast_in_dim3A_858 = arith.constant 6 : i32
      %broadcast_in_dim3A_859 = vector.broadcast %broadcast_in_dim3A_858 : i32 to vector<16xi32>
      %gather3A_860 = tpu.vector_load_idx %arg9[%broadcast_in_dim3A_821, %broadcast_in_dim3A_859, %add3A_757] : memref<4x8x512xf32, #tpu.memory_space<vmem>>[vector<16xi32>, vector<16xi32>, vector<16xi32>], vector<16xf32>,
      %gather3A_861 = tpu.vector_load_idx %arg10[%broadcast_in_dim3A_821, %broadcast_in_dim3A_859, %add3A_767] : memref<4x8x512xf32, #tpu.memory_space<vmem>>[vector<16xi32>, vector<16xi32>, vector<16xi32>], vector<16xf32>,
      %mul3A_862 = arith.mulf %gather3A_860, %gather3A_861 : vector<16xf32>
      %add3A_863 = arith.addf %add3A_857, %mul3A_862 : vector<16xf32>
      %broadcast_in_dim3A_864 = arith.constant 7 : i32
      %broadcast_in_dim3A_865 = vector.broadcast %broadcast_in_dim3A_864 : i32 to vector<16xi32>
      %gather3A_866 = tpu.vector_load_idx %arg9[%broadcast_in_dim3A_821, %broadcast_in_dim3A_865, %add3A_757] : memref<4x8x512xf32, #tpu.memory_space<vmem>>[vector<16xi32>, vector<16xi32>, vector<16xi32>], vector<16xf32>,
      %gather3A_867 = tpu.vector_load_idx %arg10[%broadcast_in_dim3A_821, %broadcast_in_dim3A_865, %add3A_767] : memref<4x8x512xf32, #tpu.memory_space<vmem>>[vector<16xi32>, vector<16xi32>, vector<16xi32>], vector<16xf32>,
      %mul3A_868 = arith.mulf %gather3A_866, %gather3A_867 : vector<16xf32>
      %add3A_869 = arith.addf %add3A_863, %mul3A_868 : vector<16xf32>
      %broadcast_in_dim3A_870 = arith.constant 2 : i32
      %broadcast_in_dim3A_871 = vector.broadcast %broadcast_in_dim3A_870 : i32 to vector<16xi32>
      %broadcast_in_dim3A_872 = arith.constant 0 : i32
      %broadcast_in_dim3A_873 = vector.broadcast %broadcast_in_dim3A_872 : i32 to vector<16xi32>
      %gather3A_874 = tpu.vector_load_idx %arg9[%broadcast_in_dim3A_871, %broadcast_in_dim3A_873, %add3A_757] : memref<4x8x512xf32, #tpu.memory_space<vmem>>[vector<16xi32>, vector<16xi32>, vector<16xi32>], vector<16xf32>,
      %gather3A_875 = tpu.vector_load_idx %arg10[%broadcast_in_dim3A_871, %broadcast_in_dim3A_873, %add3A_767] : memref<4x8x512xf32, #tpu.memory_space<vmem>>[vector<16xi32>, vector<16xi32>, vector<16xi32>], vector<16xf32>,
      %mul3A_876 = arith.mulf %gather3A_874, %gather3A_875 : vector<16xf32>
      %add3A_877 = arith.addf %add3A_869, %mul3A_876 : vector<16xf32>
      %broadcast_in_dim3A_878 = arith.constant 1 : i32
      %broadcast_in_dim3A_879 = vector.broadcast %broadcast_in_dim3A_878 : i32 to vector<16xi32>
      %gather3A_880 = tpu.vector_load_idx %arg9[%broadcast_in_dim3A_871, %broadcast_in_dim3A_879, %add3A_757] : memref<4x8x512xf32, #tpu.memory_space<vmem>>[vector<16xi32>, vector<16xi32>, vector<16xi32>], vector<16xf32>,
      %gather3A_881 = tpu.vector_load_idx %arg10[%broadcast_in_dim3A_871, %broadcast_in_dim3A_879, %add3A_767] : memref<4x8x512xf32, #tpu.memory_space<vmem>>[vector<16xi32>, vector<16xi32>, vector<16xi32>], vector<16xf32>,
      %mul3A_882 = arith.mulf %gather3A_880, %gather3A_881 : vector<16xf32>
      %add3A_883 = arith.addf %add3A_877, %mul3A_882 : vector<16xf32>
      %broadcast_in_dim3A_884 = arith.constant 2 : i32
      %broadcast_in_dim3A_885 = vector.broadcast %broadcast_in_dim3A_884 : i32 to vector<16xi32>
      %gather3A_886 = tpu.vector_load_idx %arg9[%broadcast_in_dim3A_871, %broadcast_in_dim3A_885, %add3A_757] : memref<4x8x512xf32, #tpu.memory_space<vmem>>[vector<16xi32>, vector<16xi32>, vector<16xi32>], vector<16xf32>,
      %gather3A_887 = tpu.vector_load_idx %arg10[%broadcast_in_dim3A_871, %broadcast_in_dim3A_885, %add3A_767] : memref<4x8x512xf32, #tpu.memory_space<vmem>>[vector<16xi32>, vector<16xi32>, vector<16xi32>], vector<16xf32>,
      %mul3A_888 = arith.mulf %gather3A_886, %gather3A_887 : vector<16xf32>
      %add3A_889 = arith.addf %add3A_883, %mul3A_888 : vector<16xf32>
      %broadcast_in_dim3A_890 = arith.constant 3 : i32
      %broadcast_in_dim3A_891 = vector.broadcast %broadcast_in_dim3A_890 : i32 to vector<16xi32>
      %gather3A_892 = tpu.vector_load_idx %arg9[%broadcast_in_dim3A_871, %broadcast_in_dim3A_891, %add3A_757] : memref<4x8x512xf32, #tpu.memory_space<vmem>>[vector<16xi32>, vector<16xi32>, vector<16xi32>], vector<16xf32>,
      %gather3A_893 = tpu.vector_load_idx %arg10[%broadcast_in_dim3A_871, %broadcast_in_dim3A_891, %add3A_767] : memref<4x8x512xf32, #tpu.memory_space<vmem>>[vector<16xi32>, vector<16xi32>, vector<16xi32>], vector<16xf32>,
      %mul3A_894 = arith.mulf %gather3A_892, %gather3A_893 : vector<16xf32>
      %add3A_895 = arith.addf %add3A_889, %mul3A_894 : vector<16xf32>
      %broadcast_in_dim3A_896 = arith.constant 4 : i32
      %broadcast_in_dim3A_897 = vector.broadcast %broadcast_in_dim3A_896 : i32 to vector<16xi32>
      %gather3A_898 = tpu.vector_load_idx %arg9[%broadcast_in_dim3A_871, %broadcast_in_dim3A_897, %add3A_757] : memref<4x8x512xf32, #tpu.memory_space<vmem>>[vector<16xi32>, vector<16xi32>, vector<16xi32>], vector<16xf32>,
      %gather3A_899 = tpu.vector_load_idx %arg10[%broadcast_in_dim3A_871, %broadcast_in_dim3A_897, %add3A_767] : memref<4x8x512xf32, #tpu.memory_space<vmem>>[vector<16xi32>, vector<16xi32>, vector<16xi32>], vector<16xf32>,
      %mul3A_900 = arith.mulf %gather3A_898, %gather3A_899 : vector<16xf32>
      %add3A_901 = arith.addf %add3A_895, %mul3A_900 : vector<16xf32>
      %broadcast_in_dim3A_902 = arith.constant 5 : i32
      %broadcast_in_dim3A_903 = vector.broadcast %broadcast_in_dim3A_902 : i32 to vector<16xi32>
      %gather3A_904 = tpu.vector_load_idx %arg9[%broadcast_in_dim3A_871, %broadcast_in_dim3A_903, %add3A_757] : memref<4x8x512xf32, #tpu.memory_space<vmem>>[vector<16xi32>, vector<16xi32>, vector<16xi32>], vector<16xf32>,
      %gather3A_905 = tpu.vector_load_idx %arg10[%broadcast_in_dim3A_871, %broadcast_in_dim3A_903, %add3A_767] : memref<4x8x512xf32, #tpu.memory_space<vmem>>[vector<16xi32>, vector<16xi32>, vector<16xi32>], vector<16xf32>,
      %mul3A_906 = arith.mulf %gather3A_904, %gather3A_905 : vector<16xf32>
      %add3A_907 = arith.addf %add3A_901, %mul3A_906 : vector<16xf32>
      %broadcast_in_dim3A_908 = arith.constant 6 : i32
      %broadcast_in_dim3A_909 = vector.broadcast %broadcast_in_dim3A_908 : i32 to vector<16xi32>
      %gather3A_910 = tpu.vector_load_idx %arg9[%broadcast_in_dim3A_871, %broadcast_in_dim3A_909, %add3A_757] : memref<4x8x512xf32, #tpu.memory_space<vmem>>[vector<16xi32>, vector<16xi32>, vector<16xi32>], vector<16xf32>,
      %gather3A_911 = tpu.vector_load_idx %arg10[%broadcast_in_dim3A_871, %broadcast_in_dim3A_909, %add3A_767] : memref<4x8x512xf32, #tpu.memory_space<vmem>>[vector<16xi32>, vector<16xi32>, vector<16xi32>], vector<16xf32>,
      %mul3A_912 = arith.mulf %gather3A_910, %gather3A_911 : vector<16xf32>
      %add3A_913 = arith.addf %add3A_907, %mul3A_912 : vector<16xf32>
      %broadcast_in_dim3A_914 = arith.constant 7 : i32
      %broadcast_in_dim3A_915 = vector.broadcast %broadcast_in_dim3A_914 : i32 to vector<16xi32>
      %gather3A_916 = tpu.vector_load_idx %arg9[%broadcast_in_dim3A_871, %broadcast_in_dim3A_915, %add3A_757] : memref<4x8x512xf32, #tpu.memory_space<vmem>>[vector<16xi32>, vector<16xi32>, vector<16xi32>], vector<16xf32>,
      %gather3A_917 = tpu.vector_load_idx %arg10[%broadcast_in_dim3A_871, %broadcast_in_dim3A_915, %add3A_767] : memref<4x8x512xf32, #tpu.memory_space<vmem>>[vector<16xi32>, vector<16xi32>, vector<16xi32>], vector<16xf32>,
      %mul3A_918 = arith.mulf %gather3A_916, %gather3A_917 : vector<16xf32>
      %add3A_919 = arith.addf %add3A_913, %mul3A_918 : vector<16xf32>
      %broadcast_in_dim3A_920 = arith.constant 3 : i32
      %broadcast_in_dim3A_921 = vector.broadcast %broadcast_in_dim3A_920 : i32 to vector<16xi32>
      %broadcast_in_dim3A_922 = arith.constant 0 : i32
      %broadcast_in_dim3A_923 = vector.broadcast %broadcast_in_dim3A_922 : i32 to vector<16xi32>
      %gather3A_924 = tpu.vector_load_idx %arg9[%broadcast_in_dim3A_921, %broadcast_in_dim3A_923, %add3A_757] : memref<4x8x512xf32, #tpu.memory_space<vmem>>[vector<16xi32>, vector<16xi32>, vector<16xi32>], vector<16xf32>,
      %gather3A_925 = tpu.vector_load_idx %arg10[%broadcast_in_dim3A_921, %broadcast_in_dim3A_923, %add3A_767] : memref<4x8x512xf32, #tpu.memory_space<vmem>>[vector<16xi32>, vector<16xi32>, vector<16xi32>], vector<16xf32>,
      %mul3A_926 = arith.mulf %gather3A_924, %gather3A_925 : vector<16xf32>
      %add3A_927 = arith.addf %add3A_919, %mul3A_926 : vector<16xf32>
      %broadcast_in_dim3A_928 = arith.constant 1 : i32
      %broadcast_in_dim3A_929 = vector.broadcast %broadcast_in_dim3A_928 : i32 to vector<16xi32>
      %gather3A_930 = tpu.vector_load_idx %arg9[%broadcast_in_dim3A_921, %broadcast_in_dim3A_929, %add3A_757] : memref<4x8x512xf32, #tpu.memory_space<vmem>>[vector<16xi32>, vector<16xi32>, vector<16xi32>], vector<16xf32>,
      %gather3A_931 = tpu.vector_load_idx %arg10[%broadcast_in_dim3A_921, %broadcast_in_dim3A_929, %add3A_767] : memref<4x8x512xf32, #tpu.memory_space<vmem>>[vector<16xi32>, vector<16xi32>, vector<16xi32>], vector<16xf32>,
      %mul3A_932 = arith.mulf %gather3A_930, %gather3A_931 : vector<16xf32>
      %add3A_933 = arith.addf %add3A_927, %mul3A_932 : vector<16xf32>
      %broadcast_in_dim3A_934 = arith.constant 2 : i32
      %broadcast_in_dim3A_935 = vector.broadcast %broadcast_in_dim3A_934 : i32 to vector<16xi32>
      %gather3A_936 = tpu.vector_load_idx %arg9[%broadcast_in_dim3A_921, %broadcast_in_dim3A_935, %add3A_757] : memref<4x8x512xf32, #tpu.memory_space<vmem>>[vector<16xi32>, vector<16xi32>, vector<16xi32>], vector<16xf32>,
      %gather3A_937 = tpu.vector_load_idx %arg10[%broadcast_in_dim3A_921, %broadcast_in_dim3A_935, %add3A_767] : memref<4x8x512xf32, #tpu.memory_space<vmem>>[vector<16xi32>, vector<16xi32>, vector<16xi32>], vector<16xf32>,
      %mul3A_938 = arith.mulf %gather3A_936, %gather3A_937 : vector<16xf32>
      %add3A_939 = arith.addf %add3A_933, %mul3A_938 : vector<16xf32>
      %broadcast_in_dim3A_940 = arith.constant 3 : i32
      %broadcast_in_dim3A_941 = vector.broadcast %broadcast_in_dim3A_940 : i32 to vector<16xi32>
      %gather3A_942 = tpu.vector_load_idx %arg9[%broadcast_in_dim3A_921, %broadcast_in_dim3A_941, %add3A_757] : memref<4x8x512xf32, #tpu.memory_space<vmem>>[vector<16xi32>, vector<16xi32>, vector<16xi32>], vector<16xf32>,
      %gather3A_943 = tpu.vector_load_idx %arg10[%broadcast_in_dim3A_921, %broadcast_in_dim3A_941, %add3A_767] : memref<4x8x512xf32, #tpu.memory_space<vmem>>[vector<16xi32>, vector<16xi32>, vector<16xi32>], vector<16xf32>,
      %mul3A_944 = arith.mulf %gather3A_942, %gather3A_943 : vector<16xf32>
      %add3A_945 = arith.addf %add3A_939, %mul3A_944 : vector<16xf32>
      %broadcast_in_dim3A_946 = arith.constant 4 : i32
      %broadcast_in_dim3A_947 = vector.broadcast %broadcast_in_dim3A_946 : i32 to vector<16xi32>
      %gather3A_948 = tpu.vector_load_idx %arg9[%broadcast_in_dim3A_921, %broadcast_in_dim3A_947, %add3A_757] : memref<4x8x512xf32, #tpu.memory_space<vmem>>[vector<16xi32>, vector<16xi32>, vector<16xi32>], vector<16xf32>,
      %gather3A_949 = tpu.vector_load_idx %arg10[%broadcast_in_dim3A_921, %broadcast_in_dim3A_947, %add3A_767] : memref<4x8x512xf32, #tpu.memory_space<vmem>>[vector<16xi32>, vector<16xi32>, vector<16xi32>], vector<16xf32>,
      %mul3A_950 = arith.mulf %gather3A_948, %gather3A_949 : vector<16xf32>
      %add3A_951 = arith.addf %add3A_945, %mul3A_950 : vector<16xf32>
      %broadcast_in_dim3A_952 = arith.constant 5 : i32
      %broadcast_in_dim3A_953 = vector.broadcast %broadcast_in_dim3A_952 : i32 to vector<16xi32>
      %gather3A_954 = tpu.vector_load_idx %arg9[%broadcast_in_dim3A_921, %broadcast_in_dim3A_953, %add3A_757] : memref<4x8x512xf32, #tpu.memory_space<vmem>>[vector<16xi32>, vector<16xi32>, vector<16xi32>], vector<16xf32>,
      %gather3A_955 = tpu.vector_load_idx %arg10[%broadcast_in_dim3A_921, %broadcast_in_dim3A_953, %add3A_767] : memref<4x8x512xf32, #tpu.memory_space<vmem>>[vector<16xi32>, vector<16xi32>, vector<16xi32>], vector<16xf32>,
      %mul3A_956 = arith.mulf %gather3A_954, %gather3A_955 : vector<16xf32>
      %add3A_957 = arith.addf %add3A_951, %mul3A_956 : vector<16xf32>
      %broadcast_in_dim3A_958 = arith.constant 6 : i32
      %broadcast_in_dim3A_959 = vector.broadcast %broadcast_in_dim3A_958 : i32 to vector<16xi32>
      %gather3A_960 = tpu.vector_load_idx %arg9[%broadcast_in_dim3A_921, %broadcast_in_dim3A_959, %add3A_757] : memref<4x8x512xf32, #tpu.memory_space<vmem>>[vector<16xi32>, vector<16xi32>, vector<16xi32>], vector<16xf32>,
      %gather3A_961 = tpu.vector_load_idx %arg10[%broadcast_in_dim3A_921, %broadcast_in_dim3A_959, %add3A_767] : memref<4x8x512xf32, #tpu.memory_space<vmem>>[vector<16xi32>, vector<16xi32>, vector<16xi32>], vector<16xf32>,
      %mul3A_962 = arith.mulf %gather3A_960, %gather3A_961 : vector<16xf32>
      %add3A_963 = arith.addf %add3A_957, %mul3A_962 : vector<16xf32>
      %broadcast_in_dim3A_964 = arith.constant 7 : i32
      %broadcast_in_dim3A_965 = vector.broadcast %broadcast_in_dim3A_964 : i32 to vector<16xi32>
      %gather3A_966 = tpu.vector_load_idx %arg9[%broadcast_in_dim3A_921, %broadcast_in_dim3A_965, %add3A_757] : memref<4x8x512xf32, #tpu.memory_space<vmem>>[vector<16xi32>, vector<16xi32>, vector<16xi32>], vector<16xf32>,
      %gather3A_967 = tpu.vector_load_idx %arg10[%broadcast_in_dim3A_921, %broadcast_in_dim3A_965, %add3A_767] : memref<4x8x512xf32, #tpu.memory_space<vmem>>[vector<16xi32>, vector<16xi32>, vector<16xi32>], vector<16xf32>,
      %mul3A_968 = arith.mulf %gather3A_966, %gather3A_967 : vector<16xf32>
      %add3A_969 = arith.addf %add3A_963, %mul3A_968 : vector<16xf32>
      %mul3A_970 = arith.constant 64 : i32
      %mul3A_971 = arith.muli %scan3A_8, %mul3A_970 : i32
      %add3A_972 = arith.constant 48 : i32
      %add3A_973 = arith.addi %mul3A_971, %add3A_972 : i32
      %swap3A_974 = arith.index_cast %add3A_973 : i32 to index
      %swap3A_975 = tpu.vector_load %arg11[%swap3A_974] {strides = array<i32>} : memref<512xf32, #tpu.memory_space<vmem>>, vector<16xf32>,
      tpu.vector_store %arg11[%swap3A_974], %add3A_969 {strides = array<i32>} : memref<512xf32, #tpu.memory_space<vmem>>, vector<16xf32>,
    }
    %scan3A_5 = arith.constant 8 : i32
    %mul3A_6 = arith.constant 512 : i32
    %mul3A_7 = arith.muli %add3A, %mul3A_6 : i32
    "tpu.region"() ({
      %run_scoped3A = tpu.sem_alloc : memref<!tpu.dma_semaphore, #tpu.memory_space<semaphore_mem>>
      %dma_start3A = tpu.memref_slice %arg6[%mul3A_7] : memref<16384xf32, #tpu.memory_space<hbm>> -> memref<512xf32, #tpu.memory_space<hbm>>
      %dma_start3A_8 = tpu.memref_slice %arg6[%mul3A_7] : memref<16384xf32, #tpu.memory_space<hbm>> -> memref<512xf32, #tpu.memory_space<hbm>>
      tpu.enqueue_dma source(%arg11 : memref<512xf32, #tpu.memory_space<vmem>>) target(%dma_start3A_8 : memref<512xf32, #tpu.memory_space<hbm>>) target_semaphore(%run_scoped3A : memref<!tpu.dma_semaphore, #tpu.memory_space<semaphore_mem>>)
      %dma_wait3A = tpu.memref_slice %arg6[%mul3A_7] : memref<16384xf32, #tpu.memory_space<hbm>> -> memref<512xf32, #tpu.memory_space<hbm>>
      %dma_wait3A_9 = tpu.memref_slice %arg6[%mul3A_7] : memref<16384xf32, #tpu.memory_space<hbm>> -> memref<512xf32, #tpu.memory_space<hbm>>
      tpu.wait_dma2 semaphore(%run_scoped3A : memref<!tpu.dma_semaphore, #tpu.memory_space<semaphore_mem>>) src(%arg11 : memref<512xf32, #tpu.memory_space<vmem>>) dst(%dma_wait3A_9 : memref<512xf32, #tpu.memory_space<hbm>>)
      tpu.yield
    }) : () -> ()
    return
  }
}

</mosaic_0001>

<sc_bundles>
// kernel: kernel.3.cloned.1.call-start
scs
__scs_entry_jumppad:
0x0: {  	(pc) =	sbr.rel $0x88, $3  }
0x1: {  	(tag) =	ssettag $0x0;
	lr =	simm.s32 $0x1  }
0x2: {  	[smem:$0x3F9E] =	sst lr;
	_ =	strace $0xD0000000  }
0x3: {  	_ = 	snop  }
0x4: {  	_ = 	snop  }
0x5: {  	_ = 	snop  }
0x6: {  	_ = 	snop  }
0x7: {  	_ = 	snop  }
__scs_overlays_trampoline_lowered:
0x8: {  	[smem:$0x3FAD] =	sst s0  }
0x9: {  	[smem:$0x3FAE] =	sst s1  }
0xa: {  	[smem:$0x3FAF] =	sst s2  }
0xb: {  	[smem:$0x3FB0] =	sst s3  }
0xc: {  	[smem:$0x3FB1] =	sst s4  }
0xd: {  	[smem:$0x3FB2] =	sst s5  }
0xe: {  	[smem:$0x3FB3] =	sst s6  }
0xf: {  	[smem:$0x3FB4] =	sst s7  }
0x10: {  	[smem:$0x3FB5] =	sst s8  }
0x11: {  	[smem:$0x3FB6] =	sst s9;
	s0 =	simm.s32 @!p0 $0x0  }
0x12: {  	s1 =	sld [smem:$0x3F9C];
	s0 =	simm.s32 @p0 $0x1  }
0x13: {  	[smem:$0x3FB7] =	sst s0;
	s0 =	simm.s32 @!p1 $0x0  }
0x14: {  	s2 =	sld [smem:$0x3F9B];
	s0 =	simm.s32 @p1 $0x1  }
0x15: {  	[smem:$0x3FB8] =	sst s0;
	s0 =	simm.s32 @!p2 $0x0  }
0x16: {  	s3 =	sld [smem:$0x3FDB];
	s0 =	simm.s32 @p2 $0x1  }
0x17: {  	s4 =	simm.s32 $0x1BF5;
	[smem:$0x3FBA] =	sst s0  }
0x18: {  	s0 =	sld [smem:$0x3F9D];
	_ =	swait.ge [sflag:s4], $0x0  }
0x19: {  	s7 =	sld [smem:$0x3F9E]  }
0x1a: {  	s8 =	sadd.s32 $0xFFFFE003, lr  }
0x1b: {  	s9 =	sadd.s32 $0xFFFFFEF7, lr;
	s5 =	simm.s32 $0xFFFFFFFF;
	p2 =	slt.u32 s8, $0xFFFFF086  }
0x1c: {  	p1 =	slt.u32 s9, $0xF7A;
	s5 =	simm.s32 @!p2 $0x0  }
0x1d: {  	s5 =	simm.s32 @p1 $0x1;
	p0 =	seq.s32 s7, s2  }
0x1e: {  	s7 =	smul.u32 @!p0 $0xF7A, s2;
	p2 =	seq.s32 @!p0 s5, $0x0  }
0x1f: {  	s9 =	smul.u32 $0xF7A, s1;
	s8 =	simm.s32 @!p0 $0x1BF5;
	p2 =	por !p2, p0  }
0x20: {  	[sflag:s8] =	ssyncset.s32 @!p0 $0xFFFFF086;
	s6 =	sadd.s32 @!p0 s3, s7;
	s7 =	simm.s32 @!p0 $0x108  }
0x21: {  	s3 =	sadd.s32 s3, s9;
	s6 =	sadd.s32 @!p0 $0x88, s6;
	s7 =	simm.s32 @p2 $0x1082  }
0x22: {  	[simem:s7], [sflag:s8] =	dma.local @!p0 [hbm:s6], $0xF7A  }
0x23: {  	s9 =	sor.u32 $0xD0000000, s2;
	s6 =	simm.s32 $0x108;
	_ =	swait.ge @!p0 [sflag:s8], $0x0  }
0x24: {  	s3 =	sadd.s32 $0x88, s3;
	s6 =	simm.s32 @!p1 $0x1082;
	[sflag:s4] =	ssyncset.s32 $0xFFFFF086  }
0x25: {  	[simem:s6], [sflag:s4] =	dma.local [hbm:s3], $0xF7A  }
0x26: {  	[smem:$0x3F9E] =	sst s1;
	(tag) =	ssettag s2;
	_ =	strace s9  }
0x27: {  	s1 =	sld [smem:$0x3FAE]  }
0x28: {  	s2 =	sld [smem:$0x3FAF]  }
0x29: {  	s4 =	sld [smem:$0x3FB1]  }
0x2a: {  	p0 =	seq.s32 s5, $0x0;
	s5 =	sld [smem:$0x3FB2]  }
0x2b: {  	s6 =	sld [smem:$0x3FB3]  }
0x2c: {  	s7 =	sld [smem:$0x3FB4]  }
0x2d: {  	s3 =	simm.s32 $0x108;
	s8 =	sld [smem:$0x3FB5]  }
0x2e: {  	s3 =	simm.s32 @!p0 $0x1082;
	s9 =	sld [smem:$0x3FB6]  }
0x2f: {  	lr =	sadd.s32 s0, s3;
	s0 =	sld [smem:$0x3FAD]  }
0x30: {  	s3 =	sld [smem:$0x3FB0]  }
0x31: {  	[smem:$0x3FB9] =	sst s10  }
0x32: {  	s10 =	sld [smem:$0x3FB7];
	_ =	sdelay $0x3  }
0x33: {  	p0 =	seq.s32 s10, $0x1;
	s10 =	sld [smem:$0x3FB9];
	_ =	sdelay $0x3  }
0x34: {  	[smem:$0x3FB9] =	sst s10  }
0x35: {  	s10 =	sld [smem:$0x3FB8];
	_ =	sdelay $0x3  }
0x36: {  	p1 =	seq.s32 s10, $0x1;
	s10 =	sld [smem:$0x3FB9];
	_ =	sdelay $0x3  }
0x37: {  	[smem:$0x3FB9] =	sst s10  }
0x38: {  	s10 =	sld [smem:$0x3FBA]  }
0x39: {  	_ = 	snop;
	(pc) =	sbr.ind lr, $3  }
0x3a: {  	_ = 	snop  }
0x3b: {  	_ = 	snop  }
0x3c: {  	p2 =	seq.s32 s10, $0x1;
	s10 =	sld [smem:$0x3FB9]  }
0x3d: {  	_ =	shalt  }
0x3e: {  	_ =	shalt  }
0x3f: {  	_ =	shalt  }
0x40: {  	_ =	shalt  }
0x41: {  	_ =	shalt  }
0x42: {  	_ =	shalt  }
0x43: {  	_ =	shalt  }
0x44: {  	_ =	shalt  }
0x45: {  	_ =	shalt  }
0x46: {  	_ =	shalt  }
0x47: {  	_ =	shalt  }
0x48: {  	_ =	shalt  }
0x49: {  	_ =	shalt  }
0x4a: {  	_ =	shalt  }
0x4b: {  	_ =	shalt  }
0x4c: {  	_ =	shalt  }
0x4d: {  	_ =	shalt  }
0x4e: {  	_ =	shalt  }
0x4f: {  	_ =	shalt  }
0x50: {  	_ =	shalt  }
0x51: {  	_ =	shalt  }
0x52: {  	_ =	shalt  }
0x53: {  	_ =	shalt  }
0x54: {  	_ =	shalt  }
0x55: {  	_ =	shalt  }
0x56: {  	_ =	shalt  }
0x57: {  	_ =	shalt  }
0x58: {  	_ =	shalt  }
0x59: {  	_ =	shalt  }
0x5a: {  	_ =	shalt  }
0x5b: {  	_ =	shalt  }
0x5c: {  	_ =	shalt  }
0x5d: {  	_ =	shalt  }
0x5e: {  	_ =	shalt  }
0x5f: {  	_ =	shalt  }
0x60: {  	_ =	shalt  }
0x61: {  	_ =	shalt  }
0x62: {  	_ =	shalt  }
0x63: {  	_ =	shalt  }
0x64: {  	_ =	shalt  }
0x65: {  	_ =	shalt  }
0x66: {  	_ =	shalt  }
0x67: {  	_ =	shalt  }
0x68: {  	_ =	shalt  }
0x69: {  	_ =	shalt  }
0x6a: {  	_ =	shalt  }
0x6b: {  	_ =	shalt  }
0x6c: {  	_ =	shalt  }
0x6d: {  	_ =	shalt  }
0x6e: {  	_ =	shalt  }
0x6f: {  	_ =	shalt  }
0x70: {  	_ =	shalt  }
0x71: {  	_ =	shalt  }
0x72: {  	_ =	shalt  }
0x73: {  	_ =	shalt  }
0x74: {  	_ =	shalt  }
0x75: {  	_ =	shalt  }
0x76: {  	_ =	shalt  }
0x77: {  	_ =	shalt  }
0x78: {  	_ =	shalt  }
0x79: {  	_ =	shalt  }
0x7a: {  	_ =	shalt  }
0x7b: {  	_ =	shalt  }
0x7c: {  	_ =	shalt  }
0x7d: {  	_ =	shalt  }
0x7e: {  	_ =	shalt  }
0x7f: {  	_ =	shalt  }
0x80: {  	_ =	shalt  }
0x81: {  	_ =	shalt  }
0x82: {  	_ =	shalt  }
0x83: {  	_ =	shalt  }
0x84: {  	_ =	shalt  }
0x85: {  	_ =	shalt  }
0x86: {  	_ =	shalt  }
0x87: {  	_ =	shalt  }
.Lfunc_end0:
.L_simem_size_0:
called_computation_lowered:
.L_overlay_start_0:
0x88: {  	s2 =	sld [smem:$0x3FD9]  }
0x89: {  	s3 =	sld [smem:$0x3FFE];
	_ =	sdelay $0x1  }
0x8a: {  	s1 =	srdreg.scid  }
0x8b: {  	s0 =	sand.u32 $0x1, s1  }
0x8c: {  	s17 =	sshll.u32 s0, $0xA;
	s2 =	sadd.s32 s3, s2  }
0x8d: {  	s2 =	sadd.s32 s2, s17  }
0x8e: {  	[smem:$0x3FC5] =	sst s2  }
0x8f: {  	_ = 	snop  }
0x90: {  	s2 =	sld [smem:$0x3FC8]  }
0x91: {  	s18 =	sld [smem:$0x3FC7]  }
0x92: {  	s4 =	sld [smem:$0x3FD0];
	(tm) =	ssettm $0x1  }
0x93: {  	s5 =	sld [smem:$0x3FFB];
	_ =	sdelay $0x3  }
0x94: {  	_ =	strace s5  }
0x95: {  	s5 =	sld [smem:$0x3FFC];
	_ =	sdelay $0x3  }
0x96: {  	_ =	strace s5  }
0x97: {  	s5 =	sld [smem:$0x3FFD];
	_ =	sdelay $0x3  }
0x98: {  	_ =	strace s5  }
0x99: {  	_ =	strace $0x8FFFFFFF  }
0x9a: {  	s19 =	sld [smem:$0x3FDB];
	_ =	sdelay $0x1  }
0x9b: {  	s6 =	simm.s32 $_scs_section_size  }
0x9c: {  	s7 =	simm.s32 $_size__tile_overlayer_lowered;
	s8 =	simm.s32 $_tile_overlayer_lowered  }
0x9d: {  	s22 =	simm.s32 $0x1BFF;
	s21 =	sshll.u32 s8, $0x1;
	s5 =	sadd.s32 s6, s19  }
0x9e: {  	s9 =	simm.s32 $0x0;
	s20 =	sshll.u32 s7, $0x1;
	s7 =	sadd.s32 s21, s5  }
0x9f: {  	[timem:s9], [sflag:s22] =	dma.local [hbm:s7], s20  }
0xa0: {  	_ =	swait.ge [sflag:s22], s20  }
0xa1: {  	s6 =	ssub.s32 $0x0, s20;
	[sflag:s22] =	ssyncset.done $0x0  }
0xa2: {  	[sflag:s22] =	ssyncadd.s32 s6;
	_ =	sdelay $0x1  }
0xa3: {  	s23 =	simm.s32 $0x1B8B  }
0xa4: {  	_ =	swait.ge [sflag:s23], $0x1  }
0xa5: {  	[sflag:s23] =	ssyncset.done $0x0  }
0xa6: {  	s25 =	simm.s32 $0x1B8E;
	s24 =	sld [smem:$0x3FFE];
	[sflag:s23] =	ssyncadd.s32 $0xFFFFFFFF  }
0xa7: {  	s26 =	simm.s32 $execute0_lowered;
	[smem:$0x3FD2] =	sst s25  }
0xa8: {  	s7 =	sshll.u32 s26, $0x1;
	_ =	strace $0x80000046;
	[dreg:$0x1] =	wrdreg $0xFFFFFFFF  }
0xa9: {  	s28 =	simm.s32 $_size_execute0_lowered;
	s5 =	sadd.s32 s5, s7;
	[dreg:$0x0] =	wrdreg $0x0  }
0xaa: {  	s7 =	sshll.u32 s28, $0x1;
	[dreg:$0x2] =	wrdreg s5  }
0xab: {  	[dreg:$0x3] =	wrdreg s7  }
0xac: {  	[dreg:$0x4] =	wrdreg $0xC0  }
0xad: {  	_ =	task [dreg:s9], $0x5FFFF  }
0xae: {  	[dreg:$0x1] =	wrdreg $0xFFFFFFFF  }
0xaf: {  	[dreg:$0x0] =	wrdreg $0x60  }
0xb0: {  	[dreg:$0x2] =	wrdreg s24  }
0xb1: {  	[dreg:$0x3] =	wrdreg s2  }
0xb2: {  	[dreg:$0x4] =	wrdreg s18  }
0xb3: {  	[dreg:$0x5] =	wrdreg s4  }
0xb4: {  	[dreg:$0x6] =	wrdreg $0x9  }
0xb5: {  	_ =	task.clear_ibuf [dreg:s9], $0x7FFFF;
	_ =	strace $0x90000046  }
0xb6: {  	s29 =	simm.s32 $0x9;
	_ =	strace $0x80000048  }
0xb7: {  	_ =	swait.ge [sflag:s29], $0x1  }
0xb8: {  	[sflag:s29] =	ssyncadd.s32 $0xFFFFFFFF  }
0xb9: {  	_ =	strace $0x90000048  }
0xba: {  	_ =	sfence  }
0xbb: {  	s30 =	sld [smem:$0x0];
	_ =	sdelay $0x2  }
0xbc: {  	s31 =	sshll.u32 s1, $0xD;
	s1 =	sshrl.u32 s1, $0x2  }
0xbd: {  	s3 =	sand.u32 $0x4000, s31;
	s1 =	sadd.s32 s1, s30  }
0xbe: {  	s0 =	sor.u32 s3, s0;
	s1 =	sshll.u32 s1, $0x11  }
0xbf: {  	s0 =	sor.u32 s1, s0  }
0xc0: {  	s0 =	sadd.s32 $0x8F2B, s0  }
0xc1: {  	[sflag:s0] =	ssyncadd.remote.s32 $0x1  }
0xc2: {  	_ =	sfence.sel $0xFFFF  }
0xc3: {  	[dreg:$0x0] =	wrdreg $0xFFFFFFFF;
	(pc) =	sbr.abs _section_cstart, $3  }
0xc4: {  	[dreg:$0x1] =	wrdreg $0xFFFFFFFF  }
0xc5: {  	_ =	task.clear_ibuf [dreg:s9], $0x2FFFF;
	_ =	strace $0x9FFFFFFF  }
0xc6: {  	(tm) =	ssettm $0x7FFFFFFF  }
0xc7: {  	_ =	shalt  }
tec
execute0_lowered:
.L_overlay_start_1:
0x0: {  	(tag) =	ssettag $0x1  }
0x1: {  	v0 =	vlaneseq.u32  }
0x2: {  	v0 =	vmul.u32 $0x8, v0;
	_ =	sdelay $0x1  }
0x3: {  	v1 =	vor.u32 $0x80, v0;
	v17 =	vor.u32 $0x2080, v0;
	v18 =	vor.u32 $0x2100, v0  }
0x4: {  	v19 =	vor.u32 $0x2180, v0;
	v20 =	vor.u32 $0x2200, v0;
	v21 =	vor.u32 $0x2280, v0  }
0x5: {  	v22 =	vor.u32 $0x2300, v0;
	v23 =	vor.u32 $0x2380, v0;
	v24 =	vor.u32 $0x3000, v0  }
0x6: {  	v25 =	vor.u32 $0x3080, v0;
	v26 =	vor.u32 $0x3100, v0;
	v27 =	vor.u32 $0x3180, v0  }
0x7: {  	v28 =	vor.u32 $0x3200, v0;
	v29 =	vor.u32 $0x3280, v0;
	[tilespmem:$0x1FF00] =	vst v1;
	v1 =	vor.u32 $0x100, v0  }
0x8: {  	v30 =	vor.u32 $0x3300, v0;
	v31 =	vor.u32 $0x3380, v0;
	[tilespmem:$0x1FF10] =	vst v1;
	v1 =	vor.u32 $0x180, v0  }
0x9: {  	v32 =	vor.u32 $0x400, v0;
	v33 =	vor.u32 $0x480, v0;
	[tilespmem:$0x1FF20] =	vst v1;
	v1 =	vor.u32 $0x200, v0  }
0xa: {  	s3 =	rddreg [dreg:$0x0];
	v34 =	vor.u32 $0x500, v0;
	v35 =	vor.u32 $0x580, v0;
	[tilespmem:$0x1FF30] =	vst v1;
	v1 =	vor.u32 $0x280, v0  }
0xb: {  	s0 =	rddreg [dreg:$0x1];
	v36 =	vor.u32 $0x600, v0;
	v37 =	vor.u32 $0x680, v0;
	[tilespmem:$0x1FF40] =	vst v1;
	v1 =	vor.u32 $0x300, v0  }
0xc: {  	s29 =	rddreg [dreg:$0x2];
	v38 =	vor.u32 $0x700, v0;
	v39 =	vor.u32 $0x780, v0;
	[tilespmem:$0x1FF50] =	vst v1;
	v1 =	vor.u32 $0x380, v0  }
0xd: {  	s1 =	srdreg.scid;
	s5 =	rddreg [dreg:$0x3];
	v40 =	vor.u32 $0x1400, v0;
	v41 =	vor.u32 $0x1480, v0;
	[tilespmem:$0x1FF60] =	vst v1;
	v1 =	vor.u32 $0x1000, v0  }
0xe: {  	s9 =	simm.s32 $0x2;
	s10 =	simm.s32 $0x1;
	s11 =	simm.s32 $0x500;
	v42 =	vor.u32 $0x1500, v0;
	v43 =	vor.u32 $0x1580, v0;
	[tilespmem:$0x1FF70] =	vst v1;
	v1 =	vor.u32 $0x1080, v0  }
0xf: {  	s12 =	simm.s32 $0x4500;
	s13 =	simm.s32 $0x8500;
	[dreg:$0x5] =	wrdreg s0;
	v44 =	vor.u32 $0x1600, v0;
	v45 =	vor.u32 $0x1680, v0;
	[tilespmem:$0x1FF80] =	vst v1;
	v1 =	vor.u32 $0x1100, v0  }
0x10: {  	s14 =	simm.s32 $0x0;
	[dreg:$0x6] =	wrdreg s29;
	s0 =	stileid.u32;
	v46 =	vor.u32 $0x1700, v0;
	v47 =	vor.u32 $0x1780, v0;
	[tilespmem:$0x1FF90] =	vst v1;
	v1 =	vor.u32 $0x1180, v0  }
0x11: {  	s4 =	sand.u32 $0x1, s1;
	s1 =	rddreg [dreg:$0x4];
	s2 =	sshll.u32 s0, $0x1;
	v48 =	vor.u32 $0x2400, v0;
	v49 =	vor.u32 $0x2480, v0;
	[tilespmem:$0x1FFA0] =	vst v1;
	v1 =	vor.u32 $0x1200, v0  }
0x12: {  	s7 =	sshll.u32 s0, $0x7;
	s6 =	sor.u32 s4, s2;
	s2 =	simm.s32 $0x0;
	v50 =	vor.u32 $0x2500, v0;
	v51 =	vor.u32 $0x2580, v0;
	[tilespmem:$0x1FFB0] =	vst v1;
	v1 =	vor.u32 $0x1280, v0  }
0x13: {  	s4 =	ssub.s32 $0x2, s4;
	v52 =	vor.u32 $0x2600, v0;
	v53 =	vor.u32 $0x2680, v0;
	s8 =	sshll.u32 s6, $0x4;
	[smem:$0x7FF] =	sst s2;
	[tilespmem:$0x1FFC0] =	vst v1;
	v1 =	vor.u32 $0x1300, v0  }
0x14: {  	v54 =	vor.u32 $0x2700, v0;
	v55 =	vor.u32 $0x2780, v0;
	s30 =	sshrl.u32 s4, $0x1;
	s6 =	sshll.u32 s6, $0x6;
	s7 =	sor.u32 s7, s8;
	[tilespmem:$0x1FFD0] =	vst v1;
	v1 =	vor.u32 $0x1380, v0  }
0x15: {  	v56 =	vor.u32 $0x3400, v0;
	v57 =	vor.u32 $0x3480, v0;
	s31 =	ssub.s32 s4, s30;
	s5 =	sadd.s32 s5, s6;
	s7 =	sand.u32 $0x670, s7;
	[tilespmem:$0x1FFE0] =	vst v1;
	v1 =	vor.u32 $0x2000, v0  }
0x16: {  	v58 =	vor.u32 $0x3500, v0;
	v59 =	vor.u32 $0x3580, v0;
	v60 =	vor.u32 $0x3600, v0;
	s8 =	simm.s32 $0x400;
	s6 =	smax.u32 s31, $0x1;
	s3 =	sadd.s32 s3, s7;
	[tilespmem:$0x1FFF0] =	vst v1  }
0x17: {  	v61 =	vor.u32 $0x3680, v0;
	v62 =	vor.u32 $0x3700, v0;
	v63 =	vor.u32 $0x3780, v0;
	s7 =	simm.s32 $0x80;
	s4 =	sadd.s32 $0x800, s3;
	_ =	strace $0x80000047  }
.LBB2_1:
0x18: {  	[tilespmem:s2], [sflag:$0x2] =	stream.strided.gather [hbm4b:s4+s7], $0x200, s8, s7, $0x38;
	[tilespmem:$0x8700] =	vst v63  }
0x19: {  	_ =	swait.ge [sflag:s9], $0x200  }
0x1a: {  	[sflag:s9] =	ssyncset.done $0x0  }
0x1b: {  	s15 =	simm.s32 $0x280;
	[sflag:s9] =	ssyncadd.s32 $0xFFFFFE00  }
0x1c: {  	[tilespmem:s15], [sflag:$0x2] =	stream.strided.gather [hbm4b:s3+s7], $0x200, s8, s7, $0x38;
	[tilespmem:$0x8700] =	vst v63  }
0x1d: {  	_ =	swait.ge [sflag:s9], $0x200  }
0x1e: {  	[sflag:s9] =	ssyncset.done $0x0  }
0x1f: {  	s16 =	simm.s32 $0x0;
	s17 =	simm.s32 $0x0;
	[sflag:s9] =	ssyncadd.s32 $0xFFFFFE00  }
.LBB2_2:
0x20: {  	v1 =	vld [tilespmem:s16+$0x0];
	_ =	sdelay $0x4  }
0x21: {  	(v2sf) =	vpush v1, $0x0;
	_ =	sdelay $0xe  }
0x22: {  	s19 =	simm.s32 $0x0;
	s20 =	spop (v2sf)  }
0x23: {  	s18 =	rddreg [dreg:$0x5];
	s21 =	sand.u32 $0xC00, s19;
	s20 =	sand.u32 $0x1FFFFF80, s20  }
0x24: {  	s19 =	sadd.s32 $0x500, s21;
	s18 =	sadd.s32 s18, s20  }
0x25: {  	v1 =	vld [tilespmem:s15+$0x0];
	[tilespmem:s19], [sflag:$0x1] =	stream.linear.gather [hbm4b:s18+s2], $0x8, $0x38  }
0x26: {  	s26 =	sadd.s32 $0x580, s21;
	s25 =	sadd.s32 $0x10, s18  }
0x27: {  	[tilespmem:s26], [sflag:$0x1] =	stream.linear.gather [hbm4b:s25+s2], $0x8, $0x38;
	[tilespmem:$0x8700] =	vst v63  }
0x28: {  	s29 =	sadd.s32 $0x600, s21;
	s28 =	sadd.s32 $0x20, s18  }
0x29: {  	[tilespmem:s29], [sflag:$0x1] =	stream.linear.gather [hbm4b:s28+s2], $0x8, $0x38;
	[tilespmem:$0x8700] =	vst v63  }
0x2a: {  	s31 =	sadd.s32 $0x680, s21;
	s30 =	sadd.s32 $0x30, s18  }
0x2b: {  	[tilespmem:s31], [sflag:$0x1] =	stream.linear.gather [hbm4b:s30+s2], $0x8, $0x38;
	[tilespmem:$0x8700] =	vst v63  }
0x2c: {  	s22 =	sadd.s32 $0x700, s21;
	s20 =	sadd.s32 $0x40, s18  }
0x2d: {  	[tilespmem:s22], [sflag:$0x1] =	stream.linear.gather [hbm4b:s20+s2], $0x8, $0x38;
	[tilespmem:$0x8700] =	vst v63  }
0x2e: {  	s24 =	sadd.s32 $0x780, s21;
	s23 =	sadd.s32 $0x50, s18  }
0x2f: {  	[tilespmem:s24], [sflag:$0x1] =	stream.linear.gather [hbm4b:s23+s2], $0x8, $0x38;
	[tilespmem:$0x8700] =	vst v63  }
0x30: {  	s25 =	sadd.s32 $0x60, s18;
	s26 =	sadd.s32 $0x800, s21  }
0x31: {  	[tilespmem:s26], [sflag:$0x1] =	stream.linear.gather [hbm4b:s25+s2], $0x8, $0x38;
	[tilespmem:$0x8700] =	vst v63  }
0x32: {  	s28 =	sadd.s32 $0x70, s18;
	s29 =	sadd.s32 $0x880, s21  }
0x33: {  	[tilespmem:s29], [sflag:$0x1] =	stream.linear.gather [hbm4b:s28+s2], $0x8, $0x38;
	[tilespmem:$0x8700] =	vst v63  }
0x34: {  	s19 =	sadd.s32 $0xF4280, s18;
	s30 =	sadd.s32 $0x1500, s21  }
0x35: {  	[tilespmem:s30], [sflag:$0x1] =	stream.linear.gather [hbm4b:s19+s2], $0x8, $0x38;
	[tilespmem:$0x8700] =	vst v63  }
0x36: {  	s31 =	sadd.s32 $0x10, s19;
	s22 =	sadd.s32 $0x1580, s21  }
0x37: {  	[tilespmem:s22], [sflag:$0x1] =	stream.linear.gather [hbm4b:s31+s2], $0x8, $0x38;
	[tilespmem:$0x8700] =	vst v63  }
0x38: {  	s23 =	sadd.s32 $0x20, s19;
	s24 =	sadd.s32 $0x1600, s21  }
0x39: {  	[tilespmem:s24], [sflag:$0x1] =	stream.linear.gather [hbm4b:s23+s2], $0x8, $0x38;
	[tilespmem:$0x8700] =	vst v63  }
0x3a: {  	s25 =	sadd.s32 $0x30, s19;
	s26 =	sadd.s32 $0x1680, s21  }
0x3b: {  	[tilespmem:s26], [sflag:$0x1] =	stream.linear.gather [hbm4b:s25+s2], $0x8, $0x38;
	[tilespmem:$0x8700] =	vst v63  }
0x3c: {  	s28 =	sadd.s32 $0x40, s19;
	s29 =	sadd.s32 $0x1700, s21  }
0x3d: {  	[tilespmem:s29], [sflag:$0x1] =	stream.linear.gather [hbm4b:s28+s2], $0x8, $0x38;
	[tilespmem:$0x8700] =	vst v63  }
0x3e: {  	s30 =	sadd.s32 $0x50, s19;
	s31 =	sadd.s32 $0x1780, s21  }
0x3f: {  	[tilespmem:s31], [sflag:$0x1] =	stream.linear.gather [hbm4b:s30+s2], $0x8, $0x38;
	[tilespmem:$0x8700] =	vst v63  }
0x40: {  	s23 =	sadd.s32 $0x60, s19;
	s24 =	sadd.s32 $0x1800, s21  }
0x41: {  	[tilespmem:s24], [sflag:$0x1] =	stream.linear.gather [hbm4b:s23+s2], $0x8, $0x38;
	[tilespmem:$0x8700] =	vst v63  }
0x42: {  	s19 =	sadd.s32 $0x70, s19;
	s25 =	sadd.s32 $0x1880, s21  }
0x43: {  	[tilespmem:s25], [sflag:$0x1] =	stream.linear.gather [hbm4b:s19+s2], $0x8, $0x38;
	[tilespmem:$0x8700] =	vst v63  }
0x44: {  	s26 =	sadd.s32 $0x2500, s21;
	s19 =	sadd.s32 $0x1E8500, s18  }
0x45: {  	[tilespmem:s26], [sflag:$0x1] =	stream.linear.gather [hbm4b:s19+s2], $0x8, $0x38;
	[tilespmem:$0x8700] =	vst v63  }
0x46: {  	s29 =	sadd.s32 $0x2580, s21;
	s28 =	sadd.s32 $0x10, s19  }
0x47: {  	[tilespmem:s29], [sflag:$0x1] =	stream.linear.gather [hbm4b:s28+s2], $0x8, $0x38;
	[tilespmem:$0x8700] =	vst v63  }
0x48: {  	s31 =	sadd.s32 $0x2600, s21;
	s30 =	sadd.s32 $0x20, s19  }
0x49: {  	[tilespmem:s31], [sflag:$0x1] =	stream.linear.gather [hbm4b:s30+s2], $0x8, $0x38;
	[tilespmem:$0x8700] =	vst v63  }
0x4a: {  	s24 =	sadd.s32 $0x2680, s21;
	s23 =	sadd.s32 $0x30, s19  }
0x4b: {  	[tilespmem:s24], [sflag:$0x1] =	stream.linear.gather [hbm4b:s23+s2], $0x8, $0x38;
	[tilespmem:$0x8700] =	vst v63  }
0x4c: {  	s25 =	sadd.s32 $0x40, s19;
	s26 =	sadd.s32 $0x2700, s21  }
0x4d: {  	[tilespmem:s26], [sflag:$0x1] =	stream.linear.gather [hbm4b:s25+s2], $0x8, $0x38;
	[tilespmem:$0x8700] =	vst v63  }
0x4e: {  	s28 =	sadd.s32 $0x50, s19;
	s29 =	sadd.s32 $0x2780, s21  }
0x4f: {  	(v2sf) =	vpush v1, $0x0;
	[tilespmem:s29], [sflag:$0x1] =	stream.linear.gather [hbm4b:s28+s2], $0x8, $0x38;
	[tilespmem:$0x8700] =	vst v63  }
0x50: {  	s30 =	sadd.s32 $0x60, s19;
	s31 =	sadd.s32 $0x2800, s21  }
0x51: {  	[tilespmem:s31], [sflag:$0x1] =	stream.linear.gather [hbm4b:s30+s2], $0x8, $0x38;
	[tilespmem:$0x8700] =	vst v63  }
0x52: {  	s19 =	sadd.s32 $0x70, s19;
	s23 =	sadd.s32 $0x2880, s21  }
0x53: {  	[tilespmem:s23], [sflag:$0x1] =	stream.linear.gather [hbm4b:s19+s2], $0x8, $0x38;
	[tilespmem:$0x8700] =	vst v63  }
0x54: {  	s18 =	sadd.s32 $0x2DC780, s18;
	s24 =	sadd.s32 $0x3500, s21  }
0x55: {  	[tilespmem:s24], [sflag:$0x1] =	stream.linear.gather [hbm4b:s18+s2], $0x8, $0x38;
	[tilespmem:$0x8700] =	vst v63  }
0x56: {  	s25 =	sadd.s32 $0x10, s18;
	s26 =	sadd.s32 $0x3580, s21  }
0x57: {  	[tilespmem:s26], [sflag:$0x1] =	stream.linear.gather [hbm4b:s25+s2], $0x8, $0x38;
	[tilespmem:$0x8700] =	vst v63  }
0x58: {  	s28 =	sadd.s32 $0x20, s18;
	s29 =	sadd.s32 $0x3600, s21  }
0x59: {  	[tilespmem:s29], [sflag:$0x1] =	stream.linear.gather [hbm4b:s28+s2], $0x8, $0x38;
	[tilespmem:$0x8700] =	vst v63  }
0x5a: {  	s30 =	sadd.s32 $0x30, s18;
	s31 =	sadd.s32 $0x3680, s21  }
0x5b: {  	[tilespmem:s31], [sflag:$0x1] =	stream.linear.gather [hbm4b:s30+s2], $0x8, $0x38;
	[tilespmem:$0x8700] =	vst v63  }
0x5c: {  	s22 =	sadd.s32 $0x40, s18;
	s23 =	sadd.s32 $0x3700, s21  }
0x5d: {  	[tilespmem:s23], [sflag:$0x1] =	stream.linear.gather [hbm4b:s22+s2], $0x8, $0x38;
	[tilespmem:$0x8700] =	vst v63  }
0x5e: {  	s24 =	spop (v2sf);
	s25 =	sadd.s32 $0x50, s18;
	s26 =	sadd.s32 $0x3780, s21  }
0x5f: {  	[tilespmem:s26], [sflag:$0x1] =	stream.linear.gather [hbm4b:s25+s2], $0x8, $0x38;
	[tilespmem:$0x8700] =	vst v63  }
0x60: {  	s19 =	sand.u32 $0x1FFFFF80, s24;
	s28 =	sadd.s32 $0x60, s18;
	s29 =	sadd.s32 $0x3800, s21  }
0x61: {  	[tilespmem:s29], [sflag:$0x1] =	stream.linear.gather [hbm4b:s28+s2], $0x8, $0x38;
	[tilespmem:$0x8700] =	vst v63  }
0x62: {  	s18 =	sadd.s32 $0x70, s18;
	s30 =	sadd.s32 $0x3880, s21;
	s23 =	rddreg [dreg:$0x6]  }
0x63: {  	[tilespmem:s30], [sflag:$0x1] =	stream.linear.gather [hbm4b:s18+s2], $0x8, $0x38;
	[tilespmem:$0x8700] =	vst v63  }
0x64: {  	s31 =	sadd.s32 $0x4500, s21;
	s18 =	sadd.s32 s23, s19  }
0x65: {  	[tilespmem:s31], [sflag:$0x1] =	stream.linear.gather [hbm4b:s18+s2], $0x8, $0x38;
	[tilespmem:$0x8700] =	vst v63  }
0x66: {  	s22 =	sadd.s32 $0x4580, s21;
	s20 =	sadd.s32 $0x10, s18  }
0x67: {  	[tilespmem:s22], [sflag:$0x1] =	stream.linear.gather [hbm4b:s20+s2], $0x8, $0x38;
	[tilespmem:$0x8700] =	vst v63  }
0x68: {  	s24 =	sadd.s32 $0x4600, s21;
	s23 =	sadd.s32 $0x20, s18  }
0x69: {  	[tilespmem:s24], [sflag:$0x1] =	stream.linear.gather [hbm4b:s23+s2], $0x8, $0x38;
	[tilespmem:$0x8700] =	vst v63  }
0x6a: {  	s26 =	sadd.s32 $0x4680, s21;
	s25 =	sadd.s32 $0x30, s18  }
0x6b: {  	[tilespmem:s26], [sflag:$0x1] =	stream.linear.gather [hbm4b:s25+s2], $0x8, $0x38;
	[tilespmem:$0x8700] =	vst v63  }
0x6c: {  	s29 =	sadd.s32 $0x4700, s21;
	s28 =	sadd.s32 $0x40, s18  }
0x6d: {  	[tilespmem:s29], [sflag:$0x1] =	stream.linear.gather [hbm4b:s28+s2], $0x8, $0x38;
	[tilespmem:$0x8700] =	vst v63  }
0x6e: {  	s30 =	sadd.s32 $0x50, s18;
	s31 =	sadd.s32 $0x4780, s21  }
0x6f: {  	[tilespmem:s31], [sflag:$0x1] =	stream.linear.gather [hbm4b:s30+s2], $0x8, $0x38;
	[tilespmem:$0x8700] =	vst v63  }
0x70: {  	s22 =	sadd.s32 $0x60, s18;
	s23 =	sadd.s32 $0x4800, s21  }
0x71: {  	[tilespmem:s23], [sflag:$0x1] =	stream.linear.gather [hbm4b:s22+s2], $0x8, $0x38;
	[tilespmem:$0x8700] =	vst v63  }
0x72: {  	s24 =	sadd.s32 $0x70, s18;
	s25 =	sadd.s32 $0x4880, s21  }
0x73: {  	[tilespmem:s25], [sflag:$0x1] =	stream.linear.gather [hbm4b:s24+s2], $0x8, $0x38;
	[tilespmem:$0x8700] =	vst v63  }
0x74: {  	s19 =	sadd.s32 $0xF4280, s18;
	s26 =	sadd.s32 $0x5500, s21  }
0x75: {  	[tilespmem:s26], [sflag:$0x1] =	stream.linear.gather [hbm4b:s19+s2], $0x8, $0x38;
	[tilespmem:$0x8700] =	vst v63  }
0x76: {  	s28 =	sadd.s32 $0x10, s19;
	s29 =	sadd.s32 $0x5580, s21  }
0x77: {  	[tilespmem:s29], [sflag:$0x1] =	stream.linear.gather [hbm4b:s28+s2], $0x8, $0x38;
	[tilespmem:$0x8700] =	vst v63  }
0x78: {  	s30 =	sadd.s32 $0x20, s19;
	s31 =	sadd.s32 $0x5600, s21  }
0x79: {  	[tilespmem:s31], [sflag:$0x1] =	stream.linear.gather [hbm4b:s30+s2], $0x8, $0x38;
	[tilespmem:$0x8700] =	vst v63  }
0x7a: {  	s22 =	sadd.s32 $0x30, s19;
	s23 =	sadd.s32 $0x5680, s21  }
0x7b: {  	[tilespmem:s23], [sflag:$0x1] =	stream.linear.gather [hbm4b:s22+s2], $0x8, $0x38;
	[tilespmem:$0x8700] =	vst v63  }
0x7c: {  	s24 =	sadd.s32 $0x40, s19;
	s25 =	sadd.s32 $0x5700, s21  }
0x7d: {  	[tilespmem:s25], [sflag:$0x1] =	stream.linear.gather [hbm4b:s24+s2], $0x8, $0x38;
	[tilespmem:$0x8700] =	vst v63  }
0x7e: {  	s26 =	sadd.s32 $0x50, s19;
	s28 =	sadd.s32 $0x5780, s21  }
0x7f: {  	[tilespmem:s28], [sflag:$0x1] =	stream.linear.gather [hbm4b:s26+s2], $0x8, $0x38;
	[tilespmem:$0x8700] =	vst v63  }
0x80: {  	s29 =	sadd.s32 $0x60, s19;
	s30 =	sadd.s32 $0x5800, s21  }
0x81: {  	[tilespmem:s30], [sflag:$0x1] =	stream.linear.gather [hbm4b:s29+s2], $0x8, $0x38;
	[tilespmem:$0x8700] =	vst v63  }
0x82: {  	s19 =	sadd.s32 $0x70, s19;
	s31 =	sadd.s32 $0x5880, s21  }
0x83: {  	[tilespmem:s31], [sflag:$0x1] =	stream.linear.gather [hbm4b:s19+s2], $0x8, $0x38;
	[tilespmem:$0x8700] =	vst v63  }
0x84: {  	s22 =	sadd.s32 $0x6500, s21;
	s19 =	sadd.s32 $0x1E8500, s18  }
0x85: {  	[tilespmem:s22], [sflag:$0x1] =	stream.linear.gather [hbm4b:s19+s2], $0x8, $0x38;
	[tilespmem:$0x8700] =	vst v63  }
0x86: {  	s24 =	sadd.s32 $0x6580, s21;
	s23 =	sadd.s32 $0x10, s19  }
0x87: {  	[tilespmem:s24], [sflag:$0x1] =	stream.linear.gather [hbm4b:s23+s2], $0x8, $0x38;
	[tilespmem:$0x8700] =	vst v63  }
0x88: {  	s26 =	sadd.s32 $0x6600, s21;
	s25 =	sadd.s32 $0x20, s19  }
0x89: {  	[tilespmem:s26], [sflag:$0x1] =	stream.linear.gather [hbm4b:s25+s2], $0x8, $0x38;
	[tilespmem:$0x8700] =	vst v63  }
0x8a: {  	s29 =	sadd.s32 $0x6680, s21;
	s28 =	sadd.s32 $0x30, s19  }
0x8b: {  	[tilespmem:s29], [sflag:$0x1] =	stream.linear.gather [hbm4b:s28+s2], $0x8, $0x38;
	[tilespmem:$0x8700] =	vst v63  }
0x8c: {  	s31 =	sadd.s32 $0x6700, s21;
	s30 =	sadd.s32 $0x40, s19  }
0x8d: {  	[tilespmem:s31], [sflag:$0x1] =	stream.linear.gather [hbm4b:s30+s2], $0x8, $0x38;
	[tilespmem:$0x8700] =	vst v63  }
0x8e: {  	s23 =	sadd.s32 $0x50, s19;
	s24 =	sadd.s32 $0x6780, s21  }
0x8f: {  	[tilespmem:s24], [sflag:$0x1] =	stream.linear.gather [hbm4b:s23+s2], $0x8, $0x38;
	[tilespmem:$0x8700] =	vst v63  }
0x90: {  	s25 =	sadd.s32 $0x60, s19;
	s26 =	sadd.s32 $0x6800, s21  }
0x91: {  	[tilespmem:s26], [sflag:$0x1] =	stream.linear.gather [hbm4b:s25+s2], $0x8, $0x38;
	[tilespmem:$0x8700] =	vst v63  }
0x92: {  	s19 =	sadd.s32 $0x70, s19;
	s28 =	sadd.s32 $0x6880, s21  }
0x93: {  	[tilespmem:s28], [sflag:$0x1] =	stream.linear.gather [hbm4b:s19+s2], $0x8, $0x38;
	[tilespmem:$0x8700] =	vst v63  }
0x94: {  	s22 =	sadd.s32 $0x2DC780, s18;
	s29 =	sadd.s32 $0x7500, s21  }
0x95: {  	[tilespmem:s29], [sflag:$0x1] =	stream.linear.gather [hbm4b:s22+s2], $0x8, $0x38;
	[tilespmem:$0x8700] =	vst v63  }
0x96: {  	s20 =	sadd.s32 $0x7600, s21;
	s30 =	sadd.s32 $0x10, s22;
	s31 =	sadd.s32 $0x7580, s21  }
0x97: {  	[tilespmem:s31], [sflag:$0x1] =	stream.linear.gather [hbm4b:s30+s2], $0x8, $0x38;
	[tilespmem:$0x8700] =	vst v63  }
0x98: {  	s18 =	sshll.u32 s17, $0x6;
	s23 =	sadd.s32 $0x30, s22;
	s19 =	sadd.s32 $0x20, s22  }
0x99: {  	[tilespmem:s20], [sflag:$0x1] =	stream.linear.gather [hbm4b:s19+s2], $0x8, $0x38;
	[tilespmem:$0x8700] =	vst v63  }
0x9a: {  	s24 =	sadd.s32 $0x7680, s21;
	s25 =	sadd.s32 $0x40, s22;
	s26 =	sadd.s32 $0x7700, s21  }
0x9b: {  	[tilespmem:s24], [sflag:$0x1] =	stream.linear.gather [hbm4b:s23+s2], $0x8, $0x38;
	[tilespmem:$0x8700] =	vst v63  }
0x9c: {  	s28 =	sadd.s32 $0x50, s22;
	s29 =	sadd.s32 $0x7780, s21;
	s30 =	sadd.s32 $0x60, s22  }
0x9d: {  	[tilespmem:s26], [sflag:$0x1] =	stream.linear.gather [hbm4b:s25+s2], $0x8, $0x38;
	[tilespmem:$0x8700] =	vst v63  }
0x9e: {  	s31 =	sadd.s32 $0x7800, s21;
	s19 =	simm.s32 $0x40;
	s20 =	sadd.s32 $0x1, s15  }
0x9f: {  	[tilespmem:s29], [sflag:$0x1] =	stream.linear.gather [hbm4b:s28+s2], $0x8, $0x38;
	[tilespmem:$0x8700] =	vst v63  }
0xa0: {  	s23 =	sadd.s32 $0x70, s22;
	s22 =	sadd.s32 $0x7880, s21;
	s21 =	sadd.s32 $0x1, s16  }
0xa1: {  	[tilespmem:s31], [sflag:$0x1] =	stream.linear.gather [hbm4b:s30+s2], $0x8, $0x38;
	[tilespmem:$0x8700] =	vst v63  }
.LBB2_3:
0xa2: {  	[tilespmem:s22], [sflag:$0x1] =	stream.linear.gather [hbm4b:s23+s2], $0x8, $0x38;
	[tilespmem:$0x8700] =	vst v63  }
0xa3: {  	v1 =	vld [tilespmem:s21+$0x0];
	_ =	sdelay $0x4  }
0xa4: {  	(v2sf) =	vpush v1, $0x0;
	_ =	sdelay $0xe  }
0xa5: {  	s28 =	smov.u32 s19;
	s24 =	spop (v2sf)  }
0xa6: {  	s29 =	rddreg [dreg:$0x5];
	s22 =	sand.u32 $0xC00, s28;
	s24 =	sand.u32 $0x1FFFFF80, s24  }
0xa7: {  	s30 =	sadd.s32 $0x500, s22;
	s23 =	sadd.s32 s29, s24  }
0xa8: {  	v1 =	vld [tilespmem:s20+$0x0];
	[tilespmem:s30], [sflag:$0x1] =	stream.linear.gather [hbm4b:s23+s2], $0x8, $0x38  }
0xa9: {  	s25 =	sadd.s32 $0x580, s22;
	s31 =	sadd.s32 $0x10, s23  }
0xaa: {  	[tilespmem:s25], [sflag:$0x1] =	stream.linear.gather [hbm4b:s31+s2], $0x8, $0x38;
	[tilespmem:$0x8700] =	vst v63  }
0xab: {  	s26 =	sadd.s32 $0x600, s22;
	s25 =	sadd.s32 $0x20, s23  }
0xac: {  	[tilespmem:s26], [sflag:$0x1] =	stream.linear.gather [hbm4b:s25+s2], $0x8, $0x38;
	[tilespmem:$0x8700] =	vst v63  }
0xad: {  	s29 =	sadd.s32 $0x680, s22;
	s28 =	sadd.s32 $0x30, s23  }
0xae: {  	[tilespmem:s29], [sflag:$0x1] =	stream.linear.gather [hbm4b:s28+s2], $0x8, $0x38;
	[tilespmem:$0x8700] =	vst v63  }
0xaf: {  	s30 =	sadd.s32 $0x40, s23;
	s31 =	sadd.s32 $0x700, s22  }
0xb0: {  	[tilespmem:s31], [sflag:$0x1] =	stream.linear.gather [hbm4b:s30+s2], $0x8, $0x38;
	[tilespmem:$0x8700] =	vst v63  }
0xb1: {  	s25 =	sadd.s32 $0x50, s23;
	s26 =	sadd.s32 $0x780, s22  }
0xb2: {  	[tilespmem:s26], [sflag:$0x1] =	stream.linear.gather [hbm4b:s25+s2], $0x8, $0x38;
	[tilespmem:$0x8700] =	vst v63  }
0xb3: {  	s28 =	sadd.s32 $0x60, s23;
	s29 =	sadd.s32 $0x800, s22  }
0xb4: {  	[tilespmem:s29], [sflag:$0x1] =	stream.linear.gather [hbm4b:s28+s2], $0x8, $0x38;
	[tilespmem:$0x8700] =	vst v63  }
0xb5: {  	s30 =	sadd.s32 $0x70, s23;
	s31 =	sadd.s32 $0x880, s22  }
0xb6: {  	[tilespmem:s31], [sflag:$0x1] =	stream.linear.gather [hbm4b:s30+s2], $0x8, $0x38;
	[tilespmem:$0x8700] =	vst v63  }
0xb7: {  	s25 =	sadd.s32 $0xF4280, s23;
	s26 =	sadd.s32 $0x1500, s22  }
0xb8: {  	[tilespmem:s26], [sflag:$0x1] =	stream.linear.gather [hbm4b:s25+s2], $0x8, $0x38;
	[tilespmem:$0x8700] =	vst v63  }
0xb9: {  	s28 =	sadd.s32 $0x10, s25;
	s26 =	sadd.s32 $0x1580, s22  }
0xba: {  	[tilespmem:s26], [sflag:$0x1] =	stream.linear.gather [hbm4b:s28+s2], $0x8, $0x38;
	[tilespmem:$0x8700] =	vst v63  }
0xbb: {  	s29 =	sadd.s32 $0x20, s25;
	s30 =	sadd.s32 $0x1600, s22  }
0xbc: {  	[tilespmem:s30], [sflag:$0x1] =	stream.linear.gather [hbm4b:s29+s2], $0x8, $0x38;
	[tilespmem:$0x8700] =	vst v63  }
0xbd: {  	s31 =	sadd.s32 $0x30, s25;
	s29 =	sadd.s32 $0x1680, s22  }
0xbe: {  	[tilespmem:s29], [sflag:$0x1] =	stream.linear.gather [hbm4b:s31+s2], $0x8, $0x38;
	[tilespmem:$0x8700] =	vst v63  }
0xbf: {  	s30 =	sadd.s32 $0x1700, s22;
	s29 =	sadd.s32 $0x40, s25  }
0xc0: {  	[tilespmem:s30], [sflag:$0x1] =	stream.linear.gather [hbm4b:s29+s2], $0x8, $0x38;
	[tilespmem:$0x8700] =	vst v63  }
0xc1: {  	s31 =	sadd.s32 $0x50, s25;
	s29 =	sadd.s32 $0x1780, s22  }
0xc2: {  	[tilespmem:s29], [sflag:$0x1] =	stream.linear.gather [hbm4b:s31+s2], $0x8, $0x38;
	[tilespmem:$0x8700] =	vst v63  }
0xc3: {  	s30 =	sadd.s32 $0x60, s25;
	s31 =	sadd.s32 $0x1800, s22  }
0xc4: {  	[tilespmem:s31], [sflag:$0x1] =	stream.linear.gather [hbm4b:s30+s2], $0x8, $0x38;
	[tilespmem:$0x8700] =	vst v63  }
0xc5: {  	s25 =	sadd.s32 $0x70, s25;
	s29 =	sadd.s32 $0x1880, s22  }
0xc6: {  	[tilespmem:s29], [sflag:$0x1] =	stream.linear.gather [hbm4b:s25+s2], $0x8, $0x38;
	[tilespmem:$0x8700] =	vst v63  }
0xc7: {  	s30 =	sadd.s32 $0x2500, s22;
	s25 =	sadd.s32 $0x1E8500, s23  }
0xc8: {  	(v2sf) =	vpush v1, $0x0;
	[tilespmem:s30], [sflag:$0x1] =	stream.linear.gather [hbm4b:s25+s2], $0x8, $0x38;
	[tilespmem:$0x8700] =	vst v63  }
0xc9: {  	s29 =	sadd.s32 $0x2580, s22;
	s31 =	sadd.s32 $0x10, s25  }
0xca: {  	[tilespmem:s29], [sflag:$0x1] =	stream.linear.gather [hbm4b:s31+s2], $0x8, $0x38;
	[tilespmem:$0x8700] =	vst v63  }
0xcb: {  	s30 =	sadd.s32 $0x20, s25;
	s31 =	sadd.s32 $0x2600, s22  }
0xcc: {  	[tilespmem:s31], [sflag:$0x1] =	stream.linear.gather [hbm4b:s30+s2], $0x8, $0x38;
	[tilespmem:$0x8700] =	vst v63  }
0xcd: {  	s29 =	sadd.s32 $0x30, s25;
	s30 =	sadd.s32 $0x2680, s22  }
0xce: {  	[tilespmem:s30], [sflag:$0x1] =	stream.linear.gather [hbm4b:s29+s2], $0x8, $0x38;
	[tilespmem:$0x8700] =	vst v63  }
0xcf: {  	s31 =	sadd.s32 $0x40, s25;
	s29 =	sadd.s32 $0x2700, s22  }
0xd0: {  	[tilespmem:s29], [sflag:$0x1] =	stream.linear.gather [hbm4b:s31+s2], $0x8, $0x38;
	[tilespmem:$0x8700] =	vst v63  }
0xd1: {  	s30 =	sadd.s32 $0x50, s25;
	s31 =	sadd.s32 $0x2780, s22  }
0xd2: {  	[tilespmem:s31], [sflag:$0x1] =	stream.linear.gather [hbm4b:s30+s2], $0x8, $0x38;
	[tilespmem:$0x8700] =	vst v63  }
0xd3: {  	s29 =	sadd.s32 $0x60, s25;
	s30 =	sadd.s32 $0x2800, s22  }
0xd4: {  	[tilespmem:s30], [sflag:$0x1] =	stream.linear.gather [hbm4b:s29+s2], $0x8, $0x38;
	[tilespmem:$0x8700] =	vst v63  }
0xd5: {  	s25 =	sadd.s32 $0x70, s25;
	s31 =	sadd.s32 $0x2880, s22  }
0xd6: {  	[tilespmem:s31], [sflag:$0x1] =	stream.linear.gather [hbm4b:s25+s2], $0x8, $0x38;
	[tilespmem:$0x8700] =	vst v63  }
0xd7: {  	s28 =	spop (v2sf);
	s26 =	sadd.s32 $0x3500, s22;
	s23 =	sadd.s32 $0x2DC780, s23  }
0xd8: {  	[tilespmem:s26], [sflag:$0x1] =	stream.linear.gather [hbm4b:s23+s2], $0x8, $0x38;
	[tilespmem:$0x8700] =	vst v63  }
0xd9: {  	s24 =	sand.u32 $0x1FFFFF80, s28;
	s28 =	sadd.s32 $0x10, s23;
	s29 =	sadd.s32 $0x3580, s22  }
0xda: {  	[tilespmem:s29], [sflag:$0x1] =	stream.linear.gather [hbm4b:s28+s2], $0x8, $0x38;
	[tilespmem:$0x8700] =	vst v63  }
0xdb: {  	s30 =	sadd.s32 $0x20, s23;
	s31 =	sadd.s32 $0x3600, s22  }
0xdc: {  	[tilespmem:s31], [sflag:$0x1] =	stream.linear.gather [hbm4b:s30+s2], $0x8, $0x38;
	[tilespmem:$0x8700] =	vst v63  }
0xdd: {  	s28 =	sadd.s32 $0x30, s23;
	s29 =	sadd.s32 $0x3680, s22  }
0xde: {  	[tilespmem:s29], [sflag:$0x1] =	stream.linear.gather [hbm4b:s28+s2], $0x8, $0x38;
	[tilespmem:$0x8700] =	vst v63  }
0xdf: {  	s30 =	sadd.s32 $0x40, s23;
	s31 =	sadd.s32 $0x3700, s22  }
0xe0: {  	[tilespmem:s31], [sflag:$0x1] =	stream.linear.gather [hbm4b:s30+s2], $0x8, $0x38;
	[tilespmem:$0x8700] =	vst v63  }
0xe1: {  	s26 =	sadd.s32 $0x50, s23;
	s28 =	sadd.s32 $0x3780, s22  }
0xe2: {  	[tilespmem:s28], [sflag:$0x1] =	stream.linear.gather [hbm4b:s26+s2], $0x8, $0x38;
	[tilespmem:$0x8700] =	vst v63  }
0xe3: {  	s29 =	sadd.s32 $0x60, s23;
	s30 =	sadd.s32 $0x3800, s22  }
0xe4: {  	[tilespmem:s30], [sflag:$0x1] =	stream.linear.gather [hbm4b:s29+s2], $0x8, $0x38;
	[tilespmem:$0x8700] =	vst v63  }
0xe5: {  	s23 =	sadd.s32 $0x70, s23;
	s31 =	rddreg [dreg:$0x6];
	s26 =	sadd.s32 $0x3880, s22  }
0xe6: {  	[tilespmem:s26], [sflag:$0x1] =	stream.linear.gather [hbm4b:s23+s2], $0x8, $0x38;
	[tilespmem:$0x8700] =	vst v63  }
0xe7: {  	s29 =	sadd.s32 $0x4500, s22;
	s23 =	sadd.s32 s31, s24  }
0xe8: {  	[tilespmem:s29], [sflag:$0x1] =	stream.linear.gather [hbm4b:s23+s2], $0x8, $0x38;
	[tilespmem:$0x8700] =	vst v63  }
0xe9: {  	s31 =	sadd.s32 $0x4580, s22;
	s30 =	sadd.s32 $0x10, s23  }
0xea: {  	[tilespmem:s31], [sflag:$0x1] =	stream.linear.gather [hbm4b:s30+s2], $0x8, $0x38;
	[tilespmem:$0x8700] =	vst v63  }
0xeb: {  	s26 =	sadd.s32 $0x4600, s22;
	s25 =	sadd.s32 $0x20, s23  }
0xec: {  	[tilespmem:s26], [sflag:$0x1] =	stream.linear.gather [hbm4b:s25+s2], $0x8, $0x38;
	[tilespmem:$0x8700] =	vst v63  }
0xed: {  	s28 =	sadd.s32 $0x30, s23;
	s29 =	sadd.s32 $0x4680, s22  }
0xee: {  	[tilespmem:s29], [sflag:$0x1] =	stream.linear.gather [hbm4b:s28+s2], $0x8, $0x38;
	[tilespmem:$0x8700] =	vst v63  }
0xef: {  	s30 =	sadd.s32 $0x40, s23;
	s31 =	sadd.s32 $0x4700, s22  }
0xf0: {  	[tilespmem:s31], [sflag:$0x1] =	stream.linear.gather [hbm4b:s30+s2], $0x8, $0x38;
	[tilespmem:$0x8700] =	vst v63  }
0xf1: {  	s25 =	sadd.s32 $0x50, s23;
	s26 =	sadd.s32 $0x4780, s22  }
0xf2: {  	[tilespmem:s26], [sflag:$0x1] =	stream.linear.gather [hbm4b:s25+s2], $0x8, $0x38;
	[tilespmem:$0x8700] =	vst v63  }
0xf3: {  	s28 =	sadd.s32 $0x60, s23;
	s29 =	sadd.s32 $0x4800, s22  }
0xf4: {  	[tilespmem:s29], [sflag:$0x1] =	stream.linear.gather [hbm4b:s28+s2], $0x8, $0x38;
	[tilespmem:$0x8700] =	vst v63  }
0xf5: {  	s30 =	sadd.s32 $0x70, s23;
	s31 =	sadd.s32 $0x4880, s22  }
0xf6: {  	[tilespmem:s31], [sflag:$0x1] =	stream.linear.gather [hbm4b:s30+s2], $0x8, $0x38;
	[tilespmem:$0x8700] =	vst v63  }
0xf7: {  	s24 =	sadd.s32 $0xF4280, s23;
	s26 =	sadd.s32 $0x5500, s22  }
0xf8: {  	[tilespmem:s26], [sflag:$0x1] =	stream.linear.gather [hbm4b:s24+s2], $0x8, $0x38;
	[tilespmem:$0x8700] =	vst v63  }
0xf9: {  	s28 =	sadd.s32 $0x10, s24;
	s29 =	sadd.s32 $0x5580, s22  }
0xfa: {  	[tilespmem:s29], [sflag:$0x1] =	stream.linear.gather [hbm4b:s28+s2], $0x8, $0x38;
	[tilespmem:$0x8700] =	vst v63  }
0xfb: {  	s30 =	sadd.s32 $0x20, s24;
	s31 =	sadd.s32 $0x5600, s22  }
0xfc: {  	[tilespmem:s31], [sflag:$0x1] =	stream.linear.gather [hbm4b:s30+s2], $0x8, $0x38;
	[tilespmem:$0x8700] =	vst v63  }
0xfd: {  	s28 =	sadd.s32 $0x30, s24;
	s29 =	sadd.s32 $0x5680, s22  }
0xfe: {  	[tilespmem:s29], [sflag:$0x1] =	stream.linear.gather [hbm4b:s28+s2], $0x8, $0x38;
	[tilespmem:$0x8700] =	vst v63  }
0xff: {  	s30 =	sadd.s32 $0x40, s24;
	s31 =	sadd.s32 $0x5700, s22  }
0x100: {  	[tilespmem:s31], [sflag:$0x1] =	stream.linear.gather [hbm4b:s30+s2], $0x8, $0x38;
	[tilespmem:$0x8700] =	vst v63  }
0x101: {  	s28 =	sadd.s32 $0x50, s24;
	s29 =	sadd.s32 $0x5780, s22  }
0x102: {  	[tilespmem:s29], [sflag:$0x1] =	stream.linear.gather [hbm4b:s28+s2], $0x8, $0x38;
	[tilespmem:$0x8700] =	vst v63  }
0x103: {  	s30 =	sadd.s32 $0x60, s24;
	s31 =	sadd.s32 $0x5800, s22  }
0x104: {  	[tilespmem:s31], [sflag:$0x1] =	stream.linear.gather [hbm4b:s30+s2], $0x8, $0x38;
	[tilespmem:$0x8700] =	vst v63  }
0x105: {  	s24 =	sadd.s32 $0x70, s24;
	s28 =	sadd.s32 $0x5880, s22  }
0x106: {  	[tilespmem:s28], [sflag:$0x1] =	stream.linear.gather [hbm4b:s24+s2], $0x8, $0x38;
	[tilespmem:$0x8700] =	vst v63  }
0x107: {  	s29 =	sadd.s32 $0x6500, s22;
	s24 =	sadd.s32 $0x1E8500, s23  }
0x108: {  	[tilespmem:s29], [sflag:$0x1] =	stream.linear.gather [hbm4b:s24+s2], $0x8, $0x38;
	[tilespmem:$0x8700] =	vst v63  }
0x109: {  	s31 =	sadd.s32 $0x6580, s22;
	s30 =	sadd.s32 $0x10, s24  }
0x10a: {  	[tilespmem:s31], [sflag:$0x1] =	stream.linear.gather [hbm4b:s30+s2], $0x8, $0x38;
	[tilespmem:$0x8700] =	vst v63  }
0x10b: {  	s28 =	sadd.s32 $0x20, s24;
	s29 =	sadd.s32 $0x6600, s22  }
0x10c: {  	[tilespmem:s29], [sflag:$0x1] =	stream.linear.gather [hbm4b:s28+s2], $0x8, $0x38;
	[tilespmem:$0x8700] =	vst v63  }
0x10d: {  	s30 =	sadd.s32 $0x30, s24;
	s31 =	sadd.s32 $0x6680, s22  }
0x10e: {  	[tilespmem:s31], [sflag:$0x1] =	stream.linear.gather [hbm4b:s30+s2], $0x8, $0x38;
	[tilespmem:$0x8700] =	vst v63  }
0x10f: {  	s28 =	sadd.s32 $0x40, s24;
	s29 =	sadd.s32 $0x6700, s22  }
0x110: {  	[tilespmem:s29], [sflag:$0x1] =	stream.linear.gather [hbm4b:s28+s2], $0x8, $0x38;
	[tilespmem:$0x8700] =	vst v63  }
0x111: {  	s30 =	sadd.s32 $0x50, s24;
	s31 =	sadd.s32 $0x6780, s22  }
0x112: {  	[tilespmem:s31], [sflag:$0x1] =	stream.linear.gather [hbm4b:s30+s2], $0x8, $0x38;
	[tilespmem:$0x8700] =	vst v63  }
0x113: {  	s28 =	sadd.s32 $0x60, s24;
	s29 =	sadd.s32 $0x6800, s22  }
0x114: {  	[tilespmem:s29], [sflag:$0x1] =	stream.linear.gather [hbm4b:s28+s2], $0x8, $0x38;
	[tilespmem:$0x8700] =	vst v63  }
0x115: {  	s24 =	sadd.s32 $0x70, s24;
	s30 =	sadd.s32 $0x6880, s22  }
0x116: {  	[tilespmem:s30], [sflag:$0x1] =	stream.linear.gather [hbm4b:s24+s2], $0x8, $0x38;
	[tilespmem:$0x8700] =	vst v63  }
0x117: {  	s23 =	sadd.s32 $0x2DC780, s23;
	s31 =	sadd.s32 $0x7500, s22  }
0x118: {  	[tilespmem:s31], [sflag:$0x1] =	stream.linear.gather [hbm4b:s23+s2], $0x8, $0x38;
	[tilespmem:$0x8700] =	vst v63  }
0x119: {  	s26 =	sadd.s32 $0x7580, s22;
	s25 =	sadd.s32 $0x10, s23  }
0x11a: {  	[tilespmem:s26], [sflag:$0x1] =	stream.linear.gather [hbm4b:s25+s2], $0x8, $0x38;
	[tilespmem:$0x8700] =	vst v63  }
0x11b: {  	s28 =	sadd.s32 $0x20, s23;
	s29 =	sadd.s32 $0x7600, s22  }
0x11c: {  	[tilespmem:s29], [sflag:$0x1] =	stream.linear.gather [hbm4b:s28+s2], $0x8, $0x38;
	[tilespmem:$0x8700] =	vst v63  }
0x11d: {  	p0 =	sne.s32 s19, $0xFC0;
	s30 =	sadd.s32 $0x30, s23;
	s31 =	sadd.s32 $0x7680, s22  }
0x11e: {  	[tilespmem:s31], [sflag:$0x1] =	stream.linear.gather [hbm4b:s30+s2], $0x8, $0x38;
	[tilespmem:$0x8700] =	vst v63  }
0x11f: {  	s19 =	sadd.s32 $0x40, s19;
	s25 =	sadd.s32 $0x40, s23;
	s26 =	sadd.s32 $0x7700, s22  }
0x120: {  	[tilespmem:s26], [sflag:$0x1] =	stream.linear.gather [hbm4b:s25+s2], $0x8, $0x38;
	[tilespmem:$0x8700] =	vst v63  }
.Ltmp0:
0x121: {  	s21 =	sadd.s32 $0x1, s21;
	s20 =	sadd.s32 $0x1, s20;
	(pc) =	sbr.rel @p0 .LBB2_3-.Ltmp0, $4  }
0x122: {  	s28 =	sadd.s32 $0x50, s23;
	s29 =	sadd.s32 $0x7780, s22;
	s30 =	sadd.s32 $0x60, s23  }
0x123: {  	[tilespmem:s29], [sflag:$0x1] =	stream.linear.gather [hbm4b:s28+s2], $0x8, $0x38;
	[tilespmem:$0x8700] =	vst v63  }
0x124: {  	s31 =	sadd.s32 $0x7800, s22;
	s23 =	sadd.s32 $0x70, s23;
	s22 =	sadd.s32 $0x7880, s22  }
0x125: {  	[tilespmem:s31], [sflag:$0x1] =	stream.linear.gather [hbm4b:s30+s2], $0x8, $0x38;
	[tilespmem:$0x8700] =	vst v63  }
0x126: {  	[tilespmem:s22], [sflag:$0x1] =	stream.linear.gather [hbm4b:s23+s2], $0x8, $0x38;
	[tilespmem:$0x8700] =	vst v63  }
0x127: {  	_ =	swait.ge [sflag:s10], $0x100  }
0x128: {  	[sflag:s10] =	ssyncset.done $0x0  }
0x129: {  	[sflag:s10] =	ssyncadd.s32 $0xFFFFFF00  }
0x12a: {  	_ =	swait.ge [sflag:s10], $0x100  }
0x12b: {  	s19 =	simm.s32 $0x3F;
	[sflag:s10] =	ssyncset.done $0x0  }
.LBB2_5:
0x12c: {  	p0 =	sne.s32 s19, $0x1;
	s19 =	sadd.s32 $0xFFFFFFFF, s19;
	[sflag:s10] =	ssyncadd.s32 $0xFFFFFF00  }
.Ltmp1:
0x12d: {  	_ =	swait.ge [sflag:s10], $0x100;
	(pc) =	sbr.rel @p0 .LBB2_5-.Ltmp1, $4  }
0x12e: {  	[sflag:s10] =	ssyncset.done $0x0  }
0x12f: {  	[sflag:s10] =	ssyncadd.s32 $0xFFFFFF00  }
0x130: {  	_ =	swait.ge [sflag:s10], $0x100  }
0x131: {  	[sflag:s10] =	ssyncset.done $0x0  }
0x132: {  	[sflag:s10] =	ssyncadd.s32 $0xFFFFFF00  }
0x133: {  	v1 =	vld [tilespmem:s18+$0x0]  }
0x134: {  	v3 =	vld [tilespmem:s18+$0x280];
	_ =	sdelay $0x1  }
0x135: {  	v6 =	vld [tilespmem:$0x1FF00];
	_ =	sdelay $0x1  }
0x136: {  	v8 =	vld [tilespmem:$0x1FF10];
	v2 =	vand.u32 $0x7, v1  }
0x137: {  	v10 =	vld [tilespmem:$0x1FF20];
	v1 =	vand.u32 $0x7, v3;
	v4 =	vor.u32 v0, v2  }
0x138: {  	v12 =	vld [tilespmem:$0x1FF30];
	v3 =	vor.u32 v0, v1  }
0x139: {  	v14 =	vld [tilespmem:$0x1FF40];
	v5 =	vor.u32 v6, v2  }
0x13a: {  	v15 =	vld [tilespmem:$0x1FF50];
	v6 =	vor.u32 v6, v1  }
0x13b: {  	v16 =	vld [tilespmem:$0x1FF60];
	v7 =	vor.u32 v8, v2  }
0x13c: {  	v8 =	vor.u32 v8, v1;
	v4 =	vld.idx.msk [tilespmem:v4+s11+$0x0], $0xffff  }
0x13d: {  	v3 =	vld.idx.msk [tilespmem:v3+s12+$0x0], $0xffff  }
0x13e: {  	v9 =	vor.u32 v10, v2;
	v10 =	vor.u32 v10, v1;
	v5 =	vld.idx.msk [tilespmem:v5+s11+$0x0], $0xffff  }
0x13f: {  	v6 =	vld.idx.msk [tilespmem:v6+s12+$0x0], $0xffff  }
0x140: {  	v11 =	vor.u32 v12, v2;
	v7 =	vld.idx.msk [tilespmem:v7+s11+$0x0], $0xffff  }
0x141: {  	v8 =	vld.idx.msk [tilespmem:v8+s12+$0x0], $0xffff  }
0x142: {  	v3 =	vmul.f32 v3, v4  }
0x143: {  	v12 =	vor.u32 v12, v1;
	v13 =	vor.u32 v14, v2;
	v10 =	vld.idx.msk [tilespmem:v10+s12+$0x0], $0xffff  }
0x144: {  	v4 =	vld.idx.msk [tilespmem:v9+s11+$0x0], $0xffff;
	v9 =	vor.u32 v14, v1;
	v5 =	vmul.f32 v6, v5;
	v3 =	vadd.f32 $0.0e+00, v3  }
0x145: {  	v14 =	vor.u32 v15, v2;
	v6 =	vld.idx.msk [tilespmem:v11+s11+$0x0], $0xffff;
	v11 =	vor.u32 v15, v1;
	v15 =	vor.u32 v16, v2  }
0x146: {  	v3 =	vadd.f32 v5, v3;
	v5 =	vmul.f32 v8, v7;
	v8 =	vor.u32 v16, v1;
	v16 =	vld [tilespmem:$0x1FF70];
	_ =	sdelay $0x2  }
0x147: {  	v12 =	vld.idx.msk [tilespmem:v12+s12+$0x0], $0xffff  }
0x148: {  	v7 =	vld.idx.msk [tilespmem:v13+s11+$0x0], $0xffff  }
0x149: {  	v4 =	vmul.f32 v10, v4;
	v13 =	vor.u32 v16, v2;
	v10 =	vor.u32 v16, v1;
	v16 =	vld [tilespmem:$0x1FF80];
	_ =	sdelay $0x1  }
0x14a: {  	v3 =	vadd.f32 v5, v3  }
0x14b: {  	v9 =	vld.idx.msk [tilespmem:v9+s12+$0x0], $0xffff  }
0x14c: {  	v5 =	vld.idx.msk [tilespmem:v14+s11+$0x0], $0xffff;
	v3 =	vadd.f32 v4, v3  }
0x14d: {  	v4 =	vmul.f32 v12, v6;
	v14 =	vor.u32 v16, v2;
	v12 =	vor.u32 v16, v1;
	v16 =	vld [tilespmem:$0x1FF90];
	_ =	sdelay $0x2  }
0x14e: {  	v11 =	vld.idx.msk [tilespmem:v11+s12+$0x0], $0xffff  }
0x14f: {  	v6 =	vld.idx.msk [tilespmem:v15+s11+$0x0], $0xffff;
	v3 =	vadd.f32 v4, v3  }
0x150: {  	v4 =	vmul.f32 v9, v7;
	v15 =	vor.u32 v16, v2;
	v9 =	vor.u32 v16, v1;
	v16 =	vld [tilespmem:$0x1FFA0];
	_ =	sdelay $0x2  }
0x151: {  	v8 =	vld.idx.msk [tilespmem:v8+s12+$0x0], $0xffff  }
0x152: {  	v3 =	vadd.f32 v4, v3;
	v7 =	vld.idx.msk [tilespmem:v13+s11+$0x0], $0xffff  }
0x153: {  	v4 =	vmul.f32 v11, v5;
	v13 =	vor.u32 v16, v2;
	v11 =	vor.u32 v16, v1;
	v16 =	vld [tilespmem:$0x1FFB0];
	_ =	sdelay $0x2  }
0x154: {  	v10 =	vld.idx.msk [tilespmem:v10+s12+$0x0], $0xffff  }
0x155: {  	v3 =	vadd.f32 v4, v3;
	v5 =	vld.idx.msk [tilespmem:v14+s11+$0x0], $0xffff  }
0x156: {  	v4 =	vmul.f32 v8, v6;
	v14 =	vor.u32 v16, v2;
	v8 =	vor.u32 v16, v1;
	v16 =	vld [tilespmem:$0x1FFC0];
	_ =	sdelay $0x2  }
0x157: {  	v12 =	vld.idx.msk [tilespmem:v12+s12+$0x0], $0xffff  }
0x158: {  	v3 =	vadd.f32 v4, v3;
	v6 =	vld.idx.msk [tilespmem:v15+s11+$0x0], $0xffff  }
0x159: {  	v4 =	vmul.f32 v10, v7;
	v15 =	vor.u32 v16, v2;
	v10 =	vor.u32 v16, v1;
	v16 =	vld [tilespmem:$0x1FFD0];
	_ =	sdelay $0x2  }
0x15a: {  	v9 =	vld.idx.msk [tilespmem:v9+s12+$0x0], $0xffff  }
0x15b: {  	v3 =	vadd.f32 v4, v3;
	v7 =	vld.idx.msk [tilespmem:v13+s11+$0x0], $0xffff  }
0x15c: {  	v4 =	vmul.f32 v12, v5;
	v13 =	vor.u32 v16, v2;
	v12 =	vor.u32 v16, v1;
	v16 =	vld [tilespmem:$0x1FFE0];
	_ =	sdelay $0x2  }
0x15d: {  	v11 =	vld.idx.msk [tilespmem:v11+s12+$0x0], $0xffff  }
0x15e: {  	v3 =	vadd.f32 v4, v3;
	v5 =	vld.idx.msk [tilespmem:v14+s11+$0x0], $0xffff  }
0x15f: {  	v4 =	vmul.f32 v9, v6;
	v14 =	vor.u32 v16, v2;
	v9 =	vor.u32 v16, v1;
	v16 =	vld [tilespmem:$0x1FFF0];
	_ =	sdelay $0x1  }
0x160: {  	v8 =	vld.idx.msk [tilespmem:v8+s12+$0x0], $0xffff  }
0x161: {  	v6 =	vld.idx.msk [tilespmem:v15+s11+$0x0], $0xffff  }
0x162: {  	v10 =	vld.idx.msk [tilespmem:v10+s12+$0x0], $0xffff  }
0x163: {  	v3 =	vadd.f32 v4, v3;
	v4 =	vmul.f32 v11, v7;
	v7 =	vld.idx.msk [tilespmem:v13+s11+$0x0], $0xffff;
	v15 =	vor.u32 v16, v2  }
0x164: {  	v12 =	vld.idx.msk [tilespmem:v12+s12+$0x0], $0xffff;
	v11 =	vor.u32 v16, v1  }
0x165: {  	v3 =	vadd.f32 v4, v3;
	v4 =	vmul.f32 v8, v5;
	v8 =	vor.u32 v17, v1;
	v5 =	vld.idx.msk [tilespmem:v14+s11+$0x0], $0xffff  }
0x166: {  	v13 =	vor.u32 v17, v2;
	v9 =	vld.idx.msk [tilespmem:v9+s12+$0x0], $0xffff  }
0x167: {  	v3 =	vadd.f32 v4, v3;
	v4 =	vmul.f32 v10, v6;
	v10 =	vor.u32 v18, v1  }
0x168: {  	v14 =	vor.u32 v18, v2;
	v6 =	vld.idx.msk [tilespmem:v15+s11+$0x0], $0xffff  }
0x169: {  	v3 =	vadd.f32 v4, v3;
	v4 =	vmul.f32 v12, v7;
	v12 =	vor.u32 v19, v1;
	v11 =	vld.idx.msk [tilespmem:v11+s12+$0x0], $0xffff  }
0x16a: {  	v8 =	vld.idx.msk [tilespmem:v8+s12+$0x0], $0xffff;
	v15 =	vor.u32 v19, v2  }
0x16b: {  	v7 =	vld.idx.msk [tilespmem:v13+s11+$0x0], $0xffff;
	v3 =	vadd.f32 v4, v3;
	v4 =	vmul.f32 v9, v5;
	v9 =	vor.u32 v20, v1  }
0x16c: {  	v13 =	vor.u32 v20, v2;
	v10 =	vld.idx.msk [tilespmem:v10+s12+$0x0], $0xffff  }
0x16d: {  	v5 =	vld.idx.msk [tilespmem:v14+s11+$0x0], $0xffff;
	v14 =	vor.u32 v21, v2  }
0x16e: {  	v12 =	vld.idx.msk [tilespmem:v12+s12+$0x0], $0xffff;
	v3 =	vadd.f32 v4, v3;
	v4 =	vmul.f32 v11, v6;
	v11 =	vor.u32 v21, v1  }
0x16f: {  	v6 =	vld.idx.msk [tilespmem:v15+s11+$0x0], $0xffff;
	v15 =	vor.u32 v22, v2  }
0x170: {  	v9 =	vld.idx.msk [tilespmem:v9+s12+$0x0], $0xffff;
	v3 =	vadd.f32 v4, v3;
	v4 =	vmul.f32 v8, v7;
	v8 =	vor.u32 v22, v1  }
0x171: {  	v7 =	vld.idx.msk [tilespmem:v13+s11+$0x0], $0xffff;
	v13 =	vor.u32 v23, v2  }
0x172: {  	v3 =	vadd.f32 v4, v3;
	v4 =	vmul.f32 v10, v5;
	v5 =	vld.idx.msk [tilespmem:v14+s11+$0x0], $0xffff;
	v10 =	vor.u32 v23, v1  }
0x173: {  	v14 =	vor.u32 v24, v2;
	v11 =	vld.idx.msk [tilespmem:v11+s12+$0x0], $0xffff  }
0x174: {  	v3 =	vadd.f32 v4, v3;
	v4 =	vmul.f32 v12, v6;
	v6 =	vld.idx.msk [tilespmem:v15+s11+$0x0], $0xffff;
	v12 =	vor.u32 v24, v1  }
0x175: {  	v15 =	vor.u32 v25, v2;
	v8 =	vld.idx.msk [tilespmem:v8+s12+$0x0], $0xffff  }
0x176: {  	v3 =	vadd.f32 v4, v3;
	v4 =	vmul.f32 v9, v7;
	v7 =	vld.idx.msk [tilespmem:v13+s11+$0x0], $0xffff;
	v9 =	vor.u32 v25, v1  }
0x177: {  	v13 =	vor.u32 v26, v2;
	v10 =	vld.idx.msk [tilespmem:v10+s12+$0x0], $0xffff  }
0x178: {  	v3 =	vadd.f32 v4, v3;
	v4 =	vmul.f32 v11, v5;
	v5 =	vld.idx.msk [tilespmem:v14+s11+$0x0], $0xffff;
	v11 =	vor.u32 v26, v1  }
0x179: {  	v14 =	vor.u32 v27, v2;
	v12 =	vld.idx.msk [tilespmem:v12+s12+$0x0], $0xffff  }
0x17a: {  	v3 =	vadd.f32 v4, v3;
	v4 =	vmul.f32 v8, v6;
	v6 =	vld.idx.msk [tilespmem:v15+s11+$0x0], $0xffff;
	v8 =	vor.u32 v27, v1  }
0x17b: {  	v15 =	vor.u32 v28, v2;
	v9 =	vld.idx.msk [tilespmem:v9+s12+$0x0], $0xffff  }
0x17c: {  	v3 =	vadd.f32 v4, v3;
	v4 =	vmul.f32 v10, v7;
	v7 =	vld.idx.msk [tilespmem:v13+s11+$0x0], $0xffff;
	v10 =	vor.u32 v28, v1  }
0x17d: {  	v13 =	vor.u32 v29, v2;
	v11 =	vld.idx.msk [tilespmem:v11+s12+$0x0], $0xffff  }
0x17e: {  	v3 =	vadd.f32 v4, v3;
	v4 =	vmul.f32 v12, v5;
	v5 =	vld.idx.msk [tilespmem:v14+s11+$0x0], $0xffff;
	v12 =	vor.u32 v29, v1  }
0x17f: {  	v14 =	vor.u32 v30, v2;
	v8 =	vld.idx.msk [tilespmem:v8+s12+$0x0], $0xffff  }
0x180: {  	v3 =	vadd.f32 v4, v3;
	v4 =	vmul.f32 v9, v6;
	v6 =	vld.idx.msk [tilespmem:v15+s11+$0x0], $0xffff;
	v9 =	vor.u32 v30, v1  }
0x181: {  	v2 =	vor.u32 v31, v2;
	v10 =	vld.idx.msk [tilespmem:v10+s12+$0x0], $0xffff  }
0x182: {  	v1 =	vor.u32 v31, v1;
	v3 =	vadd.f32 v4, v3;
	v4 =	vmul.f32 v11, v7;
	v7 =	vld.idx.msk [tilespmem:v13+s11+$0x0], $0xffff  }
0x183: {  	v11 =	vld.idx.msk [tilespmem:v12+s12+$0x0], $0xffff  }
0x184: {  	v13 =	vld.idx.msk [tilespmem:v14+s11+$0x0], $0xffff;
	v3 =	vadd.f32 v4, v3;
	v12 =	vmul.f32 v8, v5  }
0x185: {  	v14 =	vld.idx.msk [tilespmem:v9+s12+$0x0], $0xffff  }
0x186: {  	v2 =	vld.idx.msk [tilespmem:v2+s11+$0x0], $0xffff;
	v3 =	vadd.f32 v12, v3;
	v10 =	vmul.f32 v10, v6  }
0x187: {  	v1 =	vld.idx.msk [tilespmem:v1+s12+$0x0], $0xffff  }
0x188: {  	v3 =	vadd.f32 v10, v3;
	v11 =	vmul.f32 v11, v7;
	_ =	sdelay $0x1  }
0x189: {  	v3 =	vadd.f32 v11, v3;
	v12 =	vmul.f32 v14, v13;
	_ =	sdelay $0x1  }
0x18a: {  	v1 =	vmul.f32 v1, v2;
	v3 =	vadd.f32 v12, v3;
	_ =	sdelay $0x1  }
0x18b: {  	v1 =	vadd.f32 v1, v3;
	_ =	sdelay $0x1  }
0x18c: {  	s19 =	sor.u32 $0x10, s18;
	[tilespmem:s18+$0x8500] =	vst v1  }
0x18d: {  	v1 =	vld [tilespmem:s19+$0x0]  }
0x18e: {  	v3 =	vld [tilespmem:s18+$0x290];
	_ =	sdelay $0x3  }
0x18f: {  	v2 =	vand.u32 $0x7, v1  }
0x190: {  	v1 =	vand.u32 $0x7, v3;
	v3 =	vor.u32 v32, v2  }
0x191: {  	v4 =	vor.u32 v32, v1  }
0x192: {  	v13 =	vor.u32 v33, v2  }
0x193: {  	v14 =	vor.u32 v33, v1  }
0x194: {  	v12 =	vor.u32 v34, v2  }
0x195: {  	v8 =	vor.u32 v34, v1;
	v3 =	vld.idx.msk [tilespmem:v3+s11+$0x0], $0xffff  }
0x196: {  	v10 =	vor.u32 v35, v1;
	v4 =	vld.idx.msk [tilespmem:v4+s12+$0x0], $0xffff  }
0x197: {  	v9 =	vor.u32 v35, v2;
	v5 =	vld.idx.msk [tilespmem:v13+s11+$0x0], $0xffff  }
0x198: {  	v11 =	vor.u32 v36, v2;
	v6 =	vld.idx.msk [tilespmem:v14+s12+$0x0], $0xffff  }
0x199: {  	v7 =	vld.idx.msk [tilespmem:v12+s11+$0x0], $0xffff  }
0x19a: {  	v12 =	vor.u32 v36, v1;
	v8 =	vld.idx.msk [tilespmem:v8+s12+$0x0], $0xffff  }
0x19b: {  	v13 =	vor.u32 v37, v2;
	v10 =	vld.idx.msk [tilespmem:v10+s12+$0x0], $0xffff  }
0x19c: {  	v3 =	vmul.f32 v4, v3;
	v4 =	vld.idx.msk [tilespmem:v9+s11+$0x0], $0xffff;
	v9 =	vor.u32 v37, v1  }
0x19d: {  	v5 =	vmul.f32 v6, v5;
	v6 =	vld.idx.msk [tilespmem:v11+s11+$0x0], $0xffff;
	v11 =	vor.u32 v38, v1  }
0x19e: {  	v14 =	vor.u32 v38, v2;
	v3 =	vadd.f32 $0.0e+00, v3  }
0x19f: {  	v15 =	vor.u32 v39, v2;
	v12 =	vld.idx.msk [tilespmem:v12+s12+$0x0], $0xffff  }
0x1a0: {  	v3 =	vadd.f32 v5, v3;
	v5 =	vmul.f32 v8, v7;
	v7 =	vld.idx.msk [tilespmem:v13+s11+$0x0], $0xffff;
	v8 =	vor.u32 v39, v1  }
0x1a1: {  	v13 =	vor.u32 v40, v2;
	v9 =	vld.idx.msk [tilespmem:v9+s12+$0x0], $0xffff  }
0x1a2: {  	v4 =	vmul.f32 v10, v4;
	v10 =	vor.u32 v40, v1;
	v11 =	vld.idx.msk [tilespmem:v11+s12+$0x0], $0xffff;
	v3 =	vadd.f32 v5, v3  }
0x1a3: {  	v5 =	vld.idx.msk [tilespmem:v14+s11+$0x0], $0xffff;
	v14 =	vor.u32 v41, v2  }
0x1a4: {  	v3 =	vadd.f32 v4, v3;
	v4 =	vmul.f32 v12, v6;
	v6 =	vld.idx.msk [tilespmem:v15+s11+$0x0], $0xffff;
	v12 =	vor.u32 v41, v1  }
0x1a5: {  	v15 =	vor.u32 v42, v2;
	v8 =	vld.idx.msk [tilespmem:v8+s12+$0x0], $0xffff  }
0x1a6: {  	v3 =	vadd.f32 v4, v3;
	v4 =	vmul.f32 v9, v7;
	v7 =	vld.idx.msk [tilespmem:v13+s11+$0x0], $0xffff;
	v9 =	vor.u32 v42, v1  }
0x1a7: {  	v10 =	vld.idx.msk [tilespmem:v10+s12+$0x0], $0xffff;
	v13 =	vor.u32 v43, v2  }
0x1a8: {  	v3 =	vadd.f32 v4, v3;
	v4 =	vmul.f32 v11, v5;
	v5 =	vld.idx.msk [tilespmem:v14+s11+$0x0], $0xffff;
	v11 =	vor.u32 v43, v1  }
0x1a9: {  	v14 =	vor.u32 v44, v2;
	v12 =	vld.idx.msk [tilespmem:v12+s12+$0x0], $0xffff  }
0x1aa: {  	v3 =	vadd.f32 v4, v3;
	v4 =	vmul.f32 v8, v6;
	v6 =	vld.idx.msk [tilespmem:v15+s11+$0x0], $0xffff;
	v8 =	vor.u32 v44, v1  }
0x1ab: {  	v15 =	vor.u32 v45, v2;
	v9 =	vld.idx.msk [tilespmem:v9+s12+$0x0], $0xffff  }
0x1ac: {  	v3 =	vadd.f32 v4, v3;
	v4 =	vmul.f32 v10, v7;
	v7 =	vld.idx.msk [tilespmem:v13+s11+$0x0], $0xffff;
	v10 =	vor.u32 v45, v1  }
0x1ad: {  	v13 =	vor.u32 v46, v2;
	v11 =	vld.idx.msk [tilespmem:v11+s12+$0x0], $0xffff  }
0x1ae: {  	v3 =	vadd.f32 v4, v3;
	v4 =	vmul.f32 v12, v5;
	v5 =	vld.idx.msk [tilespmem:v14+s11+$0x0], $0xffff;
	v12 =	vor.u32 v46, v1  }
0x1af: {  	v14 =	vor.u32 v47, v2;
	v8 =	vld.idx.msk [tilespmem:v8+s12+$0x0], $0xffff  }
0x1b0: {  	v3 =	vadd.f32 v4, v3;
	v4 =	vmul.f32 v9, v6;
	v6 =	vld.idx.msk [tilespmem:v15+s11+$0x0], $0xffff;
	v9 =	vor.u32 v47, v1  }
0x1b1: {  	v15 =	vor.u32 v48, v2;
	v10 =	vld.idx.msk [tilespmem:v10+s12+$0x0], $0xffff  }
0x1b2: {  	v3 =	vadd.f32 v4, v3;
	v4 =	vmul.f32 v11, v7;
	v7 =	vld.idx.msk [tilespmem:v13+s11+$0x0], $0xffff;
	v11 =	vor.u32 v48, v1  }
0x1b3: {  	v13 =	vor.u32 v49, v2;
	v12 =	vld.idx.msk [tilespmem:v12+s12+$0x0], $0xffff  }
0x1b4: {  	v3 =	vadd.f32 v4, v3;
	v4 =	vmul.f32 v8, v5;
	v5 =	vld.idx.msk [tilespmem:v14+s11+$0x0], $0xffff;
	v8 =	vor.u32 v49, v1  }
0x1b5: {  	v14 =	vor.u32 v50, v2;
	v9 =	vld.idx.msk [tilespmem:v9+s12+$0x0], $0xffff  }
0x1b6: {  	v3 =	vadd.f32 v4, v3;
	v4 =	vmul.f32 v10, v6;
	v6 =	vld.idx.msk [tilespmem:v15+s11+$0x0], $0xffff;
	v10 =	vor.u32 v50, v1  }
0x1b7: {  	v15 =	vor.u32 v51, v2;
	v11 =	vld.idx.msk [tilespmem:v11+s12+$0x0], $0xffff  }
0x1b8: {  	v3 =	vadd.f32 v4, v3;
	v4 =	vmul.f32 v12, v7;
	v7 =	vld.idx.msk [tilespmem:v13+s11+$0x0], $0xffff;
	v12 =	vor.u32 v51, v1  }
0x1b9: {  	v13 =	vor.u32 v52, v2;
	v8 =	vld.idx.msk [tilespmem:v8+s12+$0x0], $0xffff  }
0x1ba: {  	v3 =	vadd.f32 v4, v3;
	v4 =	vmul.f32 v9, v5;
	v5 =	vld.idx.msk [tilespmem:v14+s11+$0x0], $0xffff;
	v9 =	vor.u32 v52, v1  }
0x1bb: {  	v14 =	vor.u32 v53, v2;
	v10 =	vld.idx.msk [tilespmem:v10+s12+$0x0], $0xffff  }
0x1bc: {  	v3 =	vadd.f32 v4, v3;
	v4 =	vmul.f32 v11, v6;
	v6 =	vld.idx.msk [tilespmem:v15+s11+$0x0], $0xffff;
	v11 =	vor.u32 v53, v1  }
0x1bd: {  	v15 =	vor.u32 v54, v2;
	v12 =	vld.idx.msk [tilespmem:v12+s12+$0x0], $0xffff  }
0x1be: {  	v3 =	vadd.f32 v4, v3;
	v4 =	vmul.f32 v8, v7;
	v7 =	vld.idx.msk [tilespmem:v13+s11+$0x0], $0xffff;
	v8 =	vor.u32 v54, v1  }
0x1bf: {  	v13 =	vor.u32 v55, v2;
	v9 =	vld.idx.msk [tilespmem:v9+s12+$0x0], $0xffff  }
0x1c0: {  	v3 =	vadd.f32 v4, v3;
	v4 =	vmul.f32 v10, v5;
	v5 =	vld.idx.msk [tilespmem:v14+s11+$0x0], $0xffff;
	v10 =	vor.u32 v55, v1  }
0x1c1: {  	v14 =	vor.u32 v56, v2;
	v11 =	vld.idx.msk [tilespmem:v11+s12+$0x0], $0xffff  }
0x1c2: {  	v3 =	vadd.f32 v4, v3;
	v4 =	vmul.f32 v12, v6;
	v6 =	vld.idx.msk [tilespmem:v15+s11+$0x0], $0xffff;
	v12 =	vor.u32 v56, v1  }
0x1c3: {  	v15 =	vor.u32 v57, v2;
	v8 =	vld.idx.msk [tilespmem:v8+s12+$0x0], $0xffff  }
0x1c4: {  	v3 =	vadd.f32 v4, v3;
	v4 =	vmul.f32 v9, v7;
	v7 =	vld.idx.msk [tilespmem:v13+s11+$0x0], $0xffff;
	v9 =	vor.u32 v57, v1  }
0x1c5: {  	v13 =	vor.u32 v58, v2;
	v10 =	vld.idx.msk [tilespmem:v10+s12+$0x0], $0xffff  }
0x1c6: {  	v3 =	vadd.f32 v4, v3;
	v4 =	vmul.f32 v11, v5;
	v5 =	vld.idx.msk [tilespmem:v14+s11+$0x0], $0xffff;
	v11 =	vor.u32 v58, v1  }
0x1c7: {  	v14 =	vor.u32 v59, v2;
	v12 =	vld.idx.msk [tilespmem:v12+s12+$0x0], $0xffff  }
0x1c8: {  	v3 =	vadd.f32 v4, v3;
	v4 =	vmul.f32 v8, v6;
	v6 =	vld.idx.msk [tilespmem:v15+s11+$0x0], $0xffff;
	v8 =	vor.u32 v59, v1  }
0x1c9: {  	v15 =	vor.u32 v60, v2;
	v9 =	vld.idx.msk [tilespmem:v9+s12+$0x0], $0xffff  }
0x1ca: {  	v3 =	vadd.f32 v4, v3;
	v4 =	vmul.f32 v10, v7;
	v7 =	vld.idx.msk [tilespmem:v13+s11+$0x0], $0xffff;
	v10 =	vor.u32 v60, v1  }
0x1cb: {  	v13 =	vor.u32 v61, v2;
	v11 =	vld.idx.msk [tilespmem:v11+s12+$0x0], $0xffff  }
0x1cc: {  	v3 =	vadd.f32 v4, v3;
	v4 =	vmul.f32 v12, v5;
	v5 =	vld.idx.msk [tilespmem:v14+s11+$0x0], $0xffff;
	v12 =	vor.u32 v61, v1  }
0x1cd: {  	v14 =	vor.u32 v62, v2;
	v8 =	vld.idx.msk [tilespmem:v8+s12+$0x0], $0xffff  }
0x1ce: {  	v3 =	vadd.f32 v4, v3;
	v4 =	vmul.f32 v9, v6;
	v6 =	vld.idx.msk [tilespmem:v15+s11+$0x0], $0xffff;
	v9 =	vor.u32 v62, v1  }
0x1cf: {  	v2 =	vor.u32 v63, v2;
	v10 =	vld.idx.msk [tilespmem:v10+s12+$0x0], $0xffff  }
0x1d0: {  	v1 =	vor.u32 v63, v1;
	v3 =	vadd.f32 v4, v3;
	v4 =	vmul.f32 v11, v7;
	v7 =	vld.idx.msk [tilespmem:v13+s11+$0x0], $0xffff  }
0x1d1: {  	v11 =	vld.idx.msk [tilespmem:v12+s12+$0x0], $0xffff  }
0x1d2: {  	v3 =	vadd.f32 v4, v3;
	v13 =	vmul.f32 v8, v5;
	v5 =	vld.idx.msk [tilespmem:v14+s11+$0x0], $0xffff  }
0x1d3: {  	v12 =	vld.idx.msk [tilespmem:v9+s12+$0x0], $0xffff  }
0x1d4: {  	v2 =	vld.idx.msk [tilespmem:v2+s11+$0x0], $0xffff;
	v3 =	vadd.f32 v13, v3;
	v13 =	vmul.f32 v10, v6  }
0x1d5: {  	v1 =	vld.idx.msk [tilespmem:v1+s12+$0x0], $0xffff  }
0x1d6: {  	v3 =	vadd.f32 v13, v3;
	v14 =	vmul.f32 v11, v7;
	_ =	sdelay $0x1  }
0x1d7: {  	v3 =	vadd.f32 v14, v3;
	v9 =	vmul.f32 v12, v5;
	_ =	sdelay $0x1  }
0x1d8: {  	v1 =	vmul.f32 v1, v2;
	v3 =	vadd.f32 v9, v3;
	_ =	sdelay $0x1  }
0x1d9: {  	v1 =	vadd.f32 v1, v3;
	_ =	sdelay $0x1  }
0x1da: {  	s30 =	sor.u32 $0x20, s18;
	[tilespmem:s18+$0x8510] =	vst v1  }
0x1db: {  	v1 =	vld [tilespmem:s30+$0x0]  }
0x1dc: {  	v3 =	vld [tilespmem:s18+$0x2A0];
	_ =	sdelay $0x3  }
0x1dd: {  	v10 =	vor.u32 $0x800, v0;
	v2 =	vand.u32 $0x7, v1  }
0x1de: {  	v1 =	vand.u32 $0x7, v3;
	v3 =	vor.u32 v10, v2  }
0x1df: {  	v11 =	vor.u32 $0x880, v0;
	v4 =	vor.u32 v10, v1  }
0x1e0: {  	v6 =	vor.u32 v11, v2  }
0x1e1: {  	v12 =	vor.u32 $0x900, v0;
	v5 =	vor.u32 v11, v1  }
0x1e2: {  	v13 =	vor.u32 v12, v2  }
0x1e3: {  	v14 =	vor.u32 $0x980, v0;
	v7 =	vor.u32 v12, v1;
	v3 =	vld.idx.msk [tilespmem:v3+s11+$0x0], $0xffff  }
0x1e4: {  	v10 =	vor.u32 v14, v2;
	v4 =	vld.idx.msk [tilespmem:v4+s12+$0x0], $0xffff  }
0x1e5: {  	v9 =	vor.u32 v14, v1;
	v6 =	vld.idx.msk [tilespmem:v6+s11+$0x0], $0xffff  }
0x1e6: {  	v11 =	vor.u32 $0xA00, v0;
	v5 =	vld.idx.msk [tilespmem:v5+s12+$0x0], $0xffff  }
0x1e7: {  	v12 =	vor.u32 v11, v2;
	v8 =	vld.idx.msk [tilespmem:v13+s11+$0x0], $0xffff  }
0x1e8: {  	v11 =	vor.u32 v11, v1;
	v7 =	vld.idx.msk [tilespmem:v7+s12+$0x0], $0xffff;
	v13 =	vor.u32 $0xA80, v0  }
0x1e9: {  	v3 =	vmul.f32 v4, v3;
	v4 =	vld.idx.msk [tilespmem:v10+s11+$0x0], $0xffff;
	v10 =	vor.u32 v13, v2  }
0x1ea: {  	v14 =	vor.u32 $0xB00, v0;
	v9 =	vld.idx.msk [tilespmem:v9+s12+$0x0], $0xffff;
	v13 =	vor.u32 v13, v1  }
0x1eb: {  	v5 =	vmul.f32 v5, v6;
	v6 =	vor.u32 v14, v2;
	v3 =	vadd.f32 $0.0e+00, v3  }
0x1ec: {  	v15 =	vor.u32 $0xB80, v0;
	v12 =	vld.idx.msk [tilespmem:v12+s11+$0x0], $0xffff;
	v14 =	vor.u32 v14, v1  }
0x1ed: {  	v3 =	vadd.f32 v5, v3;
	v5 =	vmul.f32 v7, v8;
	v7 =	vld.idx.msk [tilespmem:v11+s12+$0x0], $0xffff;
	v8 =	vor.u32 v15, v2  }
0x1ee: {  	v11 =	vor.u32 v15, v1;
	v15 =	vor.u32 $0x1800, v0;
	v10 =	vld.idx.msk [tilespmem:v10+s11+$0x0], $0xffff  }
0x1ef: {  	v4 =	vmul.f32 v9, v4;
	v9 =	vor.u32 v15, v2;
	v3 =	vadd.f32 v5, v3;
	v5 =	vld.idx.msk [tilespmem:v13+s12+$0x0], $0xffff  }
0x1f0: {  	v6 =	vld.idx.msk [tilespmem:v6+s11+$0x0], $0xffff;
	v13 =	vor.u32 v15, v1;
	v15 =	vor.u32 $0x1880, v0  }
0x1f1: {  	v3 =	vadd.f32 v4, v3;
	v4 =	vld.idx.msk [tilespmem:v14+s12+$0x0], $0xffff;
	v14 =	vor.u32 v15, v2  }
0x1f2: {  	v7 =	vmul.f32 v7, v12;
	v8 =	vld.idx.msk [tilespmem:v8+s11+$0x0], $0xffff;
	v12 =	vor.u32 v15, v1;
	v15 =	vor.u32 $0x1900, v0  }
0x1f3: {  	v11 =	vld.idx.msk [tilespmem:v11+s12+$0x0], $0xffff;
	v16 =	vor.u32 v15, v2  }
0x1f4: {  	v3 =	vadd.f32 v7, v3;
	v5 =	vmul.f32 v5, v10;
	v7 =	vld.idx.msk [tilespmem:v9+s11+$0x0], $0xffff;
	v9 =	vor.u32 v15, v1  }
0x1f5: {  	v10 =	vld.idx.msk [tilespmem:v13+s12+$0x0], $0xffff;
	v13 =	vor.u32 $0x1980, v0  }
0x1f6: {  	v3 =	vadd.f32 v5, v3;
	v4 =	vmul.f32 v4, v6;
	v5 =	vld.idx.msk [tilespmem:v14+s11+$0x0], $0xffff;
	v6 =	vor.u32 v13, v2  }
0x1f7: {  	v13 =	vor.u32 v13, v1;
	v14 =	vor.u32 $0x1A00, v0;
	v12 =	vld.idx.msk [tilespmem:v12+s12+$0x0], $0xffff  }
0x1f8: {  	v3 =	vadd.f32 v4, v3;
	v4 =	vmul.f32 v11, v8;
	v8 =	vld.idx.msk [tilespmem:v16+s11+$0x0], $0xffff;
	v11 =	vor.u32 v14, v2  }
0x1f9: {  	v15 =	vor.u32 $0x1A80, v0;
	v14 =	vor.u32 v14, v1;
	v9 =	vld.idx.msk [tilespmem:v9+s12+$0x0], $0xffff  }
0x1fa: {  	v3 =	vadd.f32 v4, v3;
	v4 =	vmul.f32 v10, v7;
	v7 =	vor.u32 v15, v2  }
0x1fb: {  	v10 =	vor.u32 v15, v1;
	v15 =	vor.u32 $0x1B00, v0;
	v6 =	vld.idx.msk [tilespmem:v6+s11+$0x0], $0xffff  }
0x1fc: {  	v3 =	vadd.f32 v4, v3;
	v4 =	vmul.f32 v12, v5;
	v5 =	vld.idx.msk [tilespmem:v13+s12+$0x0], $0xffff;
	v12 =	vor.u32 v15, v2  }
0x1fd: {  	v13 =	vor.u32 v15, v1;
	v15 =	vor.u32 $0x1B80, v0;
	v11 =	vld.idx.msk [tilespmem:v11+s11+$0x0], $0xffff  }
0x1fe: {  	v3 =	vadd.f32 v4, v3;
	v4 =	vmul.f32 v9, v8;
	v8 =	vld.idx.msk [tilespmem:v14+s12+$0x0], $0xffff;
	v9 =	vor.u32 v15, v2  }
0x1ff: {  	v14 =	vor.u32 v15, v1;
	v15 =	vor.u32 $0x2800, v0;
	v7 =	vld.idx.msk [tilespmem:v7+s11+$0x0], $0xffff  }
0x200: {  	v3 =	vadd.f32 v4, v3;
	v4 =	vld.idx.msk [tilespmem:v10+s12+$0x0], $0xffff;
	v10 =	vor.u32 v15, v2  }
0x201: {  	v5 =	vmul.f32 v5, v6;
	v6 =	vld.idx.msk [tilespmem:v12+s11+$0x0], $0xffff;
	v12 =	vor.u32 v15, v1;
	v15 =	vor.u32 $0x2880, v0  }
0x202: {  	v13 =	vld.idx.msk [tilespmem:v13+s12+$0x0], $0xffff;
	v16 =	vor.u32 v15, v2  }
0x203: {  	v3 =	vadd.f32 v5, v3;
	v5 =	vmul.f32 v8, v11;
	v8 =	vld.idx.msk [tilespmem:v9+s11+$0x0], $0xffff;
	v9 =	vor.u32 v15, v1  }
0x204: {  	v11 =	vld.idx.msk [tilespmem:v14+s12+$0x0], $0xffff;
	v14 =	vor.u32 $0x2900, v0  }
0x205: {  	v3 =	vadd.f32 v5, v3;
	v4 =	vmul.f32 v4, v7;
	v5 =	vld.idx.msk [tilespmem:v10+s11+$0x0], $0xffff;
	v7 =	vor.u32 v14, v2  }
0x206: {  	v10 =	vld.idx.msk [tilespmem:v12+s12+$0x0], $0xffff;
	v12 =	vor.u32 v14, v1;
	v14 =	vor.u32 $0x2980, v0  }
0x207: {  	v3 =	vadd.f32 v4, v3;
	v4 =	vmul.f32 v13, v6;
	v6 =	vld.idx.msk [tilespmem:v16+s11+$0x0], $0xffff;
	v13 =	vor.u32 v14, v2  }
0x208: {  	v15 =	vor.u32 $0x2A00, v0;
	v14 =	vor.u32 v14, v1;
	v9 =	vld.idx.msk [tilespmem:v9+s12+$0x0], $0xffff  }
0x209: {  	v3 =	vadd.f32 v4, v3;
	v4 =	vmul.f32 v11, v8;
	v8 =	vor.u32 v15, v2  }
0x20a: {  	v11 =	vor.u32 v15, v1;
	v15 =	vor.u32 $0x2A80, v0;
	v7 =	vld.idx.msk [tilespmem:v7+s11+$0x0], $0xffff  }
0x20b: {  	v3 =	vadd.f32 v4, v3;
	v4 =	vmul.f32 v10, v5;
	v5 =	vld.idx.msk [tilespmem:v12+s12+$0x0], $0xffff;
	v10 =	vor.u32 v15, v2  }
0x20c: {  	v12 =	vld.idx.msk [tilespmem:v13+s11+$0x0], $0xffff;
	v13 =	vor.u32 v15, v1;
	v15 =	vor.u32 $0x2B00, v0  }
0x20d: {  	v3 =	vadd.f32 v4, v3;
	v4 =	vmul.f32 v9, v6;
	v6 =	vld.idx.msk [tilespmem:v14+s12+$0x0], $0xffff;
	v9 =	vor.u32 v15, v2  }
0x20e: {  	v14 =	vor.u32 v15, v1;
	v15 =	vor.u32 $0x2B80, v0;
	v8 =	vld.idx.msk [tilespmem:v8+s11+$0x0], $0xffff  }
0x20f: {  	v3 =	vadd.f32 v4, v3;
	v4 =	vld.idx.msk [tilespmem:v11+s12+$0x0], $0xffff;
	v11 =	vor.u32 v15, v2  }
0x210: {  	v5 =	vmul.f32 v5, v7;
	v7 =	vld.idx.msk [tilespmem:v10+s11+$0x0], $0xffff;
	v10 =	vor.u32 v15, v1;
	v15 =	vor.u32 $0x3800, v0  }
0x211: {  	v13 =	vld.idx.msk [tilespmem:v13+s12+$0x0], $0xffff;
	v16 =	vor.u32 v15, v2  }
0x212: {  	v3 =	vadd.f32 v5, v3;
	v5 =	vmul.f32 v6, v12;
	v6 =	vld.idx.msk [tilespmem:v9+s11+$0x0], $0xffff;
	v9 =	vor.u32 v15, v1  }
0x213: {  	v12 =	vld.idx.msk [tilespmem:v14+s12+$0x0], $0xffff;
	v14 =	vor.u32 $0x3880, v0  }
0x214: {  	v3 =	vadd.f32 v5, v3;
	v4 =	vmul.f32 v4, v8;
	v5 =	vld.idx.msk [tilespmem:v11+s11+$0x0], $0xffff;
	v8 =	vor.u32 v14, v2  }
0x215: {  	v11 =	vor.u32 v14, v1;
	v14 =	vor.u32 $0x3900, v0;
	v10 =	vld.idx.msk [tilespmem:v10+s12+$0x0], $0xffff  }
0x216: {  	v3 =	vadd.f32 v4, v3;
	v4 =	vmul.f32 v13, v7;
	v7 =	vld.idx.msk [tilespmem:v16+s11+$0x0], $0xffff;
	v13 =	vor.u32 v14, v2  }
0x217: {  	v15 =	vor.u32 $0x3980, v0;
	v14 =	vor.u32 v14, v1;
	v9 =	vld.idx.msk [tilespmem:v9+s12+$0x0], $0xffff  }
0x218: {  	v3 =	vadd.f32 v4, v3;
	v4 =	vmul.f32 v12, v6;
	v6 =	vor.u32 v15, v2  }
0x219: {  	v12 =	vor.u32 v15, v1;
	v15 =	vor.u32 $0x3A00, v0;
	v8 =	vld.idx.msk [tilespmem:v8+s11+$0x0], $0xffff  }
0x21a: {  	v3 =	vadd.f32 v4, v3;
	v4 =	vmul.f32 v10, v5;
	v5 =	vld.idx.msk [tilespmem:v11+s12+$0x0], $0xffff;
	v10 =	vor.u32 v15, v2  }
0x21b: {  	v11 =	vld.idx.msk [tilespmem:v13+s11+$0x0], $0xffff;
	v13 =	vor.u32 v15, v1;
	v15 =	vor.u32 $0x3A80, v0  }
0x21c: {  	v3 =	vadd.f32 v4, v3;
	v4 =	vmul.f32 v9, v7;
	v7 =	vld.idx.msk [tilespmem:v14+s12+$0x0], $0xffff;
	v9 =	vor.u32 v15, v2  }
0x21d: {  	v14 =	vor.u32 v15, v1;
	v15 =	vor.u32 $0x3B00, v0;
	v6 =	vld.idx.msk [tilespmem:v6+s11+$0x0], $0xffff  }
0x21e: {  	v3 =	vadd.f32 v4, v3;
	v4 =	vld.idx.msk [tilespmem:v12+s12+$0x0], $0xffff;
	v12 =	vor.u32 v15, v2  }
0x21f: {  	v5 =	vmul.f32 v5, v8;
	v8 =	vld.idx.msk [tilespmem:v10+s11+$0x0], $0xffff;
	v10 =	vor.u32 v15, v1;
	v15 =	vor.u32 $0x3B80, v0  }
0x220: {  	v13 =	vld.idx.msk [tilespmem:v13+s12+$0x0], $0xffff;
	v2 =	vor.u32 v15, v2  }
0x221: {  	v1 =	vor.u32 v15, v1;
	v3 =	vadd.f32 v5, v3;
	v5 =	vmul.f32 v7, v11;
	v7 =	vld.idx.msk [tilespmem:v9+s11+$0x0], $0xffff  }
0x222: {  	v9 =	vld.idx.msk [tilespmem:v14+s12+$0x0], $0xffff  }
0x223: {  	v3 =	vadd.f32 v5, v3;
	v4 =	vmul.f32 v4, v6;
	v12 =	vld.idx.msk [tilespmem:v12+s11+$0x0], $0xffff  }
0x224: {  	v14 =	vld.idx.msk [tilespmem:v10+s12+$0x0], $0xffff  }
0x225: {  	v3 =	vadd.f32 v4, v3;
	v8 =	vmul.f32 v13, v8;
	v2 =	vld.idx.msk [tilespmem:v2+s11+$0x0], $0xffff  }
0x226: {  	v1 =	vld.idx.msk [tilespmem:v1+s12+$0x0], $0xffff  }
0x227: {  	v10 =	vmul.f32 v9, v7;
	v3 =	vadd.f32 v8, v3;
	_ =	sdelay $0x1  }
0x228: {  	v3 =	vadd.f32 v10, v3;
	v11 =	vmul.f32 v14, v12;
	_ =	sdelay $0x1  }
0x229: {  	v1 =	vmul.f32 v1, v2;
	v3 =	vadd.f32 v11, v3;
	_ =	sdelay $0x1  }
0x22a: {  	v1 =	vadd.f32 v1, v3;
	_ =	sdelay $0x1  }
0x22b: {  	s31 =	sor.u32 $0x30, s18;
	[tilespmem:s18+$0x8520] =	vst v1  }
0x22c: {  	v1 =	vld [tilespmem:s31+$0x0]  }
0x22d: {  	v3 =	vld [tilespmem:s18+$0x2B0];
	_ =	sdelay $0x3  }
0x22e: {  	v12 =	vor.u32 $0xC00, v0;
	v2 =	vand.u32 $0x7, v1  }
0x22f: {  	v1 =	vand.u32 $0x7, v3;
	v3 =	vor.u32 v12, v2  }
0x230: {  	v13 =	vor.u32 $0xC80, v0;
	v4 =	vor.u32 v12, v1  }
0x231: {  	v6 =	vor.u32 v13, v2  }
0x232: {  	v14 =	vor.u32 $0xD00, v0;
	v5 =	vor.u32 v13, v1  }
0x233: {  	v12 =	vor.u32 v14, v2  }
0x234: {  	v7 =	vor.u32 v14, v1;
	v13 =	vor.u32 $0xD80, v0;
	v3 =	vld.idx.msk [tilespmem:v3+s11+$0x0], $0xffff  }
0x235: {  	v10 =	vor.u32 v13, v2;
	v4 =	vld.idx.msk [tilespmem:v4+s12+$0x0], $0xffff  }
0x236: {  	v9 =	vor.u32 v13, v1;
	v6 =	vld.idx.msk [tilespmem:v6+s11+$0x0], $0xffff  }
0x237: {  	v11 =	vor.u32 $0xE00, v0;
	v5 =	vld.idx.msk [tilespmem:v5+s12+$0x0], $0xffff  }
0x238: {  	v8 =	vld.idx.msk [tilespmem:v12+s11+$0x0], $0xffff;
	v12 =	vor.u32 v11, v2  }
0x239: {  	v13 =	vor.u32 $0xE80, v0;
	v7 =	vld.idx.msk [tilespmem:v7+s12+$0x0], $0xffff;
	v11 =	vor.u32 v11, v1  }
0x23a: {  	v3 =	vmul.f32 v4, v3;
	v4 =	vld.idx.msk [tilespmem:v10+s11+$0x0], $0xffff;
	v10 =	vor.u32 v13, v2  }
0x23b: {  	v14 =	vor.u32 $0xF00, v0;
	v9 =	vld.idx.msk [tilespmem:v9+s12+$0x0], $0xffff;
	v13 =	vor.u32 v13, v1  }
0x23c: {  	v5 =	vmul.f32 v5, v6;
	v6 =	vor.u32 v14, v2;
	v3 =	vadd.f32 $0.0e+00, v3  }
0x23d: {  	v15 =	vor.u32 $0xF80, v0;
	v12 =	vld.idx.msk [tilespmem:v12+s11+$0x0], $0xffff;
	v14 =	vor.u32 v14, v1  }
0x23e: {  	v3 =	vadd.f32 v5, v3;
	v5 =	vmul.f32 v7, v8;
	v7 =	vld.idx.msk [tilespmem:v11+s12+$0x0], $0xffff;
	v8 =	vor.u32 v15, v2  }
0x23f: {  	v11 =	vor.u32 v15, v1;
	v15 =	vor.u32 $0x1C00, v0;
	v10 =	vld.idx.msk [tilespmem:v10+s11+$0x0], $0xffff  }
0x240: {  	v4 =	vmul.f32 v9, v4;
	v9 =	vor.u32 v15, v2;
	v3 =	vadd.f32 v5, v3;
	v5 =	vld.idx.msk [tilespmem:v13+s12+$0x0], $0xffff  }
0x241: {  	v6 =	vld.idx.msk [tilespmem:v6+s11+$0x0], $0xffff;
	v13 =	vor.u32 v15, v1;
	v15 =	vor.u32 $0x1C80, v0  }
0x242: {  	v3 =	vadd.f32 v4, v3;
	v4 =	vld.idx.msk [tilespmem:v14+s12+$0x0], $0xffff;
	v14 =	vor.u32 v15, v2  }
0x243: {  	v7 =	vmul.f32 v7, v12;
	v8 =	vld.idx.msk [tilespmem:v8+s11+$0x0], $0xffff;
	v12 =	vor.u32 v15, v1;
	v15 =	vor.u32 $0x1D00, v0  }
0x244: {  	v11 =	vld.idx.msk [tilespmem:v11+s12+$0x0], $0xffff;
	v16 =	vor.u32 v15, v2  }
0x245: {  	v3 =	vadd.f32 v7, v3;
	v5 =	vmul.f32 v5, v10;
	v7 =	vld.idx.msk [tilespmem:v9+s11+$0x0], $0xffff;
	v9 =	vor.u32 v15, v1  }
0x246: {  	v10 =	vld.idx.msk [tilespmem:v13+s12+$0x0], $0xffff;
	v13 =	vor.u32 $0x1D80, v0  }
0x247: {  	v3 =	vadd.f32 v5, v3;
	v4 =	vmul.f32 v4, v6;
	v5 =	vld.idx.msk [tilespmem:v14+s11+$0x0], $0xffff;
	v6 =	vor.u32 v13, v2  }
0x248: {  	v13 =	vor.u32 v13, v1;
	v14 =	vor.u32 $0x1E00, v0;
	v12 =	vld.idx.msk [tilespmem:v12+s12+$0x0], $0xffff  }
0x249: {  	v3 =	vadd.f32 v4, v3;
	v4 =	vmul.f32 v11, v8;
	v8 =	vld.idx.msk [tilespmem:v16+s11+$0x0], $0xffff;
	v11 =	vor.u32 v14, v2  }
0x24a: {  	v15 =	vor.u32 $0x1E80, v0;
	v14 =	vor.u32 v14, v1;
	v9 =	vld.idx.msk [tilespmem:v9+s12+$0x0], $0xffff  }
0x24b: {  	v3 =	vadd.f32 v4, v3;
	v4 =	vmul.f32 v10, v7;
	v7 =	vor.u32 v15, v2  }
0x24c: {  	v10 =	vor.u32 v15, v1;
	v15 =	vor.u32 $0x1F00, v0;
	v6 =	vld.idx.msk [tilespmem:v6+s11+$0x0], $0xffff  }
0x24d: {  	v3 =	vadd.f32 v4, v3;
	v4 =	vmul.f32 v12, v5;
	v5 =	vld.idx.msk [tilespmem:v13+s12+$0x0], $0xffff;
	v12 =	vor.u32 v15, v2  }
0x24e: {  	v13 =	vor.u32 v15, v1;
	v15 =	vor.u32 $0x1F80, v0;
	v11 =	vld.idx.msk [tilespmem:v11+s11+$0x0], $0xffff  }
0x24f: {  	v3 =	vadd.f32 v4, v3;
	v4 =	vmul.f32 v9, v8;
	v8 =	vld.idx.msk [tilespmem:v14+s12+$0x0], $0xffff;
	v9 =	vor.u32 v15, v2  }
0x250: {  	v14 =	vor.u32 v15, v1;
	v15 =	vor.u32 $0x2C00, v0;
	v7 =	vld.idx.msk [tilespmem:v7+s11+$0x0], $0xffff  }
0x251: {  	v3 =	vadd.f32 v4, v3;
	v4 =	vld.idx.msk [tilespmem:v10+s12+$0x0], $0xffff;
	v10 =	vor.u32 v15, v2  }
0x252: {  	v5 =	vmul.f32 v5, v6;
	v6 =	vld.idx.msk [tilespmem:v12+s11+$0x0], $0xffff;
	v12 =	vor.u32 v15, v1;
	v15 =	vor.u32 $0x2C80, v0  }
0x253: {  	v13 =	vld.idx.msk [tilespmem:v13+s12+$0x0], $0xffff;
	v16 =	vor.u32 v15, v2  }
0x254: {  	v3 =	vadd.f32 v5, v3;
	v5 =	vmul.f32 v8, v11;
	v8 =	vld.idx.msk [tilespmem:v9+s11+$0x0], $0xffff;
	v9 =	vor.u32 v15, v1  }
0x255: {  	v11 =	vld.idx.msk [tilespmem:v14+s12+$0x0], $0xffff;
	v14 =	vor.u32 $0x2D00, v0  }
0x256: {  	v3 =	vadd.f32 v5, v3;
	v4 =	vmul.f32 v4, v7;
	v5 =	vld.idx.msk [tilespmem:v10+s11+$0x0], $0xffff;
	v7 =	vor.u32 v14, v2  }
0x257: {  	v10 =	vld.idx.msk [tilespmem:v12+s12+$0x0], $0xffff;
	v12 =	vor.u32 v14, v1;
	v14 =	vor.u32 $0x2D80, v0  }
0x258: {  	v3 =	vadd.f32 v4, v3;
	v4 =	vmul.f32 v13, v6;
	v6 =	vld.idx.msk [tilespmem:v16+s11+$0x0], $0xffff;
	v13 =	vor.u32 v14, v2  }
0x259: {  	v15 =	vor.u32 $0x2E00, v0;
	v14 =	vor.u32 v14, v1;
	v9 =	vld.idx.msk [tilespmem:v9+s12+$0x0], $0xffff  }
0x25a: {  	v3 =	vadd.f32 v4, v3;
	v4 =	vmul.f32 v11, v8;
	v8 =	vor.u32 v15, v2  }
0x25b: {  	v11 =	vor.u32 v15, v1;
	v15 =	vor.u32 $0x2E80, v0;
	v7 =	vld.idx.msk [tilespmem:v7+s11+$0x0], $0xffff  }
0x25c: {  	v3 =	vadd.f32 v4, v3;
	v4 =	vmul.f32 v10, v5;
	v5 =	vld.idx.msk [tilespmem:v12+s12+$0x0], $0xffff;
	v10 =	vor.u32 v15, v2  }
0x25d: {  	v12 =	vld.idx.msk [tilespmem:v13+s11+$0x0], $0xffff;
	v13 =	vor.u32 v15, v1;
	v15 =	vor.u32 $0x2F00, v0  }
0x25e: {  	v3 =	vadd.f32 v4, v3;
	v4 =	vmul.f32 v9, v6;
	v6 =	vld.idx.msk [tilespmem:v14+s12+$0x0], $0xffff;
	v9 =	vor.u32 v15, v2  }
0x25f: {  	v14 =	vor.u32 v15, v1;
	v15 =	vor.u32 $0x2F80, v0;
	v8 =	vld.idx.msk [tilespmem:v8+s11+$0x0], $0xffff  }
0x260: {  	v3 =	vadd.f32 v4, v3;
	v4 =	vld.idx.msk [tilespmem:v11+s12+$0x0], $0xffff;
	v11 =	vor.u32 v15, v2  }
0x261: {  	v5 =	vmul.f32 v5, v7;
	v7 =	vld.idx.msk [tilespmem:v10+s11+$0x0], $0xffff;
	v10 =	vor.u32 v15, v1;
	v15 =	vor.u32 $0x3C00, v0  }
0x262: {  	v13 =	vld.idx.msk [tilespmem:v13+s12+$0x0], $0xffff;
	v16 =	vor.u32 v15, v2  }
0x263: {  	v3 =	vadd.f32 v5, v3;
	v5 =	vmul.f32 v6, v12;
	v6 =	vld.idx.msk [tilespmem:v9+s11+$0x0], $0xffff;
	v9 =	vor.u32 v15, v1  }
0x264: {  	v12 =	vld.idx.msk [tilespmem:v14+s12+$0x0], $0xffff;
	v14 =	vor.u32 $0x3C80, v0  }
0x265: {  	v3 =	vadd.f32 v5, v3;
	v4 =	vmul.f32 v4, v8;
	v5 =	vld.idx.msk [tilespmem:v11+s11+$0x0], $0xffff;
	v8 =	vor.u32 v14, v2  }
0x266: {  	v11 =	vor.u32 v14, v1;
	v14 =	vor.u32 $0x3D00, v0;
	v10 =	vld.idx.msk [tilespmem:v10+s12+$0x0], $0xffff  }
0x267: {  	v3 =	vadd.f32 v4, v3;
	v4 =	vmul.f32 v13, v7;
	v7 =	vld.idx.msk [tilespmem:v16+s11+$0x0], $0xffff;
	v13 =	vor.u32 v14, v2  }
0x268: {  	v15 =	vor.u32 $0x3D80, v0;
	v14 =	vor.u32 v14, v1;
	v9 =	vld.idx.msk [tilespmem:v9+s12+$0x0], $0xffff  }
0x269: {  	v3 =	vadd.f32 v4, v3;
	v4 =	vmul.f32 v12, v6;
	v6 =	vor.u32 v15, v2  }
0x26a: {  	v12 =	vor.u32 v15, v1;
	v15 =	vor.u32 $0x3E00, v0;
	v8 =	vld.idx.msk [tilespmem:v8+s11+$0x0], $0xffff  }
0x26b: {  	v3 =	vadd.f32 v4, v3;
	v4 =	vmul.f32 v10, v5;
	v5 =	vld.idx.msk [tilespmem:v11+s12+$0x0], $0xffff;
	v10 =	vor.u32 v15, v2  }
0x26c: {  	v11 =	vld.idx.msk [tilespmem:v13+s11+$0x0], $0xffff;
	v13 =	vor.u32 v15, v1;
	v15 =	vor.u32 $0x3E80, v0  }
0x26d: {  	v3 =	vadd.f32 v4, v3;
	v4 =	vmul.f32 v9, v7;
	v7 =	vld.idx.msk [tilespmem:v14+s12+$0x0], $0xffff;
	v9 =	vor.u32 v15, v2  }
0x26e: {  	v14 =	vor.u32 v15, v1;
	v15 =	vor.u32 $0x3F00, v0;
	v6 =	vld.idx.msk [tilespmem:v6+s11+$0x0], $0xffff  }
0x26f: {  	v3 =	vadd.f32 v4, v3;
	v4 =	vld.idx.msk [tilespmem:v12+s12+$0x0], $0xffff;
	v12 =	vor.u32 v15, v2  }
0x270: {  	v5 =	vmul.f32 v5, v8;
	v8 =	vld.idx.msk [tilespmem:v10+s11+$0x0], $0xffff;
	v10 =	vor.u32 v15, v1;
	v15 =	vor.u32 $0x3F80, v0  }
0x271: {  	v13 =	vld.idx.msk [tilespmem:v13+s12+$0x0], $0xffff;
	v2 =	vor.u32 v15, v2  }
0x272: {  	v1 =	vor.u32 v15, v1;
	v3 =	vadd.f32 v5, v3;
	v5 =	vmul.f32 v7, v11;
	v7 =	vld.idx.msk [tilespmem:v9+s11+$0x0], $0xffff  }
0x273: {  	v9 =	vld.idx.msk [tilespmem:v14+s12+$0x0], $0xffff  }
0x274: {  	v3 =	vadd.f32 v5, v3;
	v4 =	vmul.f32 v4, v6;
	v14 =	vld.idx.msk [tilespmem:v12+s11+$0x0], $0xffff  }
0x275: {  	v11 =	vld.idx.msk [tilespmem:v10+s12+$0x0], $0xffff  }
0x276: {  	v3 =	vadd.f32 v4, v3;
	v12 =	vmul.f32 v13, v8;
	v2 =	vld.idx.msk [tilespmem:v2+s11+$0x0], $0xffff  }
0x277: {  	v1 =	vld.idx.msk [tilespmem:v1+s12+$0x0], $0xffff  }
0x278: {  	v13 =	vmul.f32 v9, v7;
	v3 =	vadd.f32 v12, v3;
	_ =	sdelay $0x1  }
0x279: {  	s17 =	sadd.s32 $0x1, s17;
	v3 =	vadd.f32 v13, v3;
	v14 =	vmul.f32 v11, v14  }
0x27a: {  	p0 =	sne.s32 s17, $0x8  }
.Ltmp2:
0x27b: {  	v1 =	vmul.f32 v1, v2;
	v3 =	vadd.f32 v14, v3;
	(pc) =	sbr.rel @p0 .LBB2_2-.Ltmp2, $3  }
0x27c: {  	_ = 	snop  }
0x27d: {  	v1 =	vadd.f32 v1, v3;
	_ =	sdelay $0x1  }
0x27e: {  	s16 =	sadd.s32 $0x40, s16;
	s15 =	sadd.s32 $0x40, s15;
	[tilespmem:s18+$0x8530] =	vst v1  }
0x27f: {  	s14 =	sadd.s32 $0x1, s14  }
0x280: {  	p0 =	sne.s32 s14, s6  }
.Ltmp3:
0x281: {  	_ = 	snop;
	(pc) =	sbr.rel @p0 .LBB2_1-.Ltmp3, $4  }
0x282: {  	[hbm4b:s5+s2] =	stream.linear.scatter [tilespmem:s13], [sflag:$0x2], $0x200, $0x38;
	[tilespmem:$0x8700] =	vst v63  }
0x283: {  	_ =	swait.ge [sflag:s9], $0x200  }
0x284: {  	[sflag:s9] =	ssyncset.done $0x0  }
0x285: {  	[sflag:s9] =	ssyncadd.s32 $0xFFFFFE00  }
0x286: {  	_ =	sfence.sel $0x180000  }
0x287: {  	[bflag:$0x0] =	sbarrier.arrive $0xFFFF  }
0x288: {  	p0 =	sne.s32 s0, $0x0;
	_ =	strace $0x90000047  }
0x289: {  	s0 =	sadd.s32 @!p0 $0x100000, s1;
	[bflag:$0x2] =	sbarrier.arrive $0xFFFF  }
0x28a: {  	[sflag:s0] =	ssyncadd.tile.s32 @!p0 $0x1;
	_ =	shalt  }
.Lfunc_end2:
_tile_overlayer_lowered:
.L_overlay_start_2:
0x28b: {  	(tag) =	ssettag $0x2  }
0x28c: {  	s0 =	rddreg [dreg:$0x0];
	s2 =	stileid.u32  }
0x28d: {  	s1 =	rddreg [dreg:$0x1];
	p0 =	sne.s32 s2, $0x0  }
0x28e: {  	s3 =	rddreg [dreg:$0x2];
	[bflag:$0x3] =	sbarrier.arrive $0xFFFF;
	s2 =	simm.s32 @!p0 $0x1C02  }
0x28f: {  	[timem:s3], [sflag:s2] =	dma.local @!p0 [hbm:s0], s1  }
0x290: {  	s0 =	simm.s32 @!p0 $0x2  }
0x291: {  	_ =	swait.ge @!p0 [sflag:s0], s1  }
0x292: {  	s1 =	ssub.s32 @!p0 $0x0, s1;
	[sflag:s0] =	ssyncset.done @!p0 $0x0  }
0x293: {  	[sflag:s0] =	ssyncadd.s32 @!p0 s1  }
0x294: {  	[bflag:$0x3] =	sbarrier.arrive $0xFFFF  }
0x295: {  	_ =	shalt  }

</sc_bundles>
